<compile_context>
chip_gen: v7x
topology: tpu7x:2x2x1
jax: 0.10.2.dev20260603
libtpu: 0.0.44.dev20260713+nightly
codegen_flags: <defaults>
</compile_context>

<pallas_src>
import functools

import jax
import jax.numpy as jnp
from jax import lax
from jax.experimental import pallas as pl
from jax.experimental.pallas import tpu as pltpu
from jax.experimental.pallas import tpu_sc as plsc

N = 10000
D_IN = 128
D_H = 16

NC = 2
NS = 16
NW = NC * NS
CHUNK = 512
D_2 = 8
NP = 10112
RPT = NP // NS

_mesh = plsc.VectorSubcoreMesh(core_axis_name="c", subcore_axis_name="s")


def _tile_chunks(wid, nch):
  base = nch // NW
  rem = nch - base * NW
  extra = jnp.maximum(wid - (NW - rem), 0)
  start = base * wid + extra
  num = base + jnp.where(wid >= NW - rem, 1, 0)
  return start, num


def _make_deg_kernel(nch, chmax):
  @functools.partial(
      pl.kernel,
      out_type=jax.ShapeDtypeStruct((NC, NP, D_2), jnp.float32),
      mesh=_mesh,
      compiler_params=pltpu.CompilerParams(use_tc_tiling_on_sc=False),
      scratch_types=[
          pltpu.VMEM((chmax, CHUNK), jnp.int32),
          pltpu.VMEM((chmax, CHUNK), jnp.int32),
          pltpu.VMEM((CHUNK, D_2), jnp.float32),
          pltpu.VMEM((CHUNK, D_2), jnp.float32),
          pltpu.VMEM_SHARED((NP, D_2), jnp.float32),
          pltpu.SemaphoreType.DMA,
      ],
  )
  def deg_kernel(src_hbm, dst_hbm, esrc_hbm, edst_hbm, zrow_hbm, out_hbm,
                 src_v, dst_v, esrc_v, edst_v, deg_sh, sem):
    c = lax.axis_index("c")
    s = lax.axis_index("s")
    wid = s * NC + c
    srow = s * RPT
    start, num = _tile_chunks(wid, nch)

    pltpu.sync_copy(src_hbm.at[pl.ds(start, chmax)], src_v)
    pltpu.sync_copy(dst_hbm.at[pl.ds(start, chmax)], dst_v)
    pltpu.sync_copy(esrc_hbm, esrc_v)
    pltpu.sync_copy(edst_hbm, edst_v)
    pltpu.sync_copy(zrow_hbm.at[pl.ds(srow, RPT)], deg_sh.at[pl.ds(srow, RPT)])
    plsc.subcore_barrier()

    pltpu.async_copy(esrc_v, deg_sh.at[src_v.at[0]], sem, add=True)
    pltpu.async_copy(edst_v, deg_sh.at[dst_v.at[0]], sem, add=True)

    def body(j, carry):
      @pl.when(j < num)
      def _():
        pltpu.async_copy(esrc_v, deg_sh.at[src_v.at[j]], sem, add=True)
        pltpu.make_async_copy(esrc_v, deg_sh.at[src_v.at[j]], sem).wait()
        pltpu.async_copy(edst_v, deg_sh.at[dst_v.at[j]], sem, add=True)
        pltpu.make_async_copy(edst_v, deg_sh.at[dst_v.at[j]], sem).wait()

      return carry

    lax.fori_loop(1, chmax, body, 0, unroll=False)
    pltpu.make_async_copy(esrc_v, deg_sh.at[src_v.at[0]], sem).wait()
    pltpu.make_async_copy(edst_v, deg_sh.at[dst_v.at[0]], sem).wait()
    plsc.subcore_barrier()

    pltpu.sync_copy(deg_sh.at[pl.ds(srow, RPT)], out_hbm.at[c, pl.ds(srow, RPT)])

  return deg_kernel


def _make_agg_kernel(nch, chmax, D):
  @functools.partial(
      pl.kernel,
      out_type=jax.ShapeDtypeStruct((NC, NP, D), jnp.float32),
      mesh=_mesh,
      compiler_params=pltpu.CompilerParams(use_tc_tiling_on_sc=False),
      scratch_types=[
          pltpu.VMEM((chmax, CHUNK), jnp.int32),
          pltpu.VMEM((chmax, CHUNK), jnp.int32),
          pltpu.VMEM((CHUNK, D), jnp.float32),
          pltpu.VMEM((CHUNK, D), jnp.float32),
          pltpu.VMEM_SHARED((NP, D), jnp.float32),
          pltpu.SemaphoreType.DMA,
          pltpu.SemaphoreType.DMA,
      ],
  )
  def agg_kernel(src_hbm, dst_hbm, table_hbm, zrows_hbm, out_hbm,
                 src_v, dst_v, buf0, buf1, agg_sh, sem0, sem1):
    c = lax.axis_index("c")
    s = lax.axis_index("s")
    wid = s * NC + c
    srow = s * RPT
    start, num = _tile_chunks(wid, nch)

    pltpu.sync_copy(src_hbm.at[pl.ds(start, chmax)], src_v)
    pltpu.sync_copy(dst_hbm.at[pl.ds(start, chmax)], dst_v)
    pltpu.sync_copy(zrows_hbm.at[pl.ds(srow, RPT)], agg_sh.at[pl.ds(srow, RPT)])
    plsc.subcore_barrier()

    pltpu.async_copy(table_hbm.at[src_v.at[0]], buf0, sem0)

    def body(g, carry):
      j = 2 * g

      @pl.when(j + 1 < num)
      def _():
        pltpu.async_copy(table_hbm.at[src_v.at[j + 1]], buf1, sem1)

      pltpu.make_async_copy(table_hbm.at[src_v.at[j]], buf0, sem0).wait()
      pltpu.sync_copy(buf0, agg_sh.at[dst_v.at[j]], add=True)

      @pl.when(j + 2 < num)
      def _():
        pltpu.async_copy(table_hbm.at[src_v.at[j + 2]], buf0, sem0)

      @pl.when(j + 1 < num)
      def _():
        pltpu.make_async_copy(table_hbm.at[src_v.at[j + 1]], buf1, sem1).wait()
        pltpu.sync_copy(buf1, agg_sh.at[dst_v.at[j + 1]], add=True)

      return carry

    lax.fori_loop(0, (chmax + 1) // 2, body, 0, unroll=False)
    plsc.subcore_barrier()

    pltpu.sync_copy(agg_sh.at[pl.ds(srow, RPT)], out_hbm.at[c, pl.ds(srow, RPT)])

  return agg_kernel


def _norms(deg_ref):
  dout = deg_ref[0, 0:N, 0:1] + deg_ref[1, 0:N, 0:1]
  din = deg_ref[0, 0:N, 1:2] + deg_ref[1, 0:N, 1:2]
  ns = lax.rsqrt(jnp.maximum(dout, 1.0))
  nd = lax.rsqrt(jnp.maximum(din, 1.0))
  return ns, nd


def _mm1_body(x_ref, w1_ref, deg_ref, o_ref):
  ns, _ = _norms(deg_ref)
  h = jnp.dot(x_ref[...], w1_ref[...], preferred_element_type=jnp.float32)
  o_ref[...] = h * ns


def _mid_body(agg_ref, deg_ref, b1_ref, w2p_ref, o_ref):
  a = agg_ref[0, 0:N] + agg_ref[1, 0:N]
  ns, nd = _norms(deg_ref)
  h = jnp.maximum(a * nd + b1_ref[...][None, :], 0.0)
  o_ref[...] = jnp.dot(h, w2p_ref[...], preferred_element_type=jnp.float32) * ns


def _fin_body(agg_ref, deg_ref, b2_ref, o_ref):
  a = agg_ref[0, 0:N, 0:2] + agg_ref[1, 0:N, 0:2]
  _, nd = _norms(deg_ref)
  z = a * nd + b2_ref[...][None, :]
  l0 = z[:, 0:1]
  l1 = z[:, 1:2]
  m = jnp.maximum(l0, l1)
  lse = m + jnp.log(jnp.exp(l0 - m) + jnp.exp(l1 - m))
  o_ref[...] = z - lse


def _tc_call(body, out_shape, *args):
  return pl.pallas_call(
      body, out_shape=jax.ShapeDtypeStruct(out_shape, jnp.float32))(*args)


@jax.jit
def kernel(inputs, edge_index, W1, b1, W2, b2):
  E = edge_index.shape[1]
  assert E % CHUNK == 0
  nch = E // CHUNK
  chmax = nch // NW + (1 if nch % NW else 0)

  src_chunks = edge_index[0].astype(jnp.int32).reshape(nch, CHUNK)
  dst_chunks = edge_index[1].astype(jnp.int32).reshape(nch, CHUNK)

  w2p = jnp.pad(W2, ((0, 0), (0, D_2 - W2.shape[1])))
  col = jnp.arange(D_2)[None, :]
  e_src = jnp.where(col == 0, 1.0, 0.0).astype(jnp.float32) * jnp.ones((CHUNK, 1), jnp.float32)
  e_dst = jnp.where(col == 1, 1.0, 0.0).astype(jnp.float32) * jnp.ones((CHUNK, 1), jnp.float32)
  zrows16 = jnp.zeros((NP, D_H), jnp.float32)
  zrows8 = jnp.zeros((NP, D_2), jnp.float32)

  deg = _make_deg_kernel(nch, chmax)(src_chunks, dst_chunks, e_src, e_dst, zrows8)

  h1s = _tc_call(_mm1_body, (N, D_H), inputs, W1, deg)
  agg1 = _make_agg_kernel(nch, chmax, D_H)(src_chunks, dst_chunks, h1s, zrows16)
  h2s = _tc_call(_mid_body, (N, D_2), agg1, deg, b1, w2p)
  agg2 = _make_agg_kernel(nch, chmax, D_2)(src_chunks, dst_chunks, h2s, zrows8)
  return _tc_call(_fin_body, (N, 2), agg2, deg, b2)

# --- scband reference (transcript-rebuilt; emitter-appended) ---
"""Pipeline reference for scband-gnn-77421080477944 (READ-ONLY COPY).

The authoritative reference and input builder live on the scoring server;
editing this copy changes nothing except your own understanding.
"""

import jax, jax.numpy as jnp
import numpy as np

N = 10000
E = 320000
D_IN = 128
D_H = 16
D_OUT = 2


def setup_inputs(seed: int = 0) -> dict:
    key = jax.random.key(seed)
    k1, k2, k3, k4, k5, k6 = jax.random.split(key, 6)
    inputs = jax.random.normal(k1, (N, D_IN), dtype=jnp.float32)
    edge_index = jax.random.randint(k2, (2, E), 0, N)
    W1 = jax.random.normal(k3, (D_IN, D_H), dtype=jnp.float32) * 0.05
    b1 = jnp.zeros((D_H,), dtype=jnp.float32)
    W2 = jax.random.normal(k4, (D_H, D_OUT), dtype=jnp.float32) * 0.05
    b2 = jnp.zeros((D_OUT,), dtype=jnp.float32)
    return {"inputs": inputs, "edge_index": edge_index, "W1": W1, "b1": b1, "W2": W2, "b2": b2}


def _graph_conv(x, edge_index, W, b):
    # DGL GraphConv with norm='both': h = D_in^{-1/2} A D_out^{-1/2} (x W) + b
    n = x.shape[0]
    src = edge_index[0]
    dst = edge_index[1]
    ones = jnp.ones((edge_index.shape[1],), dtype=x.dtype)
    deg_out = jnp.zeros((n,), dtype=x.dtype).at[src].add(ones)
    deg_in = jnp.zeros((n,), dtype=x.dtype).at[dst].add(ones)
    norm_src = 1.0 / jnp.sqrt(jnp.maximum(deg_out, 1.0))
    norm_dst = 1.0 / jnp.sqrt(jnp.maximum(deg_in, 1.0))
    h = x @ W
    h = h * norm_src[:, None]
    msgs = jnp.take(h, src, axis=0)
    agg = jnp.zeros((n, h.shape[1]), dtype=h.dtype).at[dst].add(msgs)
    return agg * norm_dst[:, None] + b


def reference(inputs, edge_index, W1, b1, W2, b2):
    h = _graph_conv(inputs, edge_index, W1, b1)
    h = jax.nn.relu(h)
    # dropout is identity in eval mode (deterministic reference)
    h = _graph_conv(h, edge_index, W2, b2)
    return jax.nn.log_softmax(h, axis=1)

if __name__ == "__main__":
    import jax
    _d = setup_inputs()
    print(jax.jit(kernel)(*tuple(_d.values())))

</pallas_src>

<mosaic_0001>
#map = affine_map<(d0, d1) -> (0, 0)>
#map1 = affine_map<(d0, d1) -> (0, 0, 0)>
module attributes {stable_mosaic.version = 14 : i64} {
  func.func @agg_kernel(%arg0: i32, %arg1: i32, %arg2: memref<625x512xi32, #tpu.memory_space<hbm>>, %arg3: memref<625x512xi32, #tpu.memory_space<hbm>>, %arg4: memref<10000x16xf32, #tpu.memory_space<hbm>>, %arg5: memref<10112x16xf32, #tpu.memory_space<hbm>>, %arg6: memref<2x10112x16xf32, #tpu.memory_space<hbm>>, %arg7: memref<20x512xi32, #tpu.memory_space<vmem>>, %arg8: memref<20x512xi32, #tpu.memory_space<vmem>>, %arg9: memref<512x16xf32, #tpu.memory_space<vmem>>, %arg10: memref<512x16xf32, #tpu.memory_space<vmem>>, %arg11: memref<10112x16xf32, #tpu.memory_space<vmem_shared>>, %arg12: memref<!tpu.dma_semaphore, #tpu.memory_space<semaphore_mem>>, %arg13: memref<!tpu.dma_semaphore, #tpu.memory_space<semaphore_mem>>) attributes {dimension_semantics = [#tpu.dimension_semantics<core_parallel>, #tpu.dimension_semantics<subcore_parallel>], iteration_bounds = array<i64: 2, 16>, scalar_prefetch = 0 : i64, scratch_operands = 7 : i64, tpu.core_type = #tpu.core_type<sc_vector_subcore>, window_params = [{transform_indices = #map}, {transform_indices = #map}, {transform_indices = #map}, {transform_indices = #map}, {transform_indices = #map1}]} {
    %mul3A = arith.constant 2 : i32
    %mul3A_0 = arith.muli %arg1, %mul3A : i32
    %add3A = arith.addi %mul3A_0, %arg0 : i32
    %mul3A_1 = arith.constant 632 : i32
    %mul3A_2 = arith.muli %arg1, %mul3A_1 : i32
    %sub3A = arith.constant 15 : i32
    %sub3A_3 = arith.subi %add3A, %sub3A : i32
    %max3A = arith.constant 0 : i32
    %max3A_4 = arith.maxsi %sub3A_3, %max3A : i32
    %mul3A_5 = arith.constant 19 : i32
    %mul3A_6 = arith.muli %mul3A_5, %add3A : i32
    %add3A_7 = arith.addi %mul3A_6, %max3A_4 : i32
    %ge3A = arith.constant 15 : i32
    %ge3A_8 = arith.cmpi sge, %add3A, %ge3A : i32
    %jit3A = arith.constant 1 : i32
    %jit3A_9 = arith.constant 0 : i32
    %select_n3A = arith.select %ge3A_8, %jit3A, %jit3A_9 : i32
    %add3A_10 = arith.constant 19 : i32
    %add3A_11 = arith.addi %add3A_10, %select_n3A : i32
    "tpu.region"() ({
      %run_scoped3A = tpu.sem_alloc : memref<!tpu.dma_semaphore, #tpu.memory_space<semaphore_mem>>
      %dma_start3A_24 = arith.constant 0 : i32
      %dma_start3A_25 = tpu.memref_slice %arg2[%add3A_7, %dma_start3A_24] : memref<625x512xi32, #tpu.memory_space<hbm>> -> memref<20x512xi32, #tpu.memory_space<hbm>>
      %dma_start3A_26 = arith.constant 0 : i32
      %dma_start3A_27 = tpu.memref_slice %arg2[%add3A_7, %dma_start3A_26] : memref<625x512xi32, #tpu.memory_space<hbm>> -> memref<20x512xi32, #tpu.memory_space<hbm>>
      tpu.enqueue_dma source(%dma_start3A_27 : memref<20x512xi32, #tpu.memory_space<hbm>>) target(%arg7 : memref<20x512xi32, #tpu.memory_space<vmem>>) target_semaphore(%run_scoped3A : memref<!tpu.dma_semaphore, #tpu.memory_space<semaphore_mem>>)
      %dma_wait3A = arith.constant 0 : i32
      %dma_wait3A_28 = tpu.memref_slice %arg2[%add3A_7, %dma_wait3A] : memref<625x512xi32, #tpu.memory_space<hbm>> -> memref<20x512xi32, #tpu.memory_space<hbm>>
      %dma_wait3A_29 = arith.constant 0 : i32
      %dma_wait3A_30 = tpu.memref_slice %arg2[%add3A_7, %dma_wait3A_29] : memref<625x512xi32, #tpu.memory_space<hbm>> -> memref<20x512xi32, #tpu.memory_space<hbm>>
      tpu.wait_dma2 semaphore(%run_scoped3A : memref<!tpu.dma_semaphore, #tpu.memory_space<semaphore_mem>>) src(%dma_wait3A_30 : memref<20x512xi32, #tpu.memory_space<hbm>>) dst(%arg7 : memref<20x512xi32, #tpu.memory_space<vmem>>)
      tpu.yield
    }) : () -> ()
    "tpu.region"() ({
      %run_scoped3A = tpu.sem_alloc : memref<!tpu.dma_semaphore, #tpu.memory_space<semaphore_mem>>
      %dma_start3A_24 = arith.constant 0 : i32
      %dma_start3A_25 = tpu.memref_slice %arg3[%add3A_7, %dma_start3A_24] : memref<625x512xi32, #tpu.memory_space<hbm>> -> memref<20x512xi32, #tpu.memory_space<hbm>>
      %dma_start3A_26 = arith.constant 0 : i32
      %dma_start3A_27 = tpu.memref_slice %arg3[%add3A_7, %dma_start3A_26] : memref<625x512xi32, #tpu.memory_space<hbm>> -> memref<20x512xi32, #tpu.memory_space<hbm>>
      tpu.enqueue_dma source(%dma_start3A_27 : memref<20x512xi32, #tpu.memory_space<hbm>>) target(%arg8 : memref<20x512xi32, #tpu.memory_space<vmem>>) target_semaphore(%run_scoped3A : memref<!tpu.dma_semaphore, #tpu.memory_space<semaphore_mem>>)
      %dma_wait3A = arith.constant 0 : i32
      %dma_wait3A_28 = tpu.memref_slice %arg3[%add3A_7, %dma_wait3A] : memref<625x512xi32, #tpu.memory_space<hbm>> -> memref<20x512xi32, #tpu.memory_space<hbm>>
      %dma_wait3A_29 = arith.constant 0 : i32
      %dma_wait3A_30 = tpu.memref_slice %arg3[%add3A_7, %dma_wait3A_29] : memref<625x512xi32, #tpu.memory_space<hbm>> -> memref<20x512xi32, #tpu.memory_space<hbm>>
      tpu.wait_dma2 semaphore(%run_scoped3A : memref<!tpu.dma_semaphore, #tpu.memory_space<semaphore_mem>>) src(%dma_wait3A_30 : memref<20x512xi32, #tpu.memory_space<hbm>>) dst(%arg8 : memref<20x512xi32, #tpu.memory_space<vmem>>)
      tpu.yield
    }) : () -> ()
    "tpu.region"() ({
      %run_scoped3A = tpu.sem_alloc : memref<!tpu.dma_semaphore, #tpu.memory_space<semaphore_mem>>
      %dma_start3A_24 = arith.constant 0 : i32
      %dma_start3A_25 = tpu.memref_slice %arg11[%mul3A_2, %dma_start3A_24] : memref<10112x16xf32, #tpu.memory_space<vmem_shared>> -> memref<632x16xf32, #tpu.memory_space<vmem_shared>>
      %dma_start3A_26 = arith.constant 0 : i32
      %dma_start3A_27 = tpu.memref_slice %arg5[%mul3A_2, %dma_start3A_26] : memref<10112x16xf32, #tpu.memory_space<hbm>> -> memref<632x16xf32, #tpu.memory_space<hbm>>
      tpu.enqueue_dma source(%dma_start3A_27 : memref<632x16xf32, #tpu.memory_space<hbm>>) target(%dma_start3A_25 : memref<632x16xf32, #tpu.memory_space<vmem_shared>>) target_semaphore(%run_scoped3A : memref<!tpu.dma_semaphore, #tpu.memory_space<semaphore_mem>>)
      %dma_wait3A = arith.constant 0 : i32
      %dma_wait3A_28 = tpu.memref_slice %arg11[%mul3A_2, %dma_wait3A] : memref<10112x16xf32, #tpu.memory_space<vmem_shared>> -> memref<632x16xf32, #tpu.memory_space<vmem_shared>>
      %dma_wait3A_29 = arith.constant 0 : i32
      %dma_wait3A_30 = tpu.memref_slice %arg5[%mul3A_2, %dma_wait3A_29] : memref<10112x16xf32, #tpu.memory_space<hbm>> -> memref<632x16xf32, #tpu.memory_space<hbm>>
      tpu.wait_dma2 semaphore(%run_scoped3A : memref<!tpu.dma_semaphore, #tpu.memory_space<semaphore_mem>>) src(%dma_wait3A_30 : memref<632x16xf32, #tpu.memory_space<hbm>>) dst(%dma_wait3A_28 : memref<632x16xf32, #tpu.memory_space<vmem_shared>>)
      tpu.yield
    }) : () -> ()
    %barrier3A = arith.constant 0 : index
    tpu.barrier barrier_id(%barrier3A)
    %dma_start3A = arith.constant 0 : i32
    %dma_start3A_12 = arith.constant 0 : i32
    %dma_start3A_13 = tpu.memref_slice %arg7[%dma_start3A, %dma_start3A_12] : memref<20x512xi32, #tpu.memory_space<vmem>> -> memref<1x512xi32, #tpu.memory_space<vmem>>
    %dma_start3A_14 = tpu.memref_squeeze %dma_start3A_13 : memref<1x512xi32, #tpu.memory_space<vmem>> -> memref<512xi32, #tpu.memory_space<vmem>>
    %dma_start3A_15 = arith.constant 0 : i32
    %dma_start3A_16 = arith.constant 0 : i32
    %dma_start3A_17 = tpu.memref_slice %arg4[%dma_start3A_15, %dma_start3A_16] : memref<10000x16xf32, #tpu.memory_space<hbm>> -> memref<10000x16xf32, #tpu.memory_space<hbm>>
    tpu.enqueue_indirect_dma source(%dma_start3A_17 : memref<10000x16xf32, #tpu.memory_space<hbm>>) target(%arg9 : memref<512x16xf32, #tpu.memory_space<vmem>>) offsets(%dma_start3A_14 : memref<512xi32, #tpu.memory_space<vmem>>) semaphore(%arg12 : memref<!tpu.dma_semaphore, #tpu.memory_space<semaphore_mem>>)
    %scan3A = arith.constant 0 : i32
    %scan3A_18 = arith.constant 0 : i32
    %scan3A_19 = arith.constant 10 : i32
    %scan3A_20 = arith.addi %scan3A_18, %scan3A_19 : i32
    %scan3A_21 = arith.constant 1 : i32
    scf.for %scan3A_24 = %scan3A_18 to %scan3A_20 step %scan3A_21  : i32 {
      %mul3A_25 = arith.constant 2 : i32
      %mul3A_26 = arith.muli %mul3A_25, %scan3A_24 : i32
      %add3A_27 = arith.constant 1 : i32
      %add3A_28 = arith.addi %mul3A_26, %add3A_27 : i32
      %lt3A = arith.cmpi slt, %add3A_28, %add3A_11 : i32
      %convert_element_type3A = arith.extui %lt3A : i1 to i32
      %cond3A = arith.constant 0 : i32
      %cond3A_29 = arith.cmpi ne, %convert_element_type3A, %cond3A : i32
      scf.if %cond3A_29 {
        %add3A_47 = arith.constant 1 : i32
        %add3A_48 = arith.addi %mul3A_26, %add3A_47 : i32
        %dma_start3A_49 = arith.constant 0 : i32
        %dma_start3A_50 = tpu.memref_slice %arg7[%add3A_48, %dma_start3A_49] : memref<20x512xi32, #tpu.memory_space<vmem>> -> memref<1x512xi32, #tpu.memory_space<vmem>>
        %dma_start3A_51 = tpu.memref_squeeze %dma_start3A_50 : memref<1x512xi32, #tpu.memory_space<vmem>> -> memref<512xi32, #tpu.memory_space<vmem>>
        %dma_start3A_52 = arith.constant 0 : i32
        %dma_start3A_53 = arith.constant 0 : i32
        %dma_start3A_54 = tpu.memref_slice %arg4[%dma_start3A_52, %dma_start3A_53] : memref<10000x16xf32, #tpu.memory_space<hbm>> -> memref<10000x16xf32, #tpu.memory_space<hbm>>
        tpu.enqueue_indirect_dma source(%dma_start3A_54 : memref<10000x16xf32, #tpu.memory_space<hbm>>) target(%arg10 : memref<512x16xf32, #tpu.memory_space<vmem>>) offsets(%dma_start3A_51 : memref<512xi32, #tpu.memory_space<vmem>>) semaphore(%arg13 : memref<!tpu.dma_semaphore, #tpu.memory_space<semaphore_mem>>)
      } else {
      }
      %dma_wait3A = arith.constant 0 : i32
      %dma_wait3A_30 = tpu.memref_slice %arg7[%mul3A_26, %dma_wait3A] : memref<20x512xi32, #tpu.memory_space<vmem>> -> memref<1x512xi32, #tpu.memory_space<vmem>>
      %dma_wait3A_31 = tpu.memref_squeeze %dma_wait3A_30 : memref<1x512xi32, #tpu.memory_space<vmem>> -> memref<512xi32, #tpu.memory_space<vmem>>
      %dma_wait3A_32 = arith.constant 0 : i32
      %dma_wait3A_33 = arith.constant 0 : i32
      %dma_wait3A_34 = tpu.memref_slice %arg4[%dma_wait3A_32, %dma_wait3A_33] : memref<10000x16xf32, #tpu.memory_space<hbm>> -> memref<10000x16xf32, #tpu.memory_space<hbm>>
      tpu.wait_indirect_dma semaphore(%arg12 : memref<!tpu.dma_semaphore, #tpu.memory_space<semaphore_mem>>) src(%dma_wait3A_34 : memref<10000x16xf32, #tpu.memory_space<hbm>>) dst(%arg9 : memref<512x16xf32, #tpu.memory_space<vmem>>)
      "tpu.region"() ({
        %run_scoped3A = tpu.sem_alloc : memref<!tpu.dma_semaphore, #tpu.memory_space<semaphore_mem>>
        %dma_start3A_47 = arith.constant 0 : i32
        %dma_start3A_48 = tpu.memref_slice %arg8[%mul3A_26, %dma_start3A_47] : memref<20x512xi32, #tpu.memory_space<vmem>> -> memref<1x512xi32, #tpu.memory_space<vmem>>
        %dma_start3A_49 = tpu.memref_squeeze %dma_start3A_48 : memref<1x512xi32, #tpu.memory_space<vmem>> -> memref<512xi32, #tpu.memory_space<vmem>>
        %dma_start3A_50 = arith.constant 0 : i32
        %dma_start3A_51 = arith.constant 0 : i32
        %dma_start3A_52 = tpu.memref_slice %arg11[%dma_start3A_50, %dma_start3A_51] : memref<10112x16xf32, #tpu.memory_space<vmem_shared>> -> memref<10112x16xf32, #tpu.memory_space<vmem_shared>>
        tpu.enqueue_indirect_dma source(%arg9 : memref<512x16xf32, #tpu.memory_space<vmem>>) target(%dma_start3A_52 : memref<10112x16xf32, #tpu.memory_space<vmem_shared>>) offsets(%dma_start3A_49 : memref<512xi32, #tpu.memory_space<vmem>>) semaphore(%run_scoped3A : memref<!tpu.dma_semaphore, #tpu.memory_space<semaphore_mem>>) {add = true}
        %dma_wait3A_53 = arith.constant 0 : i32
        %dma_wait3A_54 = tpu.memref_slice %arg8[%mul3A_26, %dma_wait3A_53] : memref<20x512xi32, #tpu.memory_space<vmem>> -> memref<1x512xi32, #tpu.memory_space<vmem>>
        %dma_wait3A_55 = tpu.memref_squeeze %dma_wait3A_54 : memref<1x512xi32, #tpu.memory_space<vmem>> -> memref<512xi32, #tpu.memory_space<vmem>>
        %dma_wait3A_56 = arith.constant 0 : i32
        %dma_wait3A_57 = arith.constant 0 : i32
        %dma_wait3A_58 = tpu.memref_slice %arg11[%dma_wait3A_56, %dma_wait3A_57] : memref<10112x16xf32, #tpu.memory_space<vmem_shared>> -> memref<10112x16xf32, #tpu.memory_space<vmem_shared>>
        tpu.wait_indirect_dma semaphore(%run_scoped3A : memref<!tpu.dma_semaphore, #tpu.memory_space<semaphore_mem>>) src(%arg9 : memref<512x16xf32, #tpu.memory_space<vmem>>) dst(%dma_wait3A_58 : memref<10112x16xf32, #tpu.memory_space<vmem_shared>>)
        tpu.yield
      }) : () -> ()
      %add3A_35 = arith.constant 2 : i32
      %add3A_36 = arith.addi %mul3A_26, %add3A_35 : i32
      %lt3A_37 = arith.cmpi slt, %add3A_36, %add3A_11 : i32
      %convert_element_type3A_38 = arith.extui %lt3A_37 : i1 to i32
      %cond3A_39 = arith.constant 0 : i32
      %cond3A_40 = arith.cmpi ne, %convert_element_type3A_38, %cond3A_39 : i32
      scf.if %cond3A_40 {
        %add3A_47 = arith.constant 2 : i32
        %add3A_48 = arith.addi %mul3A_26, %add3A_47 : i32
        %dma_start3A_49 = arith.constant 0 : i32
        %dma_start3A_50 = tpu.memref_slice %arg7[%add3A_48, %dma_start3A_49] : memref<20x512xi32, #tpu.memory_space<vmem>> -> memref<1x512xi32, #tpu.memory_space<vmem>>
        %dma_start3A_51 = tpu.memref_squeeze %dma_start3A_50 : memref<1x512xi32, #tpu.memory_space<vmem>> -> memref<512xi32, #tpu.memory_space<vmem>>
        %dma_start3A_52 = arith.constant 0 : i32
        %dma_start3A_53 = arith.constant 0 : i32
        %dma_start3A_54 = tpu.memref_slice %arg4[%dma_start3A_52, %dma_start3A_53] : memref<10000x16xf32, #tpu.memory_space<hbm>> -> memref<10000x16xf32, #tpu.memory_space<hbm>>
        tpu.enqueue_indirect_dma source(%dma_start3A_54 : memref<10000x16xf32, #tpu.memory_space<hbm>>) target(%arg9 : memref<512x16xf32, #tpu.memory_space<vmem>>) offsets(%dma_start3A_51 : memref<512xi32, #tpu.memory_space<vmem>>) semaphore(%arg12 : memref<!tpu.dma_semaphore, #tpu.memory_space<semaphore_mem>>)
      } else {
      }
      %add3A_41 = arith.constant 1 : i32
      %add3A_42 = arith.addi %mul3A_26, %add3A_41 : i32
      %lt3A_43 = arith.cmpi slt, %add3A_42, %add3A_11 : i32
      %convert_element_type3A_44 = arith.extui %lt3A_43 : i1 to i32
      %cond3A_45 = arith.constant 0 : i32
      %cond3A_46 = arith.cmpi ne, %convert_element_type3A_44, %cond3A_45 : i32
      scf.if %cond3A_46 {
        %add3A_47 = arith.constant 1 : i32
        %add3A_48 = arith.addi %mul3A_26, %add3A_47 : i32
        %dma_wait3A_49 = arith.constant 0 : i32
        %dma_wait3A_50 = tpu.memref_slice %arg7[%add3A_48, %dma_wait3A_49] : memref<20x512xi32, #tpu.memory_space<vmem>> -> memref<1x512xi32, #tpu.memory_space<vmem>>
        %dma_wait3A_51 = tpu.memref_squeeze %dma_wait3A_50 : memref<1x512xi32, #tpu.memory_space<vmem>> -> memref<512xi32, #tpu.memory_space<vmem>>
        %dma_wait3A_52 = arith.constant 0 : i32
        %dma_wait3A_53 = arith.constant 0 : i32
        %dma_wait3A_54 = tpu.memref_slice %arg4[%dma_wait3A_52, %dma_wait3A_53] : memref<10000x16xf32, #tpu.memory_space<hbm>> -> memref<10000x16xf32, #tpu.memory_space<hbm>>
        tpu.wait_indirect_dma semaphore(%arg13 : memref<!tpu.dma_semaphore, #tpu.memory_space<semaphore_mem>>) src(%dma_wait3A_54 : memref<10000x16xf32, #tpu.memory_space<hbm>>) dst(%arg10 : memref<512x16xf32, #tpu.memory_space<vmem>>)
        %add3A_55 = arith.constant 1 : i32
        %add3A_56 = arith.addi %mul3A_26, %add3A_55 : i32
        "tpu.region"() ({
          %run_scoped3A = tpu.sem_alloc : memref<!tpu.dma_semaphore, #tpu.memory_space<semaphore_mem>>
          %dma_start3A_57 = arith.constant 0 : i32
          %dma_start3A_58 = tpu.memref_slice %arg8[%add3A_56, %dma_start3A_57] : memref<20x512xi32, #tpu.memory_space<vmem>> -> memref<1x512xi32, #tpu.memory_space<vmem>>
          %dma_start3A_59 = tpu.memref_squeeze %dma_start3A_58 : memref<1x512xi32, #tpu.memory_space<vmem>> -> memref<512xi32, #tpu.memory_space<vmem>>
          %dma_start3A_60 = arith.constant 0 : i32
          %dma_start3A_61 = arith.constant 0 : i32
          %dma_start3A_62 = tpu.memref_slice %arg11[%dma_start3A_60, %dma_start3A_61] : memref<10112x16xf32, #tpu.memory_space<vmem_shared>> -> memref<10112x16xf32, #tpu.memory_space<vmem_shared>>
          tpu.enqueue_indirect_dma source(%arg10 : memref<512x16xf32, #tpu.memory_space<vmem>>) target(%dma_start3A_62 : memref<10112x16xf32, #tpu.memory_space<vmem_shared>>) offsets(%dma_start3A_59 : memref<512xi32, #tpu.memory_space<vmem>>) semaphore(%run_scoped3A : memref<!tpu.dma_semaphore, #tpu.memory_space<semaphore_mem>>) {add = true}
          %dma_wait3A_63 = arith.constant 0 : i32
          %dma_wait3A_64 = tpu.memref_slice %arg8[%add3A_56, %dma_wait3A_63] : memref<20x512xi32, #tpu.memory_space<vmem>> -> memref<1x512xi32, #tpu.memory_space<vmem>>
          %dma_wait3A_65 = tpu.memref_squeeze %dma_wait3A_64 : memref<1x512xi32, #tpu.memory_space<vmem>> -> memref<512xi32, #tpu.memory_space<vmem>>
          %dma_wait3A_66 = arith.constant 0 : i32
          %dma_wait3A_67 = arith.constant 0 : i32
          %dma_wait3A_68 = tpu.memref_slice %arg11[%dma_wait3A_66, %dma_wait3A_67] : memref<10112x16xf32, #tpu.memory_space<vmem_shared>> -> memref<10112x16xf32, #tpu.memory_space<vmem_shared>>
          tpu.wait_indirect_dma semaphore(%run_scoped3A : memref<!tpu.dma_semaphore, #tpu.memory_space<semaphore_mem>>) src(%arg10 : memref<512x16xf32, #tpu.memory_space<vmem>>) dst(%dma_wait3A_68 : memref<10112x16xf32, #tpu.memory_space<vmem_shared>>)
          tpu.yield
        }) : () -> ()
      } else {
      }
    }
    %scan3A_22 = arith.constant 10 : i32
    %barrier3A_23 = arith.constant 0 : index
    tpu.barrier barrier_id(%barrier3A_23)
    "tpu.region"() ({
      %run_scoped3A = tpu.sem_alloc : memref<!tpu.dma_semaphore, #tpu.memory_space<semaphore_mem>>
      %dma_start3A_24 = arith.constant 0 : i32
      %dma_start3A_25 = tpu.memref_slice %arg6[%arg0, %mul3A_2, %dma_start3A_24] : memref<2x10112x16xf32, #tpu.memory_space<hbm>> -> memref<1x632x16xf32, #tpu.memory_space<hbm>>
      %dma_start3A_26 = tpu.memref_squeeze %dma_start3A_25 : memref<1x632x16xf32, #tpu.memory_space<hbm>> -> memref<632x16xf32, #tpu.memory_space<hbm>>
      %dma_start3A_27 = arith.constant 0 : i32
      %dma_start3A_28 = tpu.memref_slice %arg11[%mul3A_2, %dma_start3A_27] : memref<10112x16xf32, #tpu.memory_space<vmem_shared>> -> memref<632x16xf32, #tpu.memory_space<vmem_shared>>
      tpu.enqueue_dma source(%dma_start3A_28 : memref<632x16xf32, #tpu.memory_space<vmem_shared>>) target(%dma_start3A_26 : memref<632x16xf32, #tpu.memory_space<hbm>>) target_semaphore(%run_scoped3A : memref<!tpu.dma_semaphore, #tpu.memory_space<semaphore_mem>>)
      %dma_wait3A = arith.constant 0 : i32
      %dma_wait3A_29 = tpu.memref_slice %arg6[%arg0, %mul3A_2, %dma_wait3A] : memref<2x10112x16xf32, #tpu.memory_space<hbm>> -> memref<1x632x16xf32, #tpu.memory_space<hbm>>
      %dma_wait3A_30 = tpu.memref_squeeze %dma_wait3A_29 : memref<1x632x16xf32, #tpu.memory_space<hbm>> -> memref<632x16xf32, #tpu.memory_space<hbm>>
      %dma_wait3A_31 = arith.constant 0 : i32
      %dma_wait3A_32 = tpu.memref_slice %arg11[%mul3A_2, %dma_wait3A_31] : memref<10112x16xf32, #tpu.memory_space<vmem_shared>> -> memref<632x16xf32, #tpu.memory_space<vmem_shared>>
      tpu.wait_dma2 semaphore(%run_scoped3A : memref<!tpu.dma_semaphore, #tpu.memory_space<semaphore_mem>>) src(%dma_wait3A_32 : memref<632x16xf32, #tpu.memory_space<vmem_shared>>) dst(%dma_wait3A_30 : memref<632x16xf32, #tpu.memory_space<hbm>>)
      tpu.yield
    }) : () -> ()
    return
  }
}

#map = affine_map<(d0, d1) -> (0, 0)>
#map1 = affine_map<(d0, d1) -> (0, 0, 0)>
module attributes {stable_mosaic.version = 14 : i64} {
  func.func @deg_kernel(%arg0: i32, %arg1: i32, %arg2: memref<625x512xi32, #tpu.memory_space<hbm>>, %arg3: memref<625x512xi32, #tpu.memory_space<hbm>>, %arg4: memref<512x8xf32, #tpu.memory_space<hbm>>, %arg5: memref<512x8xf32, #tpu.memory_space<hbm>>, %arg6: memref<10112x8xf32, #tpu.memory_space<hbm>>, %arg7: memref<2x10112x8xf32, #tpu.memory_space<hbm>>, %arg8: memref<20x512xi32, #tpu.memory_space<vmem>>, %arg9: memref<20x512xi32, #tpu.memory_space<vmem>>, %arg10: memref<512x8xf32, #tpu.memory_space<vmem>>, %arg11: memref<512x8xf32, #tpu.memory_space<vmem>>, %arg12: memref<10112x8xf32, #tpu.memory_space<vmem_shared>>, %arg13: memref<!tpu.dma_semaphore, #tpu.memory_space<semaphore_mem>>) attributes {dimension_semantics = [#tpu.dimension_semantics<core_parallel>, #tpu.dimension_semantics<subcore_parallel>], iteration_bounds = array<i64: 2, 16>, scalar_prefetch = 0 : i64, scratch_operands = 6 : i64, tpu.core_type = #tpu.core_type<sc_vector_subcore>, window_params = [{transform_indices = #map}, {transform_indices = #map}, {transform_indices = #map}, {transform_indices = #map}, {transform_indices = #map}, {transform_indices = #map1}]} {
    %mul3A = arith.constant 2 : i32
    %mul3A_0 = arith.muli %arg1, %mul3A : i32
    %add3A = arith.addi %mul3A_0, %arg0 : i32
    %mul3A_1 = arith.constant 632 : i32
    %mul3A_2 = arith.muli %arg1, %mul3A_1 : i32
    %sub3A = arith.constant 15 : i32
    %sub3A_3 = arith.subi %add3A, %sub3A : i32
    %max3A = arith.constant 0 : i32
    %max3A_4 = arith.maxsi %sub3A_3, %max3A : i32
    %mul3A_5 = arith.constant 19 : i32
    %mul3A_6 = arith.muli %mul3A_5, %add3A : i32
    %add3A_7 = arith.addi %mul3A_6, %max3A_4 : i32
    %ge3A = arith.constant 15 : i32
    %ge3A_8 = arith.cmpi sge, %add3A, %ge3A : i32
    %jit3A = arith.constant 1 : i32
    %jit3A_9 = arith.constant 0 : i32
    %select_n3A = arith.select %ge3A_8, %jit3A, %jit3A_9 : i32
    %add3A_10 = arith.constant 19 : i32
    %add3A_11 = arith.addi %add3A_10, %select_n3A : i32
    "tpu.region"() ({
      %run_scoped3A = tpu.sem_alloc : memref<!tpu.dma_semaphore, #tpu.memory_space<semaphore_mem>>
      %dma_start3A_44 = arith.constant 0 : i32
      %dma_start3A_45 = tpu.memref_slice %arg2[%add3A_7, %dma_start3A_44] : memref<625x512xi32, #tpu.memory_space<hbm>> -> memref<20x512xi32, #tpu.memory_space<hbm>>
      %dma_start3A_46 = arith.constant 0 : i32
      %dma_start3A_47 = tpu.memref_slice %arg2[%add3A_7, %dma_start3A_46] : memref<625x512xi32, #tpu.memory_space<hbm>> -> memref<20x512xi32, #tpu.memory_space<hbm>>
      tpu.enqueue_dma source(%dma_start3A_47 : memref<20x512xi32, #tpu.memory_space<hbm>>) target(%arg8 : memref<20x512xi32, #tpu.memory_space<vmem>>) target_semaphore(%run_scoped3A : memref<!tpu.dma_semaphore, #tpu.memory_space<semaphore_mem>>)
      %dma_wait3A_48 = arith.constant 0 : i32
      %dma_wait3A_49 = tpu.memref_slice %arg2[%add3A_7, %dma_wait3A_48] : memref<625x512xi32, #tpu.memory_space<hbm>> -> memref<20x512xi32, #tpu.memory_space<hbm>>
      %dma_wait3A_50 = arith.constant 0 : i32
      %dma_wait3A_51 = tpu.memref_slice %arg2[%add3A_7, %dma_wait3A_50] : memref<625x512xi32, #tpu.memory_space<hbm>> -> memref<20x512xi32, #tpu.memory_space<hbm>>
      tpu.wait_dma2 semaphore(%run_scoped3A : memref<!tpu.dma_semaphore, #tpu.memory_space<semaphore_mem>>) src(%dma_wait3A_51 : memref<20x512xi32, #tpu.memory_space<hbm>>) dst(%arg8 : memref<20x512xi32, #tpu.memory_space<vmem>>)
      tpu.yield
    }) : () -> ()
    "tpu.region"() ({
      %run_scoped3A = tpu.sem_alloc : memref<!tpu.dma_semaphore, #tpu.memory_space<semaphore_mem>>
      %dma_start3A_44 = arith.constant 0 : i32
      %dma_start3A_45 = tpu.memref_slice %arg3[%add3A_7, %dma_start3A_44] : memref<625x512xi32, #tpu.memory_space<hbm>> -> memref<20x512xi32, #tpu.memory_space<hbm>>
      %dma_start3A_46 = arith.constant 0 : i32
      %dma_start3A_47 = tpu.memref_slice %arg3[%add3A_7, %dma_start3A_46] : memref<625x512xi32, #tpu.memory_space<hbm>> -> memref<20x512xi32, #tpu.memory_space<hbm>>
      tpu.enqueue_dma source(%dma_start3A_47 : memref<20x512xi32, #tpu.memory_space<hbm>>) target(%arg9 : memref<20x512xi32, #tpu.memory_space<vmem>>) target_semaphore(%run_scoped3A : memref<!tpu.dma_semaphore, #tpu.memory_space<semaphore_mem>>)
      %dma_wait3A_48 = arith.constant 0 : i32
      %dma_wait3A_49 = tpu.memref_slice %arg3[%add3A_7, %dma_wait3A_48] : memref<625x512xi32, #tpu.memory_space<hbm>> -> memref<20x512xi32, #tpu.memory_space<hbm>>
      %dma_wait3A_50 = arith.constant 0 : i32
      %dma_wait3A_51 = tpu.memref_slice %arg3[%add3A_7, %dma_wait3A_50] : memref<625x512xi32, #tpu.memory_space<hbm>> -> memref<20x512xi32, #tpu.memory_space<hbm>>
      tpu.wait_dma2 semaphore(%run_scoped3A : memref<!tpu.dma_semaphore, #tpu.memory_space<semaphore_mem>>) src(%dma_wait3A_51 : memref<20x512xi32, #tpu.memory_space<hbm>>) dst(%arg9 : memref<20x512xi32, #tpu.memory_space<vmem>>)
      tpu.yield
    }) : () -> ()
    "tpu.region"() ({
      %run_scoped3A = tpu.sem_alloc : memref<!tpu.dma_semaphore, #tpu.memory_space<semaphore_mem>>
      tpu.enqueue_dma source(%arg4 : memref<512x8xf32, #tpu.memory_space<hbm>>) target(%arg10 : memref<512x8xf32, #tpu.memory_space<vmem>>) target_semaphore(%run_scoped3A : memref<!tpu.dma_semaphore, #tpu.memory_space<semaphore_mem>>)
      tpu.wait_dma2 semaphore(%run_scoped3A : memref<!tpu.dma_semaphore, #tpu.memory_space<semaphore_mem>>) src(%arg4 : memref<512x8xf32, #tpu.memory_space<hbm>>) dst(%arg10 : memref<512x8xf32, #tpu.memory_space<vmem>>)
      tpu.yield
    }) : () -> ()
    "tpu.region"() ({
      %run_scoped3A = tpu.sem_alloc : memref<!tpu.dma_semaphore, #tpu.memory_space<semaphore_mem>>
      tpu.enqueue_dma source(%arg5 : memref<512x8xf32, #tpu.memory_space<hbm>>) target(%arg11 : memref<512x8xf32, #tpu.memory_space<vmem>>) target_semaphore(%run_scoped3A : memref<!tpu.dma_semaphore, #tpu.memory_space<semaphore_mem>>)
      tpu.wait_dma2 semaphore(%run_scoped3A : memref<!tpu.dma_semaphore, #tpu.memory_space<semaphore_mem>>) src(%arg5 : memref<512x8xf32, #tpu.memory_space<hbm>>) dst(%arg11 : memref<512x8xf32, #tpu.memory_space<vmem>>)
      tpu.yield
    }) : () -> ()
    "tpu.region"() ({
      %run_scoped3A = tpu.sem_alloc : memref<!tpu.dma_semaphore, #tpu.memory_space<semaphore_mem>>
      %dma_start3A_44 = arith.constant 0 : i32
      %dma_start3A_45 = tpu.memref_slice %arg12[%mul3A_2, %dma_start3A_44] : memref<10112x8xf32, #tpu.memory_space<vmem_shared>> -> memref<632x8xf32, #tpu.memory_space<vmem_shared>>
      %dma_start3A_46 = arith.constant 0 : i32
      %dma_start3A_47 = tpu.memref_slice %arg6[%mul3A_2, %dma_start3A_46] : memref<10112x8xf32, #tpu.memory_space<hbm>> -> memref<632x8xf32, #tpu.memory_space<hbm>>
      tpu.enqueue_dma source(%dma_start3A_47 : memref<632x8xf32, #tpu.memory_space<hbm>>) target(%dma_start3A_45 : memref<632x8xf32, #tpu.memory_space<vmem_shared>>) target_semaphore(%run_scoped3A : memref<!tpu.dma_semaphore, #tpu.memory_space<semaphore_mem>>)
      %dma_wait3A_48 = arith.constant 0 : i32
      %dma_wait3A_49 = tpu.memref_slice %arg12[%mul3A_2, %dma_wait3A_48] : memref<10112x8xf32, #tpu.memory_space<vmem_shared>> -> memref<632x8xf32, #tpu.memory_space<vmem_shared>>
      %dma_wait3A_50 = arith.constant 0 : i32
      %dma_wait3A_51 = tpu.memref_slice %arg6[%mul3A_2, %dma_wait3A_50] : memref<10112x8xf32, #tpu.memory_space<hbm>> -> memref<632x8xf32, #tpu.memory_space<hbm>>
      tpu.wait_dma2 semaphore(%run_scoped3A : memref<!tpu.dma_semaphore, #tpu.memory_space<semaphore_mem>>) src(%dma_wait3A_51 : memref<632x8xf32, #tpu.memory_space<hbm>>) dst(%dma_wait3A_49 : memref<632x8xf32, #tpu.memory_space<vmem_shared>>)
      tpu.yield
    }) : () -> ()
    %barrier3A = arith.constant 0 : index
    tpu.barrier barrier_id(%barrier3A)
    %dma_start3A = arith.constant 0 : i32
    %dma_start3A_12 = arith.constant 0 : i32
    %dma_start3A_13 = tpu.memref_slice %arg8[%dma_start3A, %dma_start3A_12] : memref<20x512xi32, #tpu.memory_space<vmem>> -> memref<1x512xi32, #tpu.memory_space<vmem>>
    %dma_start3A_14 = tpu.memref_squeeze %dma_start3A_13 : memref<1x512xi32, #tpu.memory_space<vmem>> -> memref<512xi32, #tpu.memory_space<vmem>>
    %dma_start3A_15 = arith.constant 0 : i32
    %dma_start3A_16 = arith.constant 0 : i32
    %dma_start3A_17 = tpu.memref_slice %arg12[%dma_start3A_15, %dma_start3A_16] : memref<10112x8xf32, #tpu.memory_space<vmem_shared>> -> memref<10112x8xf32, #tpu.memory_space<vmem_shared>>
    tpu.enqueue_indirect_dma source(%arg10 : memref<512x8xf32, #tpu.memory_space<vmem>>) target(%dma_start3A_17 : memref<10112x8xf32, #tpu.memory_space<vmem_shared>>) offsets(%dma_start3A_14 : memref<512xi32, #tpu.memory_space<vmem>>) semaphore(%arg13 : memref<!tpu.dma_semaphore, #tpu.memory_space<semaphore_mem>>) {add = true}
    %dma_start3A_18 = arith.constant 0 : i32
    %dma_start3A_19 = arith.constant 0 : i32
    %dma_start3A_20 = tpu.memref_slice %arg9[%dma_start3A_18, %dma_start3A_19] : memref<20x512xi32, #tpu.memory_space<vmem>> -> memref<1x512xi32, #tpu.memory_space<vmem>>
    %dma_start3A_21 = tpu.memref_squeeze %dma_start3A_20 : memref<1x512xi32, #tpu.memory_space<vmem>> -> memref<512xi32, #tpu.memory_space<vmem>>
    %dma_start3A_22 = arith.constant 0 : i32
    %dma_start3A_23 = arith.constant 0 : i32
    %dma_start3A_24 = tpu.memref_slice %arg12[%dma_start3A_22, %dma_start3A_23] : memref<10112x8xf32, #tpu.memory_space<vmem_shared>> -> memref<10112x8xf32, #tpu.memory_space<vmem_shared>>
    tpu.enqueue_indirect_dma source(%arg11 : memref<512x8xf32, #tpu.memory_space<vmem>>) target(%dma_start3A_24 : memref<10112x8xf32, #tpu.memory_space<vmem_shared>>) offsets(%dma_start3A_21 : memref<512xi32, #tpu.memory_space<vmem>>) semaphore(%arg13 : memref<!tpu.dma_semaphore, #tpu.memory_space<semaphore_mem>>) {add = true}
    %scan3A = arith.constant 0 : i32
    %scan3A_25 = arith.constant 1 : i32
    %scan3A_26 = arith.constant 19 : i32
    %scan3A_27 = arith.addi %scan3A_25, %scan3A_26 : i32
    %scan3A_28 = arith.constant 1 : i32
    scf.for %scan3A_44 = %scan3A_25 to %scan3A_27 step %scan3A_28  : i32 {
      %lt3A = arith.cmpi slt, %scan3A_44, %add3A_11 : i32
      %convert_element_type3A = arith.extui %lt3A : i1 to i32
      %cond3A = arith.constant 0 : i32
      %cond3A_45 = arith.cmpi ne, %convert_element_type3A, %cond3A : i32
      scf.if %cond3A_45 {
        %dma_start3A_46 = arith.constant 0 : i32
        %dma_start3A_47 = tpu.memref_slice %arg8[%scan3A_44, %dma_start3A_46] : memref<20x512xi32, #tpu.memory_space<vmem>> -> memref<1x512xi32, #tpu.memory_space<vmem>>
        %dma_start3A_48 = tpu.memref_squeeze %dma_start3A_47 : memref<1x512xi32, #tpu.memory_space<vmem>> -> memref<512xi32, #tpu.memory_space<vmem>>
        %dma_start3A_49 = arith.constant 0 : i32
        %dma_start3A_50 = arith.constant 0 : i32
        %dma_start3A_51 = tpu.memref_slice %arg12[%dma_start3A_49, %dma_start3A_50] : memref<10112x8xf32, #tpu.memory_space<vmem_shared>> -> memref<10112x8xf32, #tpu.memory_space<vmem_shared>>
        tpu.enqueue_indirect_dma source(%arg10 : memref<512x8xf32, #tpu.memory_space<vmem>>) target(%dma_start3A_51 : memref<10112x8xf32, #tpu.memory_space<vmem_shared>>) offsets(%dma_start3A_48 : memref<512xi32, #tpu.memory_space<vmem>>) semaphore(%arg13 : memref<!tpu.dma_semaphore, #tpu.memory_space<semaphore_mem>>) {add = true}
        %dma_wait3A_52 = arith.constant 0 : i32
        %dma_wait3A_53 = tpu.memref_slice %arg8[%scan3A_44, %dma_wait3A_52] : memref<20x512xi32, #tpu.memory_space<vmem>> -> memref<1x512xi32, #tpu.memory_space<vmem>>
        %dma_wait3A_54 = tpu.memref_squeeze %dma_wait3A_53 : memref<1x512xi32, #tpu.memory_space<vmem>> -> memref<512xi32, #tpu.memory_space<vmem>>
        %dma_wait3A_55 = arith.constant 0 : i32
        %dma_wait3A_56 = arith.constant 0 : i32
        %dma_wait3A_57 = tpu.memref_slice %arg12[%dma_wait3A_55, %dma_wait3A_56] : memref<10112x8xf32, #tpu.memory_space<vmem_shared>> -> memref<10112x8xf32, #tpu.memory_space<vmem_shared>>
        tpu.wait_indirect_dma semaphore(%arg13 : memref<!tpu.dma_semaphore, #tpu.memory_space<semaphore_mem>>) src(%arg10 : memref<512x8xf32, #tpu.memory_space<vmem>>) dst(%dma_wait3A_57 : memref<10112x8xf32, #tpu.memory_space<vmem_shared>>)
        %dma_start3A_58 = arith.constant 0 : i32
        %dma_start3A_59 = tpu.memref_slice %arg9[%scan3A_44, %dma_start3A_58] : memref<20x512xi32, #tpu.memory_space<vmem>> -> memref<1x512xi32, #tpu.memory_space<vmem>>
        %dma_start3A_60 = tpu.memref_squeeze %dma_start3A_59 : memref<1x512xi32, #tpu.memory_space<vmem>> -> memref<512xi32, #tpu.memory_space<vmem>>
        %dma_start3A_61 = arith.constant 0 : i32
        %dma_start3A_62 = arith.constant 0 : i32
        %dma_start3A_63 = tpu.memref_slice %arg12[%dma_start3A_61, %dma_start3A_62] : memref<10112x8xf32, #tpu.memory_space<vmem_shared>> -> memref<10112x8xf32, #tpu.memory_space<vmem_shared>>
        tpu.enqueue_indirect_dma source(%arg11 : memref<512x8xf32, #tpu.memory_space<vmem>>) target(%dma_start3A_63 : memref<10112x8xf32, #tpu.memory_space<vmem_shared>>) offsets(%dma_start3A_60 : memref<512xi32, #tpu.memory_space<vmem>>) semaphore(%arg13 : memref<!tpu.dma_semaphore, #tpu.memory_space<semaphore_mem>>) {add = true}
        %dma_wait3A_64 = arith.constant 0 : i32
        %dma_wait3A_65 = tpu.memref_slice %arg9[%scan3A_44, %dma_wait3A_64] : memref<20x512xi32, #tpu.memory_space<vmem>> -> memref<1x512xi32, #tpu.memory_space<vmem>>
        %dma_wait3A_66 = tpu.memref_squeeze %dma_wait3A_65 : memref<1x512xi32, #tpu.memory_space<vmem>> -> memref<512xi32, #tpu.memory_space<vmem>>
        %dma_wait3A_67 = arith.constant 0 : i32
        %dma_wait3A_68 = arith.constant 0 : i32
        %dma_wait3A_69 = tpu.memref_slice %arg12[%dma_wait3A_67, %dma_wait3A_68] : memref<10112x8xf32, #tpu.memory_space<vmem_shared>> -> memref<10112x8xf32, #tpu.memory_space<vmem_shared>>
        tpu.wait_indirect_dma semaphore(%arg13 : memref<!tpu.dma_semaphore, #tpu.memory_space<semaphore_mem>>) src(%arg11 : memref<512x8xf32, #tpu.memory_space<vmem>>) dst(%dma_wait3A_69 : memref<10112x8xf32, #tpu.memory_space<vmem_shared>>)
      } else {
      }
    }
    %scan3A_29 = arith.constant 19 : i32
    %dma_wait3A = arith.constant 0 : i32
    %dma_wait3A_30 = arith.constant 0 : i32
    %dma_wait3A_31 = tpu.memref_slice %arg8[%dma_wait3A, %dma_wait3A_30] : memref<20x512xi32, #tpu.memory_space<vmem>> -> memref<1x512xi32, #tpu.memory_space<vmem>>
    %dma_wait3A_32 = tpu.memref_squeeze %dma_wait3A_31 : memref<1x512xi32, #tpu.memory_space<vmem>> -> memref<512xi32, #tpu.memory_space<vmem>>
    %dma_wait3A_33 = arith.constant 0 : i32
    %dma_wait3A_34 = arith.constant 0 : i32
    %dma_wait3A_35 = tpu.memref_slice %arg12[%dma_wait3A_33, %dma_wait3A_34] : memref<10112x8xf32, #tpu.memory_space<vmem_shared>> -> memref<10112x8xf32, #tpu.memory_space<vmem_shared>>
    tpu.wait_indirect_dma semaphore(%arg13 : memref<!tpu.dma_semaphore, #tpu.memory_space<semaphore_mem>>) src(%arg10 : memref<512x8xf32, #tpu.memory_space<vmem>>) dst(%dma_wait3A_35 : memref<10112x8xf32, #tpu.memory_space<vmem_shared>>)
    %dma_wait3A_36 = arith.constant 0 : i32
    %dma_wait3A_37 = arith.constant 0 : i32
    %dma_wait3A_38 = tpu.memref_slice %arg9[%dma_wait3A_36, %dma_wait3A_37] : memref<20x512xi32, #tpu.memory_space<vmem>> -> memref<1x512xi32, #tpu.memory_space<vmem>>
    %dma_wait3A_39 = tpu.memref_squeeze %dma_wait3A_38 : memref<1x512xi32, #tpu.memory_space<vmem>> -> memref<512xi32, #tpu.memory_space<vmem>>
    %dma_wait3A_40 = arith.constant 0 : i32
    %dma_wait3A_41 = arith.constant 0 : i32
    %dma_wait3A_42 = tpu.memref_slice %arg12[%dma_wait3A_40, %dma_wait3A_41] : memref<10112x8xf32, #tpu.memory_space<vmem_shared>> -> memref<10112x8xf32, #tpu.memory_space<vmem_shared>>
    tpu.wait_indirect_dma semaphore(%arg13 : memref<!tpu.dma_semaphore, #tpu.memory_space<semaphore_mem>>) src(%arg11 : memref<512x8xf32, #tpu.memory_space<vmem>>) dst(%dma_wait3A_42 : memref<10112x8xf32, #tpu.memory_space<vmem_shared>>)
    %barrier3A_43 = arith.constant 0 : index
    tpu.barrier barrier_id(%barrier3A_43)
    "tpu.region"() ({
      %run_scoped3A = tpu.sem_alloc : memref<!tpu.dma_semaphore, #tpu.memory_space<semaphore_mem>>
      %dma_start3A_44 = arith.constant 0 : i32
      %dma_start3A_45 = tpu.memref_slice %arg7[%arg0, %mul3A_2, %dma_start3A_44] : memref<2x10112x8xf32, #tpu.memory_space<hbm>> -> memref<1x632x8xf32, #tpu.memory_space<hbm>>
      %dma_start3A_46 = tpu.memref_squeeze %dma_start3A_45 : memref<1x632x8xf32, #tpu.memory_space<hbm>> -> memref<632x8xf32, #tpu.memory_space<hbm>>
      %dma_start3A_47 = arith.constant 0 : i32
      %dma_start3A_48 = tpu.memref_slice %arg12[%mul3A_2, %dma_start3A_47] : memref<10112x8xf32, #tpu.memory_space<vmem_shared>> -> memref<632x8xf32, #tpu.memory_space<vmem_shared>>
      tpu.enqueue_dma source(%dma_start3A_48 : memref<632x8xf32, #tpu.memory_space<vmem_shared>>) target(%dma_start3A_46 : memref<632x8xf32, #tpu.memory_space<hbm>>) target_semaphore(%run_scoped3A : memref<!tpu.dma_semaphore, #tpu.memory_space<semaphore_mem>>)
      %dma_wait3A_49 = arith.constant 0 : i32
      %dma_wait3A_50 = tpu.memref_slice %arg7[%arg0, %mul3A_2, %dma_wait3A_49] : memref<2x10112x8xf32, #tpu.memory_space<hbm>> -> memref<1x632x8xf32, #tpu.memory_space<hbm>>
      %dma_wait3A_51 = tpu.memref_squeeze %dma_wait3A_50 : memref<1x632x8xf32, #tpu.memory_space<hbm>> -> memref<632x8xf32, #tpu.memory_space<hbm>>
      %dma_wait3A_52 = arith.constant 0 : i32
      %dma_wait3A_53 = tpu.memref_slice %arg12[%mul3A_2, %dma_wait3A_52] : memref<10112x8xf32, #tpu.memory_space<vmem_shared>> -> memref<632x8xf32, #tpu.memory_space<vmem_shared>>
      tpu.wait_dma2 semaphore(%run_scoped3A : memref<!tpu.dma_semaphore, #tpu.memory_space<semaphore_mem>>) src(%dma_wait3A_53 : memref<632x8xf32, #tpu.memory_space<vmem_shared>>) dst(%dma_wait3A_51 : memref<632x8xf32, #tpu.memory_space<hbm>>)
      tpu.yield
    }) : () -> ()
    return
  }
}

#map = affine_map<(d0, d1) -> (0, 0)>
#map1 = affine_map<(d0, d1) -> (0, 0, 0)>
module attributes {stable_mosaic.version = 14 : i64} {
  func.func @agg_kernel(%arg0: i32, %arg1: i32, %arg2: memref<625x512xi32, #tpu.memory_space<hbm>>, %arg3: memref<625x512xi32, #tpu.memory_space<hbm>>, %arg4: memref<10000x8xf32, #tpu.memory_space<hbm>>, %arg5: memref<10112x8xf32, #tpu.memory_space<hbm>>, %arg6: memref<2x10112x8xf32, #tpu.memory_space<hbm>>, %arg7: memref<20x512xi32, #tpu.memory_space<vmem>>, %arg8: memref<20x512xi32, #tpu.memory_space<vmem>>, %arg9: memref<512x8xf32, #tpu.memory_space<vmem>>, %arg10: memref<512x8xf32, #tpu.memory_space<vmem>>, %arg11: memref<10112x8xf32, #tpu.memory_space<vmem_shared>>, %arg12: memref<!tpu.dma_semaphore, #tpu.memory_space<semaphore_mem>>, %arg13: memref<!tpu.dma_semaphore, #tpu.memory_space<semaphore_mem>>) attributes {dimension_semantics = [#tpu.dimension_semantics<core_parallel>, #tpu.dimension_semantics<subcore_parallel>], iteration_bounds = array<i64: 2, 16>, scalar_prefetch = 0 : i64, scratch_operands = 7 : i64, tpu.core_type = #tpu.core_type<sc_vector_subcore>, window_params = [{transform_indices = #map}, {transform_indices = #map}, {transform_indices = #map}, {transform_indices = #map}, {transform_indices = #map1}]} {
    %mul3A = arith.constant 2 : i32
    %mul3A_0 = arith.muli %arg1, %mul3A : i32
    %add3A = arith.addi %mul3A_0, %arg0 : i32
    %mul3A_1 = arith.constant 632 : i32
    %mul3A_2 = arith.muli %arg1, %mul3A_1 : i32
    %sub3A = arith.constant 15 : i32
    %sub3A_3 = arith.subi %add3A, %sub3A : i32
    %max3A = arith.constant 0 : i32
    %max3A_4 = arith.maxsi %sub3A_3, %max3A : i32
    %mul3A_5 = arith.constant 19 : i32
    %mul3A_6 = arith.muli %mul3A_5, %add3A : i32
    %add3A_7 = arith.addi %mul3A_6, %max3A_4 : i32
    %ge3A = arith.constant 15 : i32
    %ge3A_8 = arith.cmpi sge, %add3A, %ge3A : i32
    %jit3A = arith.constant 1 : i32
    %jit3A_9 = arith.constant 0 : i32
    %select_n3A = arith.select %ge3A_8, %jit3A, %jit3A_9 : i32
    %add3A_10 = arith.constant 19 : i32
    %add3A_11 = arith.addi %add3A_10, %select_n3A : i32
    "tpu.region"() ({
      %run_scoped3A = tpu.sem_alloc : memref<!tpu.dma_semaphore, #tpu.memory_space<semaphore_mem>>
      %dma_start3A_24 = arith.constant 0 : i32
      %dma_start3A_25 = tpu.memref_slice %arg2[%add3A_7, %dma_start3A_24] : memref<625x512xi32, #tpu.memory_space<hbm>> -> memref<20x512xi32, #tpu.memory_space<hbm>>
      %dma_start3A_26 = arith.constant 0 : i32
      %dma_start3A_27 = tpu.memref_slice %arg2[%add3A_7, %dma_start3A_26] : memref<625x512xi32, #tpu.memory_space<hbm>> -> memref<20x512xi32, #tpu.memory_space<hbm>>
      tpu.enqueue_dma source(%dma_start3A_27 : memref<20x512xi32, #tpu.memory_space<hbm>>) target(%arg7 : memref<20x512xi32, #tpu.memory_space<vmem>>) target_semaphore(%run_scoped3A : memref<!tpu.dma_semaphore, #tpu.memory_space<semaphore_mem>>)
      %dma_wait3A = arith.constant 0 : i32
      %dma_wait3A_28 = tpu.memref_slice %arg2[%add3A_7, %dma_wait3A] : memref<625x512xi32, #tpu.memory_space<hbm>> -> memref<20x512xi32, #tpu.memory_space<hbm>>
      %dma_wait3A_29 = arith.constant 0 : i32
      %dma_wait3A_30 = tpu.memref_slice %arg2[%add3A_7, %dma_wait3A_29] : memref<625x512xi32, #tpu.memory_space<hbm>> -> memref<20x512xi32, #tpu.memory_space<hbm>>
      tpu.wait_dma2 semaphore(%run_scoped3A : memref<!tpu.dma_semaphore, #tpu.memory_space<semaphore_mem>>) src(%dma_wait3A_30 : memref<20x512xi32, #tpu.memory_space<hbm>>) dst(%arg7 : memref<20x512xi32, #tpu.memory_space<vmem>>)
      tpu.yield
    }) : () -> ()
    "tpu.region"() ({
      %run_scoped3A = tpu.sem_alloc : memref<!tpu.dma_semaphore, #tpu.memory_space<semaphore_mem>>
      %dma_start3A_24 = arith.constant 0 : i32
      %dma_start3A_25 = tpu.memref_slice %arg3[%add3A_7, %dma_start3A_24] : memref<625x512xi32, #tpu.memory_space<hbm>> -> memref<20x512xi32, #tpu.memory_space<hbm>>
      %dma_start3A_26 = arith.constant 0 : i32
      %dma_start3A_27 = tpu.memref_slice %arg3[%add3A_7, %dma_start3A_26] : memref<625x512xi32, #tpu.memory_space<hbm>> -> memref<20x512xi32, #tpu.memory_space<hbm>>
      tpu.enqueue_dma source(%dma_start3A_27 : memref<20x512xi32, #tpu.memory_space<hbm>>) target(%arg8 : memref<20x512xi32, #tpu.memory_space<vmem>>) target_semaphore(%run_scoped3A : memref<!tpu.dma_semaphore, #tpu.memory_space<semaphore_mem>>)
      %dma_wait3A = arith.constant 0 : i32
      %dma_wait3A_28 = tpu.memref_slice %arg3[%add3A_7, %dma_wait3A] : memref<625x512xi32, #tpu.memory_space<hbm>> -> memref<20x512xi32, #tpu.memory_space<hbm>>
      %dma_wait3A_29 = arith.constant 0 : i32
      %dma_wait3A_30 = tpu.memref_slice %arg3[%add3A_7, %dma_wait3A_29] : memref<625x512xi32, #tpu.memory_space<hbm>> -> memref<20x512xi32, #tpu.memory_space<hbm>>
      tpu.wait_dma2 semaphore(%run_scoped3A : memref<!tpu.dma_semaphore, #tpu.memory_space<semaphore_mem>>) src(%dma_wait3A_30 : memref<20x512xi32, #tpu.memory_space<hbm>>) dst(%arg8 : memref<20x512xi32, #tpu.memory_space<vmem>>)
      tpu.yield
    }) : () -> ()
    "tpu.region"() ({
      %run_scoped3A = tpu.sem_alloc : memref<!tpu.dma_semaphore, #tpu.memory_space<semaphore_mem>>
      %dma_start3A_24 = arith.constant 0 : i32
      %dma_start3A_25 = tpu.memref_slice %arg11[%mul3A_2, %dma_start3A_24] : memref<10112x8xf32, #tpu.memory_space<vmem_shared>> -> memref<632x8xf32, #tpu.memory_space<vmem_shared>>
      %dma_start3A_26 = arith.constant 0 : i32
      %dma_start3A_27 = tpu.memref_slice %arg5[%mul3A_2, %dma_start3A_26] : memref<10112x8xf32, #tpu.memory_space<hbm>> -> memref<632x8xf32, #tpu.memory_space<hbm>>
      tpu.enqueue_dma source(%dma_start3A_27 : memref<632x8xf32, #tpu.memory_space<hbm>>) target(%dma_start3A_25 : memref<632x8xf32, #tpu.memory_space<vmem_shared>>) target_semaphore(%run_scoped3A : memref<!tpu.dma_semaphore, #tpu.memory_space<semaphore_mem>>)
      %dma_wait3A = arith.constant 0 : i32
      %dma_wait3A_28 = tpu.memref_slice %arg11[%mul3A_2, %dma_wait3A] : memref<10112x8xf32, #tpu.memory_space<vmem_shared>> -> memref<632x8xf32, #tpu.memory_space<vmem_shared>>
      %dma_wait3A_29 = arith.constant 0 : i32
      %dma_wait3A_30 = tpu.memref_slice %arg5[%mul3A_2, %dma_wait3A_29] : memref<10112x8xf32, #tpu.memory_space<hbm>> -> memref<632x8xf32, #tpu.memory_space<hbm>>
      tpu.wait_dma2 semaphore(%run_scoped3A : memref<!tpu.dma_semaphore, #tpu.memory_space<semaphore_mem>>) src(%dma_wait3A_30 : memref<632x8xf32, #tpu.memory_space<hbm>>) dst(%dma_wait3A_28 : memref<632x8xf32, #tpu.memory_space<vmem_shared>>)
      tpu.yield
    }) : () -> ()
    %barrier3A = arith.constant 0 : index
    tpu.barrier barrier_id(%barrier3A)
    %dma_start3A = arith.constant 0 : i32
    %dma_start3A_12 = arith.constant 0 : i32
    %dma_start3A_13 = tpu.memref_slice %arg7[%dma_start3A, %dma_start3A_12] : memref<20x512xi32, #tpu.memory_space<vmem>> -> memref<1x512xi32, #tpu.memory_space<vmem>>
    %dma_start3A_14 = tpu.memref_squeeze %dma_start3A_13 : memref<1x512xi32, #tpu.memory_space<vmem>> -> memref<512xi32, #tpu.memory_space<vmem>>
    %dma_start3A_15 = arith.constant 0 : i32
    %dma_start3A_16 = arith.constant 0 : i32
    %dma_start3A_17 = tpu.memref_slice %arg4[%dma_start3A_15, %dma_start3A_16] : memref<10000x8xf32, #tpu.memory_space<hbm>> -> memref<10000x8xf32, #tpu.memory_space<hbm>>
    tpu.enqueue_indirect_dma source(%dma_start3A_17 : memref<10000x8xf32, #tpu.memory_space<hbm>>) target(%arg9 : memref<512x8xf32, #tpu.memory_space<vmem>>) offsets(%dma_start3A_14 : memref<512xi32, #tpu.memory_space<vmem>>) semaphore(%arg12 : memref<!tpu.dma_semaphore, #tpu.memory_space<semaphore_mem>>)
    %scan3A = arith.constant 0 : i32
    %scan3A_18 = arith.constant 0 : i32
    %scan3A_19 = arith.constant 10 : i32
    %scan3A_20 = arith.addi %scan3A_18, %scan3A_19 : i32
    %scan3A_21 = arith.constant 1 : i32
    scf.for %scan3A_24 = %scan3A_18 to %scan3A_20 step %scan3A_21  : i32 {
      %mul3A_25 = arith.constant 2 : i32
      %mul3A_26 = arith.muli %mul3A_25, %scan3A_24 : i32
      %add3A_27 = arith.constant 1 : i32
      %add3A_28 = arith.addi %mul3A_26, %add3A_27 : i32
      %lt3A = arith.cmpi slt, %add3A_28, %add3A_11 : i32
      %convert_element_type3A = arith.extui %lt3A : i1 to i32
      %cond3A = arith.constant 0 : i32
      %cond3A_29 = arith.cmpi ne, %convert_element_type3A, %cond3A : i32
      scf.if %cond3A_29 {
        %add3A_47 = arith.constant 1 : i32
        %add3A_48 = arith.addi %mul3A_26, %add3A_47 : i32
        %dma_start3A_49 = arith.constant 0 : i32
        %dma_start3A_50 = tpu.memref_slice %arg7[%add3A_48, %dma_start3A_49] : memref<20x512xi32, #tpu.memory_space<vmem>> -> memref<1x512xi32, #tpu.memory_space<vmem>>
        %dma_start3A_51 = tpu.memref_squeeze %dma_start3A_50 : memref<1x512xi32, #tpu.memory_space<vmem>> -> memref<512xi32, #tpu.memory_space<vmem>>
        %dma_start3A_52 = arith.constant 0 : i32
        %dma_start3A_53 = arith.constant 0 : i32
        %dma_start3A_54 = tpu.memref_slice %arg4[%dma_start3A_52, %dma_start3A_53] : memref<10000x8xf32, #tpu.memory_space<hbm>> -> memref<10000x8xf32, #tpu.memory_space<hbm>>
        tpu.enqueue_indirect_dma source(%dma_start3A_54 : memref<10000x8xf32, #tpu.memory_space<hbm>>) target(%arg10 : memref<512x8xf32, #tpu.memory_space<vmem>>) offsets(%dma_start3A_51 : memref<512xi32, #tpu.memory_space<vmem>>) semaphore(%arg13 : memref<!tpu.dma_semaphore, #tpu.memory_space<semaphore_mem>>)
      } else {
      }
      %dma_wait3A = arith.constant 0 : i32
      %dma_wait3A_30 = tpu.memref_slice %arg7[%mul3A_26, %dma_wait3A] : memref<20x512xi32, #tpu.memory_space<vmem>> -> memref<1x512xi32, #tpu.memory_space<vmem>>
      %dma_wait3A_31 = tpu.memref_squeeze %dma_wait3A_30 : memref<1x512xi32, #tpu.memory_space<vmem>> -> memref<512xi32, #tpu.memory_space<vmem>>
      %dma_wait3A_32 = arith.constant 0 : i32
      %dma_wait3A_33 = arith.constant 0 : i32
      %dma_wait3A_34 = tpu.memref_slice %arg4[%dma_wait3A_32, %dma_wait3A_33] : memref<10000x8xf32, #tpu.memory_space<hbm>> -> memref<10000x8xf32, #tpu.memory_space<hbm>>
      tpu.wait_indirect_dma semaphore(%arg12 : memref<!tpu.dma_semaphore, #tpu.memory_space<semaphore_mem>>) src(%dma_wait3A_34 : memref<10000x8xf32, #tpu.memory_space<hbm>>) dst(%arg9 : memref<512x8xf32, #tpu.memory_space<vmem>>)
      "tpu.region"() ({
        %run_scoped3A = tpu.sem_alloc : memref<!tpu.dma_semaphore, #tpu.memory_space<semaphore_mem>>
        %dma_start3A_47 = arith.constant 0 : i32
        %dma_start3A_48 = tpu.memref_slice %arg8[%mul3A_26, %dma_start3A_47] : memref<20x512xi32, #tpu.memory_space<vmem>> -> memref<1x512xi32, #tpu.memory_space<vmem>>
        %dma_start3A_49 = tpu.memref_squeeze %dma_start3A_48 : memref<1x512xi32, #tpu.memory_space<vmem>> -> memref<512xi32, #tpu.memory_space<vmem>>
        %dma_start3A_50 = arith.constant 0 : i32
        %dma_start3A_51 = arith.constant 0 : i32
        %dma_start3A_52 = tpu.memref_slice %arg11[%dma_start3A_50, %dma_start3A_51] : memref<10112x8xf32, #tpu.memory_space<vmem_shared>> -> memref<10112x8xf32, #tpu.memory_space<vmem_shared>>
        tpu.enqueue_indirect_dma source(%arg9 : memref<512x8xf32, #tpu.memory_space<vmem>>) target(%dma_start3A_52 : memref<10112x8xf32, #tpu.memory_space<vmem_shared>>) offsets(%dma_start3A_49 : memref<512xi32, #tpu.memory_space<vmem>>) semaphore(%run_scoped3A : memref<!tpu.dma_semaphore, #tpu.memory_space<semaphore_mem>>) {add = true}
        %dma_wait3A_53 = arith.constant 0 : i32
        %dma_wait3A_54 = tpu.memref_slice %arg8[%mul3A_26, %dma_wait3A_53] : memref<20x512xi32, #tpu.memory_space<vmem>> -> memref<1x512xi32, #tpu.memory_space<vmem>>
        %dma_wait3A_55 = tpu.memref_squeeze %dma_wait3A_54 : memref<1x512xi32, #tpu.memory_space<vmem>> -> memref<512xi32, #tpu.memory_space<vmem>>
        %dma_wait3A_56 = arith.constant 0 : i32
        %dma_wait3A_57 = arith.constant 0 : i32
        %dma_wait3A_58 = tpu.memref_slice %arg11[%dma_wait3A_56, %dma_wait3A_57] : memref<10112x8xf32, #tpu.memory_space<vmem_shared>> -> memref<10112x8xf32, #tpu.memory_space<vmem_shared>>
        tpu.wait_indirect_dma semaphore(%run_scoped3A : memref<!tpu.dma_semaphore, #tpu.memory_space<semaphore_mem>>) src(%arg9 : memref<512x8xf32, #tpu.memory_space<vmem>>) dst(%dma_wait3A_58 : memref<10112x8xf32, #tpu.memory_space<vmem_shared>>)
        tpu.yield
      }) : () -> ()
      %add3A_35 = arith.constant 2 : i32
      %add3A_36 = arith.addi %mul3A_26, %add3A_35 : i32
      %lt3A_37 = arith.cmpi slt, %add3A_36, %add3A_11 : i32
      %convert_element_type3A_38 = arith.extui %lt3A_37 : i1 to i32
      %cond3A_39 = arith.constant 0 : i32
      %cond3A_40 = arith.cmpi ne, %convert_element_type3A_38, %cond3A_39 : i32
      scf.if %cond3A_40 {
        %add3A_47 = arith.constant 2 : i32
        %add3A_48 = arith.addi %mul3A_26, %add3A_47 : i32
        %dma_start3A_49 = arith.constant 0 : i32
        %dma_start3A_50 = tpu.memref_slice %arg7[%add3A_48, %dma_start3A_49] : memref<20x512xi32, #tpu.memory_space<vmem>> -> memref<1x512xi32, #tpu.memory_space<vmem>>
        %dma_start3A_51 = tpu.memref_squeeze %dma_start3A_50 : memref<1x512xi32, #tpu.memory_space<vmem>> -> memref<512xi32, #tpu.memory_space<vmem>>
        %dma_start3A_52 = arith.constant 0 : i32
        %dma_start3A_53 = arith.constant 0 : i32
        %dma_start3A_54 = tpu.memref_slice %arg4[%dma_start3A_52, %dma_start3A_53] : memref<10000x8xf32, #tpu.memory_space<hbm>> -> memref<10000x8xf32, #tpu.memory_space<hbm>>
        tpu.enqueue_indirect_dma source(%dma_start3A_54 : memref<10000x8xf32, #tpu.memory_space<hbm>>) target(%arg9 : memref<512x8xf32, #tpu.memory_space<vmem>>) offsets(%dma_start3A_51 : memref<512xi32, #tpu.memory_space<vmem>>) semaphore(%arg12 : memref<!tpu.dma_semaphore, #tpu.memory_space<semaphore_mem>>)
      } else {
      }
      %add3A_41 = arith.constant 1 : i32
      %add3A_42 = arith.addi %mul3A_26, %add3A_41 : i32
      %lt3A_43 = arith.cmpi slt, %add3A_42, %add3A_11 : i32
      %convert_element_type3A_44 = arith.extui %lt3A_43 : i1 to i32
      %cond3A_45 = arith.constant 0 : i32
      %cond3A_46 = arith.cmpi ne, %convert_element_type3A_44, %cond3A_45 : i32
      scf.if %cond3A_46 {
        %add3A_47 = arith.constant 1 : i32
        %add3A_48 = arith.addi %mul3A_26, %add3A_47 : i32
        %dma_wait3A_49 = arith.constant 0 : i32
        %dma_wait3A_50 = tpu.memref_slice %arg7[%add3A_48, %dma_wait3A_49] : memref<20x512xi32, #tpu.memory_space<vmem>> -> memref<1x512xi32, #tpu.memory_space<vmem>>
        %dma_wait3A_51 = tpu.memref_squeeze %dma_wait3A_50 : memref<1x512xi32, #tpu.memory_space<vmem>> -> memref<512xi32, #tpu.memory_space<vmem>>
        %dma_wait3A_52 = arith.constant 0 : i32
        %dma_wait3A_53 = arith.constant 0 : i32
        %dma_wait3A_54 = tpu.memref_slice %arg4[%dma_wait3A_52, %dma_wait3A_53] : memref<10000x8xf32, #tpu.memory_space<hbm>> -> memref<10000x8xf32, #tpu.memory_space<hbm>>
        tpu.wait_indirect_dma semaphore(%arg13 : memref<!tpu.dma_semaphore, #tpu.memory_space<semaphore_mem>>) src(%dma_wait3A_54 : memref<10000x8xf32, #tpu.memory_space<hbm>>) dst(%arg10 : memref<512x8xf32, #tpu.memory_space<vmem>>)
        %add3A_55 = arith.constant 1 : i32
        %add3A_56 = arith.addi %mul3A_26, %add3A_55 : i32
        "tpu.region"() ({
          %run_scoped3A = tpu.sem_alloc : memref<!tpu.dma_semaphore, #tpu.memory_space<semaphore_mem>>
          %dma_start3A_57 = arith.constant 0 : i32
          %dma_start3A_58 = tpu.memref_slice %arg8[%add3A_56, %dma_start3A_57] : memref<20x512xi32, #tpu.memory_space<vmem>> -> memref<1x512xi32, #tpu.memory_space<vmem>>
          %dma_start3A_59 = tpu.memref_squeeze %dma_start3A_58 : memref<1x512xi32, #tpu.memory_space<vmem>> -> memref<512xi32, #tpu.memory_space<vmem>>
          %dma_start3A_60 = arith.constant 0 : i32
          %dma_start3A_61 = arith.constant 0 : i32
          %dma_start3A_62 = tpu.memref_slice %arg11[%dma_start3A_60, %dma_start3A_61] : memref<10112x8xf32, #tpu.memory_space<vmem_shared>> -> memref<10112x8xf32, #tpu.memory_space<vmem_shared>>
          tpu.enqueue_indirect_dma source(%arg10 : memref<512x8xf32, #tpu.memory_space<vmem>>) target(%dma_start3A_62 : memref<10112x8xf32, #tpu.memory_space<vmem_shared>>) offsets(%dma_start3A_59 : memref<512xi32, #tpu.memory_space<vmem>>) semaphore(%run_scoped3A : memref<!tpu.dma_semaphore, #tpu.memory_space<semaphore_mem>>) {add = true}
          %dma_wait3A_63 = arith.constant 0 : i32
          %dma_wait3A_64 = tpu.memref_slice %arg8[%add3A_56, %dma_wait3A_63] : memref<20x512xi32, #tpu.memory_space<vmem>> -> memref<1x512xi32, #tpu.memory_space<vmem>>
          %dma_wait3A_65 = tpu.memref_squeeze %dma_wait3A_64 : memref<1x512xi32, #tpu.memory_space<vmem>> -> memref<512xi32, #tpu.memory_space<vmem>>
          %dma_wait3A_66 = arith.constant 0 : i32
          %dma_wait3A_67 = arith.constant 0 : i32
          %dma_wait3A_68 = tpu.memref_slice %arg11[%dma_wait3A_66, %dma_wait3A_67] : memref<10112x8xf32, #tpu.memory_space<vmem_shared>> -> memref<10112x8xf32, #tpu.memory_space<vmem_shared>>
          tpu.wait_indirect_dma semaphore(%run_scoped3A : memref<!tpu.dma_semaphore, #tpu.memory_space<semaphore_mem>>) src(%arg10 : memref<512x8xf32, #tpu.memory_space<vmem>>) dst(%dma_wait3A_68 : memref<10112x8xf32, #tpu.memory_space<vmem_shared>>)
          tpu.yield
        }) : () -> ()
      } else {
      }
    }
    %scan3A_22 = arith.constant 10 : i32
    %barrier3A_23 = arith.constant 0 : index
    tpu.barrier barrier_id(%barrier3A_23)
    "tpu.region"() ({
      %run_scoped3A = tpu.sem_alloc : memref<!tpu.dma_semaphore, #tpu.memory_space<semaphore_mem>>
      %dma_start3A_24 = arith.constant 0 : i32
      %dma_start3A_25 = tpu.memref_slice %arg6[%arg0, %mul3A_2, %dma_start3A_24] : memref<2x10112x8xf32, #tpu.memory_space<hbm>> -> memref<1x632x8xf32, #tpu.memory_space<hbm>>
      %dma_start3A_26 = tpu.memref_squeeze %dma_start3A_25 : memref<1x632x8xf32, #tpu.memory_space<hbm>> -> memref<632x8xf32, #tpu.memory_space<hbm>>
      %dma_start3A_27 = arith.constant 0 : i32
      %dma_start3A_28 = tpu.memref_slice %arg11[%mul3A_2, %dma_start3A_27] : memref<10112x8xf32, #tpu.memory_space<vmem_shared>> -> memref<632x8xf32, #tpu.memory_space<vmem_shared>>
      tpu.enqueue_dma source(%dma_start3A_28 : memref<632x8xf32, #tpu.memory_space<vmem_shared>>) target(%dma_start3A_26 : memref<632x8xf32, #tpu.memory_space<hbm>>) target_semaphore(%run_scoped3A : memref<!tpu.dma_semaphore, #tpu.memory_space<semaphore_mem>>)
      %dma_wait3A = arith.constant 0 : i32
      %dma_wait3A_29 = tpu.memref_slice %arg6[%arg0, %mul3A_2, %dma_wait3A] : memref<2x10112x8xf32, #tpu.memory_space<hbm>> -> memref<1x632x8xf32, #tpu.memory_space<hbm>>
      %dma_wait3A_30 = tpu.memref_squeeze %dma_wait3A_29 : memref<1x632x8xf32, #tpu.memory_space<hbm>> -> memref<632x8xf32, #tpu.memory_space<hbm>>
      %dma_wait3A_31 = arith.constant 0 : i32
      %dma_wait3A_32 = tpu.memref_slice %arg11[%mul3A_2, %dma_wait3A_31] : memref<10112x8xf32, #tpu.memory_space<vmem_shared>> -> memref<632x8xf32, #tpu.memory_space<vmem_shared>>
      tpu.wait_dma2 semaphore(%run_scoped3A : memref<!tpu.dma_semaphore, #tpu.memory_space<semaphore_mem>>) src(%dma_wait3A_32 : memref<632x8xf32, #tpu.memory_space<vmem_shared>>) dst(%dma_wait3A_30 : memref<632x8xf32, #tpu.memory_space<hbm>>)
      tpu.yield
    }) : () -> ()
    return
  }
}

module attributes {stable_mosaic.version = 14 : i64} {
  func.func @_mm1_body(%arg0: memref<10000x128xf32, #tpu.memory_space<vmem>>, %arg1: memref<128x16xf32, #tpu.memory_space<vmem>>, %arg2: memref<2x10112x8xf32, #tpu.memory_space<vmem>>, %arg3: memref<10000x16xf32, #tpu.memory_space<vmem>>) attributes {dimension_semantics = [], scalar_prefetch = 0 : i64, scratch_operands = 0 : i64, tpu.core_type = #tpu.core_type<tc>} {
    %get3A = arith.constant 0 : index
    %get3A_0 = arith.constant 0 : index
    %get3A_1 = arith.constant 0 : index
    %get3A_2 = vector.load %arg2[%get3A, %get3A_0, %get3A_1] : memref<2x10112x8xf32, #tpu.memory_space<vmem>>, vector<1x10000x1xf32>
    %get3A_3 = vector.shape_cast %get3A_2 : vector<1x10000x1xf32> to vector<10000x1xf32>
    %get3A_4 = arith.constant 1 : index
    %get3A_5 = arith.constant 0 : index
    %get3A_6 = arith.constant 0 : index
    %get3A_7 = vector.load %arg2[%get3A_4, %get3A_5, %get3A_6] : memref<2x10112x8xf32, #tpu.memory_space<vmem>>, vector<1x10000x1xf32>
    %get3A_8 = vector.shape_cast %get3A_7 : vector<1x10000x1xf32> to vector<10000x1xf32>
    %add3A = arith.addf %get3A_3, %get3A_8 : vector<10000x1xf32>
    %max3A = arith.constant 1.000000e+00 : f32
    %max3A_9 = vector.broadcast %max3A : f32 to vector<10000x1xf32>
    %max3A_10 = arith.maximumf %add3A, %max3A_9 : vector<10000x1xf32>
    %rsqrt3A = math.rsqrt %max3A_10 : vector<10000x1xf32>
    %get3A_11 = arith.constant 0 : index
    %get3A_12 = arith.constant 0 : index
    %get3A_13 = vector.load %arg0[%get3A_11, %get3A_12] : memref<10000x128xf32, #tpu.memory_space<vmem>>, vector<10000x128xf32>
    %get3A_14 = arith.constant 0 : index
    %get3A_15 = arith.constant 0 : index
    %get3A_16 = vector.load %arg1[%get3A_14, %get3A_15] : memref<128x16xf32, #tpu.memory_space<vmem>>, vector<128x16xf32>
    %dot_general3A = arith.constant dense<0.000000e+00> : vector<10000x16xf32>
    %dot_general3A_17 = tpu.matmul %get3A_13, %get3A_16, %dot_general3A {dimension_numbers = #tpu.dot_dimension_numbers<[1], [0], [0], [1], [0, 0, 1, 1], [], []>, transpose_lhs_hint = false} : vector<10000x128xf32>, vector<128x16xf32>, vector<10000x16xf32> -> vector<10000x16xf32>
    %mul3A = vector.broadcast %rsqrt3A : vector<10000x1xf32> to vector<10000x16xf32>
    %mul3A_18 = arith.mulf %dot_general3A_17, %mul3A : vector<10000x16xf32>
    %swap3A = arith.constant 0 : index
    %swap3A_19 = arith.constant 0 : index
    %swap3A_20 = vector.load %arg3[%swap3A, %swap3A_19] : memref<10000x16xf32, #tpu.memory_space<vmem>>, vector<10000x16xf32>
    tpu.vector_store %arg3[%swap3A, %swap3A_19], %mul3A_18 {strides = array<i32>} : memref<10000x16xf32, #tpu.memory_space<vmem>>, vector<10000x16xf32>,
    return
  }
}

module attributes {stable_mosaic.version = 14 : i64} {
  func.func @_mid_body(%arg0: memref<2x10112x16xf32, #tpu.memory_space<vmem>>, %arg1: memref<2x10112x8xf32, #tpu.memory_space<vmem>>, %arg2: memref<16xf32, #tpu.memory_space<vmem>>, %arg3: memref<16x8xf32, #tpu.memory_space<vmem>>, %arg4: memref<10000x8xf32, #tpu.memory_space<vmem>>) attributes {dimension_semantics = [], scalar_prefetch = 0 : i64, scratch_operands = 0 : i64, tpu.core_type = #tpu.core_type<tc>} {
    %get3A = arith.constant 0 : index
    %get3A_0 = arith.constant 0 : index
    %get3A_1 = arith.constant 0 : index
    %get3A_2 = vector.load %arg0[%get3A, %get3A_0, %get3A_1] : memref<2x10112x16xf32, #tpu.memory_space<vmem>>, vector<1x10000x16xf32>
    %get3A_3 = vector.shape_cast %get3A_2 : vector<1x10000x16xf32> to vector<10000x16xf32>
    %get3A_4 = arith.constant 1 : index
    %get3A_5 = arith.constant 0 : index
    %get3A_6 = arith.constant 0 : index
    %get3A_7 = vector.load %arg0[%get3A_4, %get3A_5, %get3A_6] : memref<2x10112x16xf32, #tpu.memory_space<vmem>>, vector<1x10000x16xf32>
    %get3A_8 = vector.shape_cast %get3A_7 : vector<1x10000x16xf32> to vector<10000x16xf32>
    %add3A = arith.addf %get3A_3, %get3A_8 : vector<10000x16xf32>
    %get3A_9 = arith.constant 0 : index
    %get3A_10 = arith.constant 0 : index
    %get3A_11 = arith.constant 0 : index
    %get3A_12 = vector.load %arg1[%get3A_9, %get3A_10, %get3A_11] : memref<2x10112x8xf32, #tpu.memory_space<vmem>>, vector<1x10000x1xf32>
    %get3A_13 = vector.shape_cast %get3A_12 : vector<1x10000x1xf32> to vector<10000x1xf32>
    %get3A_14 = arith.constant 1 : index
    %get3A_15 = arith.constant 0 : index
    %get3A_16 = arith.constant 0 : index
    %get3A_17 = vector.load %arg1[%get3A_14, %get3A_15, %get3A_16] : memref<2x10112x8xf32, #tpu.memory_space<vmem>>, vector<1x10000x1xf32>
    %get3A_18 = vector.shape_cast %get3A_17 : vector<1x10000x1xf32> to vector<10000x1xf32>
    %add3A_19 = arith.addf %get3A_13, %get3A_18 : vector<10000x1xf32>
    %get3A_20 = arith.constant 0 : index
    %get3A_21 = arith.constant 0 : index
    %get3A_22 = arith.constant 1 : index
    %get3A_23 = vector.load %arg1[%get3A_20, %get3A_21, %get3A_22] : memref<2x10112x8xf32, #tpu.memory_space<vmem>>, vector<1x10000x1xf32>
    %get3A_24 = vector.shape_cast %get3A_23 : vector<1x10000x1xf32> to vector<10000x1xf32>
    %get3A_25 = arith.constant 1 : index
    %get3A_26 = arith.constant 0 : index
    %get3A_27 = arith.constant 1 : index
    %get3A_28 = vector.load %arg1[%get3A_25, %get3A_26, %get3A_27] : memref<2x10112x8xf32, #tpu.memory_space<vmem>>, vector<1x10000x1xf32>
    %get3A_29 = vector.shape_cast %get3A_28 : vector<1x10000x1xf32> to vector<10000x1xf32>
    %add3A_30 = arith.addf %get3A_24, %get3A_29 : vector<10000x1xf32>
    %max3A = arith.constant 1.000000e+00 : f32
    %max3A_31 = vector.broadcast %max3A : f32 to vector<10000x1xf32>
    %max3A_32 = arith.maximumf %add3A_19, %max3A_31 : vector<10000x1xf32>
    %rsqrt3A = math.rsqrt %max3A_32 : vector<10000x1xf32>
    %max3A_33 = arith.constant 1.000000e+00 : f32
    %max3A_34 = vector.broadcast %max3A_33 : f32 to vector<10000x1xf32>
    %max3A_35 = arith.maximumf %add3A_30, %max3A_34 : vector<10000x1xf32>
    %rsqrt3A_36 = math.rsqrt %max3A_35 : vector<10000x1xf32>
    %mul3A = vector.broadcast %rsqrt3A_36 : vector<10000x1xf32> to vector<10000x16xf32>
    %mul3A_37 = arith.mulf %add3A, %mul3A : vector<10000x16xf32>
    %get3A_38 = arith.constant 0 : index
    %get3A_39 = vector.load %arg2[%get3A_38] : memref<16xf32, #tpu.memory_space<vmem>>, vector<16xf32>
    %broadcast_in_dim3A = vector.shape_cast %get3A_39 : vector<16xf32> to vector<1x16xf32>
    %add3A_40 = vector.broadcast %broadcast_in_dim3A : vector<1x16xf32> to vector<10000x16xf32>
    %add3A_41 = arith.addf %mul3A_37, %add3A_40 : vector<10000x16xf32>
    %max3A_42 = arith.constant 0.000000e+00 : f32
    %max3A_43 = vector.broadcast %max3A_42 : f32 to vector<10000x16xf32>
    %max3A_44 = arith.maximumf %add3A_41, %max3A_43 : vector<10000x16xf32>
    %get3A_45 = arith.constant 0 : index
    %get3A_46 = arith.constant 0 : index
    %get3A_47 = vector.load %arg3[%get3A_45, %get3A_46] : memref<16x8xf32, #tpu.memory_space<vmem>>, vector<16x8xf32>
    %dot_general3A = arith.constant dense<0.000000e+00> : vector<10000x8xf32>
    %dot_general3A_48 = tpu.matmul %max3A_44, %get3A_47, %dot_general3A {dimension_numbers = #tpu.dot_dimension_numbers<[1], [0], [0], [1], [0, 0, 1, 1], [], []>, transpose_lhs_hint = false} : vector<10000x16xf32>, vector<16x8xf32>, vector<10000x8xf32> -> vector<10000x8xf32>
    %mul3A_49 = vector.broadcast %rsqrt3A : vector<10000x1xf32> to vector<10000x8xf32>
    %mul3A_50 = arith.mulf %dot_general3A_48, %mul3A_49 : vector<10000x8xf32>
    %swap3A = arith.constant 0 : index
    %swap3A_51 = arith.constant 0 : index
    %swap3A_52 = vector.load %arg4[%swap3A, %swap3A_51] : memref<10000x8xf32, #tpu.memory_space<vmem>>, vector<10000x8xf32>
    tpu.vector_store %arg4[%swap3A, %swap3A_51], %mul3A_50 {strides = array<i32>} : memref<10000x8xf32, #tpu.memory_space<vmem>>, vector<10000x8xf32>,
    return
  }
}

module attributes {stable_mosaic.version = 14 : i64} {
  func.func @_fin_body(%arg0: memref<2x10112x8xf32, #tpu.memory_space<vmem>>, %arg1: memref<2x10112x8xf32, #tpu.memory_space<vmem>>, %arg2: memref<2xf32, #tpu.memory_space<vmem>>, %arg3: memref<10000x2xf32, #tpu.memory_space<vmem>>) attributes {dimension_semantics = [], scalar_prefetch = 0 : i64, scratch_operands = 0 : i64, tpu.core_type = #tpu.core_type<tc>} {
    %get3A = arith.constant 0 : index
    %get3A_0 = arith.constant 0 : index
    %get3A_1 = arith.constant 0 : index
    %get3A_2 = vector.load %arg0[%get3A, %get3A_0, %get3A_1] : memref<2x10112x8xf32, #tpu.memory_space<vmem>>, vector<1x10000x2xf32>
    %get3A_3 = vector.shape_cast %get3A_2 : vector<1x10000x2xf32> to vector<10000x2xf32>
    %get3A_4 = arith.constant 1 : index
    %get3A_5 = arith.constant 0 : index
    %get3A_6 = arith.constant 0 : index
    %get3A_7 = vector.load %arg0[%get3A_4, %get3A_5, %get3A_6] : memref<2x10112x8xf32, #tpu.memory_space<vmem>>, vector<1x10000x2xf32>
    %get3A_8 = vector.shape_cast %get3A_7 : vector<1x10000x2xf32> to vector<10000x2xf32>
    %add3A = arith.addf %get3A_3, %get3A_8 : vector<10000x2xf32>
    %get3A_9 = arith.constant 0 : index
    %get3A_10 = arith.constant 0 : index
    %get3A_11 = arith.constant 1 : index
    %get3A_12 = vector.load %arg1[%get3A_9, %get3A_10, %get3A_11] : memref<2x10112x8xf32, #tpu.memory_space<vmem>>, vector<1x10000x1xf32>
    %get3A_13 = vector.shape_cast %get3A_12 : vector<1x10000x1xf32> to vector<10000x1xf32>
    %get3A_14 = arith.constant 1 : index
    %get3A_15 = arith.constant 0 : index
    %get3A_16 = arith.constant 1 : index
    %get3A_17 = vector.load %arg1[%get3A_14, %get3A_15, %get3A_16] : memref<2x10112x8xf32, #tpu.memory_space<vmem>>, vector<1x10000x1xf32>
    %get3A_18 = vector.shape_cast %get3A_17 : vector<1x10000x1xf32> to vector<10000x1xf32>
    %add3A_19 = arith.addf %get3A_13, %get3A_18 : vector<10000x1xf32>
    %max3A = arith.constant 1.000000e+00 : f32
    %max3A_20 = vector.broadcast %max3A : f32 to vector<10000x1xf32>
    %max3A_21 = arith.maximumf %add3A_19, %max3A_20 : vector<10000x1xf32>
    %rsqrt3A = math.rsqrt %max3A_21 : vector<10000x1xf32>
    %mul3A = vector.broadcast %rsqrt3A : vector<10000x1xf32> to vector<10000x2xf32>
    %mul3A_22 = arith.mulf %add3A, %mul3A : vector<10000x2xf32>
    %get3A_23 = arith.constant 0 : index
    %get3A_24 = vector.load %arg2[%get3A_23] : memref<2xf32, #tpu.memory_space<vmem>>, vector<2xf32>
    %broadcast_in_dim3A = vector.shape_cast %get3A_24 : vector<2xf32> to vector<1x2xf32>
    %add3A_25 = vector.broadcast %broadcast_in_dim3A : vector<1x2xf32> to vector<10000x2xf32>
    %add3A_26 = arith.addf %mul3A_22, %add3A_25 : vector<10000x2xf32>
    %slice3A = vector.extract_strided_slice %add3A_26 {offsets = [0, 0], sizes = [10000, 1], strides = [1, 1]} : vector<10000x2xf32> to vector<10000x1xf32>
    %slice3A_27 = vector.extract_strided_slice %add3A_26 {offsets = [0, 1], sizes = [10000, 1], strides = [1, 1]} : vector<10000x2xf32> to vector<10000x1xf32>
    %max3A_28 = arith.maximumf %slice3A, %slice3A_27 : vector<10000x1xf32>
    %sub3A = arith.subf %slice3A, %max3A_28 : vector<10000x1xf32>
    %exp3A = math.exp %sub3A : vector<10000x1xf32>
    %sub3A_29 = arith.subf %slice3A_27, %max3A_28 : vector<10000x1xf32>
    %exp3A_30 = math.exp %sub3A_29 : vector<10000x1xf32>
    %add3A_31 = arith.addf %exp3A, %exp3A_30 : vector<10000x1xf32>
    %log3A = math.log %add3A_31 : vector<10000x1xf32>
    %add3A_32 = arith.addf %max3A_28, %log3A : vector<10000x1xf32>
    %sub3A_33 = vector.broadcast %add3A_32 : vector<10000x1xf32> to vector<10000x2xf32>
    %sub3A_34 = arith.subf %add3A_26, %sub3A_33 : vector<10000x2xf32>
    %swap3A = arith.constant 0 : index
    %swap3A_35 = arith.constant 0 : index
    %swap3A_36 = vector.load %arg3[%swap3A, %swap3A_35] : memref<10000x2xf32, #tpu.memory_space<vmem>>, vector<10000x2xf32>
    tpu.vector_store %arg3[%swap3A, %swap3A_35], %sub3A_34 {strides = array<i32>} : memref<10000x2xf32, #tpu.memory_space<vmem>>, vector<10000x2xf32>,
    return
  }
}

</mosaic_0001>

<sc_bundles>
// kernel: kernel.11.cloned.1.call-start
scs
__scs_entry_jumppad:
0x0: {  	(pc) =	sbr.rel $0x88, $3  }
0x1: {  	(tag) =	ssettag $0x0;
	lr =	simm.s32 $0x1  }
0x2: {  	[smem:$0x3F9B] =	sst lr;
	_ =	strace $0xD0000000  }
0x3: {  	_ = 	snop  }
0x4: {  	_ = 	snop  }
0x5: {  	_ = 	snop  }
0x6: {  	_ = 	snop  }
0x7: {  	_ = 	snop  }
__scs_overlays_trampoline_lowered:
0x8: {  	[smem:$0x3FAA] =	sst s0  }
0x9: {  	[smem:$0x3FAB] =	sst s1  }
0xa: {  	[smem:$0x3FAC] =	sst s2  }
0xb: {  	[smem:$0x3FAD] =	sst s3  }
0xc: {  	[smem:$0x3FAE] =	sst s4  }
0xd: {  	[smem:$0x3FAF] =	sst s5  }
0xe: {  	[smem:$0x3FB0] =	sst s6  }
0xf: {  	[smem:$0x3FB1] =	sst s7  }
0x10: {  	[smem:$0x3FB2] =	sst s8  }
0x11: {  	[smem:$0x3FB3] =	sst s9;
	s0 =	simm.s32 @!p0 $0x0  }
0x12: {  	s1 =	sld [smem:$0x3F99];
	s0 =	simm.s32 @p0 $0x1  }
0x13: {  	[smem:$0x3FB4] =	sst s0;
	s0 =	simm.s32 @!p1 $0x0  }
0x14: {  	s2 =	sld [smem:$0x3F98];
	s0 =	simm.s32 @p1 $0x1  }
0x15: {  	[smem:$0x3FB5] =	sst s0;
	s0 =	simm.s32 @!p2 $0x0  }
0x16: {  	s3 =	sld [smem:$0x3FDB];
	s0 =	simm.s32 @p2 $0x1  }
0x17: {  	s4 =	simm.s32 $0x1BF5;
	[smem:$0x3FB7] =	sst s0  }
0x18: {  	s0 =	sld [smem:$0x3F9A];
	_ =	swait.ge [sflag:s4], $0x0  }
0x19: {  	s7 =	sld [smem:$0x3F9B]  }
0x1a: {  	s8 =	sadd.s32 $0xFFFFE003, lr  }
0x1b: {  	s9 =	sadd.s32 $0xFFFFFEF7, lr;
	s5 =	simm.s32 $0xFFFFFFFF;
	p2 =	slt.u32 s8, $0xFFFFF086  }
0x1c: {  	p1 =	slt.u32 s9, $0xF7A;
	s5 =	simm.s32 @!p2 $0x0  }
0x1d: {  	s5 =	simm.s32 @p1 $0x1;
	p0 =	seq.s32 s7, s2  }
0x1e: {  	s7 =	smul.u32 @!p0 $0xF7A, s2;
	p2 =	seq.s32 @!p0 s5, $0x0  }
0x1f: {  	s9 =	smul.u32 $0xF7A, s1;
	s8 =	simm.s32 @!p0 $0x1BF5;
	p2 =	por !p2, p0  }
0x20: {  	[sflag:s8] =	ssyncset.s32 @!p0 $0xFFFFF086;
	s6 =	sadd.s32 @!p0 s3, s7;
	s7 =	simm.s32 @!p0 $0x108  }
0x21: {  	s3 =	sadd.s32 s3, s9;
	s6 =	sadd.s32 @!p0 $0x88, s6;
	s7 =	simm.s32 @p2 $0x1082  }
0x22: {  	[simem:s7], [sflag:s8] =	dma.local @!p0 [hbm:s6], $0xF7A  }
0x23: {  	s9 =	sor.u32 $0xD0000000, s2;
	s6 =	simm.s32 $0x108;
	_ =	swait.ge @!p0 [sflag:s8], $0x0  }
0x24: {  	s3 =	sadd.s32 $0x88, s3;
	s6 =	simm.s32 @!p1 $0x1082;
	[sflag:s4] =	ssyncset.s32 $0xFFFFF086  }
0x25: {  	[simem:s6], [sflag:s4] =	dma.local [hbm:s3], $0xF7A  }
0x26: {  	[smem:$0x3F9B] =	sst s1;
	(tag) =	ssettag s2;
	_ =	strace s9  }
0x27: {  	s1 =	sld [smem:$0x3FAB]  }
0x28: {  	s2 =	sld [smem:$0x3FAC]  }
0x29: {  	s4 =	sld [smem:$0x3FAE]  }
0x2a: {  	p0 =	seq.s32 s5, $0x0;
	s5 =	sld [smem:$0x3FAF]  }
0x2b: {  	s6 =	sld [smem:$0x3FB0]  }
0x2c: {  	s7 =	sld [smem:$0x3FB1]  }
0x2d: {  	s3 =	simm.s32 $0x108;
	s8 =	sld [smem:$0x3FB2]  }
0x2e: {  	s3 =	simm.s32 @!p0 $0x1082;
	s9 =	sld [smem:$0x3FB3]  }
0x2f: {  	lr =	sadd.s32 s0, s3;
	s0 =	sld [smem:$0x3FAA]  }
0x30: {  	s3 =	sld [smem:$0x3FAD]  }
0x31: {  	[smem:$0x3FB6] =	sst s10  }
0x32: {  	s10 =	sld [smem:$0x3FB4];
	_ =	sdelay $0x3  }
0x33: {  	p0 =	seq.s32 s10, $0x1;
	s10 =	sld [smem:$0x3FB6];
	_ =	sdelay $0x3  }
0x34: {  	[smem:$0x3FB6] =	sst s10  }
0x35: {  	s10 =	sld [smem:$0x3FB5];
	_ =	sdelay $0x3  }
0x36: {  	p1 =	seq.s32 s10, $0x1;
	s10 =	sld [smem:$0x3FB6];
	_ =	sdelay $0x3  }
0x37: {  	[smem:$0x3FB6] =	sst s10  }
0x38: {  	s10 =	sld [smem:$0x3FB7]  }
0x39: {  	_ = 	snop;
	(pc) =	sbr.ind lr, $3  }
0x3a: {  	_ = 	snop  }
0x3b: {  	_ = 	snop  }
0x3c: {  	p2 =	seq.s32 s10, $0x1;
	s10 =	sld [smem:$0x3FB6]  }
0x3d: {  	_ =	shalt  }
0x3e: {  	_ =	shalt  }
0x3f: {  	_ =	shalt  }
0x40: {  	_ =	shalt  }
0x41: {  	_ =	shalt  }
0x42: {  	_ =	shalt  }
0x43: {  	_ =	shalt  }
0x44: {  	_ =	shalt  }
0x45: {  	_ =	shalt  }
0x46: {  	_ =	shalt  }
0x47: {  	_ =	shalt  }
0x48: {  	_ =	shalt  }
0x49: {  	_ =	shalt  }
0x4a: {  	_ =	shalt  }
0x4b: {  	_ =	shalt  }
0x4c: {  	_ =	shalt  }
0x4d: {  	_ =	shalt  }
0x4e: {  	_ =	shalt  }
0x4f: {  	_ =	shalt  }
0x50: {  	_ =	shalt  }
0x51: {  	_ =	shalt  }
0x52: {  	_ =	shalt  }
0x53: {  	_ =	shalt  }
0x54: {  	_ =	shalt  }
0x55: {  	_ =	shalt  }
0x56: {  	_ =	shalt  }
0x57: {  	_ =	shalt  }
0x58: {  	_ =	shalt  }
0x59: {  	_ =	shalt  }
0x5a: {  	_ =	shalt  }
0x5b: {  	_ =	shalt  }
0x5c: {  	_ =	shalt  }
0x5d: {  	_ =	shalt  }
0x5e: {  	_ =	shalt  }
0x5f: {  	_ =	shalt  }
0x60: {  	_ =	shalt  }
0x61: {  	_ =	shalt  }
0x62: {  	_ =	shalt  }
0x63: {  	_ =	shalt  }
0x64: {  	_ =	shalt  }
0x65: {  	_ =	shalt  }
0x66: {  	_ =	shalt  }
0x67: {  	_ =	shalt  }
0x68: {  	_ =	shalt  }
0x69: {  	_ =	shalt  }
0x6a: {  	_ =	shalt  }
0x6b: {  	_ =	shalt  }
0x6c: {  	_ =	shalt  }
0x6d: {  	_ =	shalt  }
0x6e: {  	_ =	shalt  }
0x6f: {  	_ =	shalt  }
0x70: {  	_ =	shalt  }
0x71: {  	_ =	shalt  }
0x72: {  	_ =	shalt  }
0x73: {  	_ =	shalt  }
0x74: {  	_ =	shalt  }
0x75: {  	_ =	shalt  }
0x76: {  	_ =	shalt  }
0x77: {  	_ =	shalt  }
0x78: {  	_ =	shalt  }
0x79: {  	_ =	shalt  }
0x7a: {  	_ =	shalt  }
0x7b: {  	_ =	shalt  }
0x7c: {  	_ =	shalt  }
0x7d: {  	_ =	shalt  }
0x7e: {  	_ =	shalt  }
0x7f: {  	_ =	shalt  }
0x80: {  	_ =	shalt  }
0x81: {  	_ =	shalt  }
0x82: {  	_ =	shalt  }
0x83: {  	_ =	shalt  }
0x84: {  	_ =	shalt  }
0x85: {  	_ =	shalt  }
0x86: {  	_ =	shalt  }
0x87: {  	_ =	shalt  }
.Lfunc_end0:
.L_simem_size_0:
called_computation.1_lowered:
.L_overlay_start_0:
0x88: {  	s2 =	sld [smem:$0x3FD9]  }
0x89: {  	s3 =	sld [smem:$0x3FFE];
	_ =	sdelay $0x1  }
0x8a: {  	s1 =	srdreg.scid  }
0x8b: {  	s0 =	sand.u32 $0x1, s1  }
0x8c: {  	s16 =	sshll.u32 s0, $0xA;
	s2 =	sadd.s32 s3, s2  }
0x8d: {  	s2 =	sadd.s32 s2, s16  }
0x8e: {  	[smem:$0x3FC2] =	sst s2  }
0x8f: {  	_ = 	snop  }
0x90: {  	(tm) =	ssettm $0x1  }
0x91: {  	s17 =	sld [smem:$0x3FFB];
	_ =	sdelay $0x3  }
0x92: {  	_ =	strace s17  }
0x93: {  	s2 =	sld [smem:$0x3FFC];
	_ =	sdelay $0x3  }
0x94: {  	_ =	strace s2  }
0x95: {  	s2 =	sld [smem:$0x3FFD];
	_ =	sdelay $0x3  }
0x96: {  	_ =	strace s2  }
0x97: {  	_ =	strace $0x8FFFFFFF  }
0x98: {  	s18 =	sld [smem:$0x3FDB];
	_ =	sdelay $0x1  }
0x99: {  	s19 =	simm.s32 $_scs_section_size  }
0x9a: {  	s4 =	simm.s32 $_size__tile_overlayer_lowered;
	s5 =	simm.s32 $_tile_overlayer_lowered  }
0x9b: {  	s22 =	simm.s32 $0x1BFF;
	s21 =	sshll.u32 s5, $0x1;
	s2 =	sadd.s32 s19, s18  }
0x9c: {  	s6 =	simm.s32 $0x0;
	s20 =	sshll.u32 s4, $0x1;
	s4 =	sadd.s32 s21, s2  }
0x9d: {  	[timem:s6], [sflag:s22] =	dma.local [hbm:s4], s20  }
0x9e: {  	_ =	swait.ge [sflag:s22], s20  }
0x9f: {  	s3 =	ssub.s32 $0x0, s20;
	[sflag:s22] =	ssyncset.done $0x0  }
0xa0: {  	[sflag:s22] =	ssyncadd.s32 s3;
	_ =	sdelay $0x1  }
0xa1: {  	s23 =	simm.s32 $0x1B8B  }
0xa2: {  	_ =	swait.ge [sflag:s23], $0x1  }
0xa3: {  	[sflag:s23] =	ssyncset.done $0x0  }
0xa4: {  	s25 =	simm.s32 $0x1B8E;
	s24 =	sld [smem:$0x3FFE];
	[sflag:s23] =	ssyncadd.s32 $0xFFFFFFFF  }
0xa5: {  	s26 =	simm.s32 $execute0_lowered;
	[smem:$0x3FD2] =	sst s25  }
0xa6: {  	s4 =	sshll.u32 s26, $0x1;
	_ =	strace $0x80000049;
	[dreg:$0x1] =	wrdreg $0xFFFFFFFF  }
0xa7: {  	s28 =	simm.s32 $_size_execute0_lowered;
	s2 =	sadd.s32 s2, s4;
	[dreg:$0x0] =	wrdreg $0x0  }
0xa8: {  	s4 =	sshll.u32 s28, $0x1;
	[dreg:$0x2] =	wrdreg s2  }
0xa9: {  	[dreg:$0x3] =	wrdreg s4  }
0xaa: {  	[dreg:$0x4] =	wrdreg $0xC0  }
0xab: {  	_ =	task [dreg:s6], $0x5FFFF  }
0xac: {  	[dreg:$0x1] =	wrdreg $0xFFFFFFFF  }
0xad: {  	[dreg:$0x0] =	wrdreg $0x60  }
0xae: {  	[dreg:$0x2] =	wrdreg s24  }
0xaf: {  	[dreg:$0x3] =	wrdreg $0x90000  }
0xb0: {  	[dreg:$0x4] =	wrdreg $0x9  }
0xb1: {  	_ =	task.clear_ibuf [dreg:s6], $0x5FFFF;
	_ =	strace $0x90000049  }
0xb2: {  	s29 =	simm.s32 $0x9;
	_ =	strace $0x8000004B  }
0xb3: {  	_ =	swait.ge [sflag:s29], $0x1  }
0xb4: {  	[sflag:s29] =	ssyncadd.s32 $0xFFFFFFFF  }
0xb5: {  	_ =	strace $0x9000004B  }
0xb6: {  	_ =	sfence  }
0xb7: {  	s30 =	sld [smem:$0x0];
	_ =	sdelay $0x2  }
0xb8: {  	s31 =	sshll.u32 s1, $0xD;
	s1 =	sshrl.u32 s1, $0x2  }
0xb9: {  	s3 =	sand.u32 $0x4000, s31;
	s1 =	sadd.s32 s1, s30  }
0xba: {  	s0 =	sor.u32 s3, s0;
	s1 =	sshll.u32 s1, $0x11  }
0xbb: {  	s0 =	sor.u32 s1, s0  }
0xbc: {  	s0 =	sadd.s32 $0x8F2B, s0  }
0xbd: {  	[sflag:s0] =	ssyncadd.remote.s32 $0x1  }
0xbe: {  	_ =	sfence.sel $0xFFFF  }
0xbf: {  	[dreg:$0x0] =	wrdreg $0xFFFFFFFF;
	(pc) =	sbr.abs _section_cstart, $3  }
0xc0: {  	[dreg:$0x1] =	wrdreg $0xFFFFFFFF  }
0xc1: {  	_ =	task.clear_ibuf [dreg:s6], $0x2FFFF;
	_ =	strace $0x9FFFFFFF  }
0xc2: {  	(tm) =	ssettm $0x7FFFFFFF  }
0xc3: {  	_ =	shalt  }
tec
execute0_lowered:
.L_overlay_start_1:
0x0: {  	(tag) =	ssettag $0x1  }
0x1: {  	s13 =	stileid.u32  }
0x2: {  	s0 =	srdreg.scid;
	s3 =	rddreg [dreg:$0x0]  }
0x3: {  	s2 =	rddreg [dreg:$0x1];
	s1 =	sand.u32 $0x1, s0;
	s17 =	sshll.u32 s13, $0x1  }
0x4: {  	s14 =	rddreg [dreg:$0x2];
	s0 =	sor.u32 s1, s17;
	s17 =	simm.s32 $0x0  }
0x5: {  	s21 =	simm.s32 $0x400;
	[smem:$0x7FF] =	sst s17  }
0x6: {  	s22 =	simm.s32 $0x2A00;
	_ =	strace $0x8000004A;
	[dreg:$0x7] =	wrdreg s21  }
0x7: {  	s23 =	simm.s32 $0x600;
	[dreg:$0x8] =	wrdreg s22  }
0x8: {  	s24 =	simm.s32 $0x2C00;
	[dreg:$0x9] =	wrdreg s23  }
0x9: {  	s25 =	simm.s32 $0x800;
	s26 =	simm.s32 $0x2E00;
	[dreg:$0xa] =	wrdreg s24  }
0xa: {  	s28 =	simm.s32 $0xA00;
	s29 =	simm.s32 $0x3000;
	[dreg:$0xb] =	wrdreg s25  }
0xb: {  	s30 =	simm.s32 $0xC00;
	s31 =	simm.s32 $0x3200;
	[dreg:$0xc] =	wrdreg s26  }
0xc: {  	s9 =	simm.s32 $0x3600;
	s10 =	simm.s32 $0x1200;
	[dreg:$0xd] =	wrdreg s28  }
0xd: {  	s12 =	simm.s32 $0x3800;
	s15 =	simm.s32 $0x1400;
	[dreg:$0xe] =	wrdreg s29  }
0xe: {  	s16 =	simm.s32 $0x3A00;
	s6 =	smul.u32 $0x2780, s13;
	[dreg:$0xf] =	wrdreg s30  }
0xf: {  	p1 =	por $0x0, $0x0;
	s18 =	smul.u32 $0x27800, s1;
	[dreg:$0x10] =	wrdreg s31  }
0x10: {  	s1 =	ssub.s32 $0x2, s1;
	s4 =	smul.u32 $0x13, s0;
	[dreg:$0x14] =	wrdreg s9  }
0x11: {  	s5 =	smax.u32 s0, $0xF;
	s7 =	sshrl.u32 s6, $0x3;
	[dreg:$0x15] =	wrdreg s10  }
0x12: {  	s11 =	sshrl.u32 s1, $0x1;
	p0 =	slt.u32 s0, $0xF;
	[dreg:$0x16] =	wrdreg s12  }
0x13: {  	s7 =	sadd.s32 s7, s3;
	s1 =	ssub.s32 s1, s11;
	[dreg:$0x17] =	wrdreg s15  }
0x14: {  	[dreg:$0x18] =	wrdreg s16;
	s21 =	simm.s32 $0x3E00;
	s22 =	sshll.u32 s13, $0x6  }
0x15: {  	s23 =	simm.s32 $0x1A00;
	s24 =	simm.s32 $0x4000;
	[dreg:$0x1c] =	wrdreg s21  }
0x16: {  	s25 =	simm.s32 $0x1C00;
	s26 =	simm.s32 $0x4200;
	[dreg:$0x1d] =	wrdreg s23  }
0x17: {  	s9 =	simm.s32 $0x5000;
	s28 =	simm.s32 $0x1E00;
	[dreg:$0x1e] =	wrdreg s24  }
0x18: {  	s29 =	simm.s32 $0x4400;
	s12 =	simm.s32 $0x1;
	[dreg:$0x1f] =	wrdreg s25  }
0x19: {  	s30 =	simm.s32 $0x2000;
	s11 =	simm.s32 $0x4;
	[smem:$0x7F9] =	sst s26  }
0x1a: {  	s31 =	simm.s32 $0x4600;
	s10 =	simm.s32 $0x2;
	[smem:$0x7FA] =	sst s28  }
0x1b: {  	s16 =	simm.s32 $0x4800;
	s15 =	simm.s32 $0x2400;
	[smem:$0x7FB] =	sst s29  }
0x1c: {  	s4 =	sadd.s32 s4, s5;
	s5 =	sadd.s32 s6, s18;
	[smem:$0x7FC] =	sst s30  }
0x1d: {  	s19 =	sadd.s32 $0x6BC00, s7;
	s7 =	simm.s32 $0x3400;
	[smem:$0x7FD] =	sst s31  }
0x1e: {  	s6 =	sadd.s32 s6, s2;
	s1 =	smax.u32 s1, $0x1;
	[dreg:$0x5] =	wrdreg s19  }
0x1f: {  	s18 =	simm.s32 $0x1600;
	s4 =	sshll.u32 s4, $0x6;
	[dreg:$0x12] =	wrdreg s7  }
0x20: {  	s5 =	sshrl.u32 s5, $0x3;
	[dreg:$0x19] =	wrdreg s18;
	s19 =	simm.s32 $0x3C00  }
0x21: {  	s18 =	simm.s32 $0x2800;
	s6 =	sshrl.u32 s6, $0x3;
	s7 =	simm.s32 $0x200  }
0x22: {  	s0 =	sadd.s32 $0xFFFFFFFF, s1;
	s1 =	simm.s32 $0x4A00;
	s4 =	sadd.s32 s3, s4  }
0x23: {  	s5 =	sadd.s32 s5, s3;
	[dreg:$0x1a] =	wrdreg s19;
	s8 =	sadd.s32 $0xB240, s4  }
0x24: {  	p2 =	sne.s32 s0, $0x0;
	s4 =	sadd.s32 $0x1440, s4;
	[dreg:$0x3] =	wrdreg s8  }
.Ltmp0:
0x25: {  	s20 =	sadd.s32 $0x70C00, s5;
	[dreg:$0x4] =	wrdreg s4;
	(pc) =	sbr.rel @!p2 .LBB2_5-.Ltmp0, $4  }
0x26: {  	s19 =	simm.s32 $0x2200;
	s5 =	simm.s32 $0xE00;
	[dreg:$0x6] =	wrdreg s20  }
0x27: {  	[dreg:$0x11] =	wrdreg s5;
	s8 =	simm.s32 $0x1000;
	s4 =	sadd.s32 $0x66C00, s3  }
0x28: {  	s3 =	simm.s32 $0x3;
	s20 =	simm.s32 $0x1800;
	[dreg:$0x13] =	wrdreg s8  }
0x29: {  	s5 =	sor.u32 $0x1C03, s22;
	[dreg:$0x1b] =	wrdreg s20;
	s8 =	simm.s32 $0x7000  }
0x2a: {  	s26 =	rddreg [dreg:$0x3]  }
0x2b: {  	[tilespmem:s17], [sflag:$0x3] =	stream.linear.gather [hbm4b:s26+s17], $0x2800, $0x38;
	[tilespmem:$0xB780] =	vst v63  }
0x2c: {  	_ =	swait.ge [sflag:s3], $0x2800  }
0x2d: {  	[sflag:s3] =	ssyncset.done $0x0  }
0x2e: {  	s13 =	rddreg [dreg:$0x4];
	[sflag:s3] =	ssyncadd.s32 $0xFFFFD800  }
0x2f: {  	[tilespmem:s18], [sflag:$0x3] =	stream.linear.gather [hbm4b:s13+s17], $0x2800, $0x38;
	[tilespmem:$0xB780] =	vst v63  }
0x30: {  	_ =	swait.ge [sflag:s3], $0x2800  }
0x31: {  	[sflag:s3] =	ssyncset.done $0x0  }
0x32: {  	s20 =	rddreg [dreg:$0x5];
	[sflag:s3] =	ssyncadd.s32 $0xFFFFD800  }
0x33: {  	[spmem:s6], [sflag:s5] =	dma.local [hbm:s20], $0x4F0  }
0x34: {  	_ =	swait.ge [sflag:s3], $0x4F0  }
0x35: {  	[sflag:s3] =	ssyncset.done $0x0  }
0x36: {  	[sflag:s3] =	ssyncadd.s32 $0xFFFFFB10  }
0x37: {  	[bflag:$0x0] =	sbarrier.arrive $0xFFFF  }
0x38: {  	[tilespmem:s9], [sflag:$0x1] =	stream.indirect.gather [hbm4b:s4+s7], $0x10, s17, s7, $0xb8;
	[tilespmem:$0xB780] =	vst v63  }
0x39: {  	_ = 	snop  }
0x3a: {  	[tilespmem:s8], [sflag:$0x2] =	stream.indirect.gather [hbm4b:s4+s7], $0x10, s7, s7, $0xb8;
	[tilespmem:$0xB780] =	vst v63  }
0x3b: {  	_ =	swait.ge [sflag:s12], $0x2000  }
0x3c: {  	[sflag:s12] =	ssyncset.done $0x0  }
0x3d: {  	[sflag:s12] =	ssyncadd.s32 $0xFFFFE000  }
0x3e: {  	[spmem:s2] =	stream.indirect.scatter.add.f32 [tilespmem:s9], [sflag:$0x4], $0x10, s18, s7, $0xb8;
	[tilespmem:$0xB780] =	vst v63  }
0x3f: {  	_ =	swait.ge [sflag:s11], $0x2000  }
0x40: {  	[sflag:s11] =	ssyncset.done $0x0  }
0x41: {  	s21 =	rddreg [dreg:$0x7];
	[sflag:s11] =	ssyncadd.s32 $0xFFFFE000  }
0x42: {  	[tilespmem:s9], [sflag:$0x1] =	stream.indirect.gather [hbm4b:s4+s7], $0x10, s21, s7, $0xb8;
	[tilespmem:$0xB780] =	vst v63  }
0x43: {  	_ =	swait.ge [sflag:s10], $0x2000  }
0x44: {  	[sflag:s10] =	ssyncset.done $0x0  }
0x45: {  	s22 =	rddreg [dreg:$0x8];
	[sflag:s10] =	ssyncadd.s32 $0xFFFFE000  }
0x46: {  	[spmem:s2] =	stream.indirect.scatter.add.f32 [tilespmem:s8], [sflag:$0x3], $0x10, s22, s7, $0xb8;
	[tilespmem:$0xB780] =	vst v63  }
0x47: {  	_ =	swait.ge [sflag:s3], $0x2000  }
0x48: {  	[sflag:s3] =	ssyncset.done $0x0  }
0x49: {  	s23 =	rddreg [dreg:$0x9];
	[sflag:s3] =	ssyncadd.s32 $0xFFFFE000  }
0x4a: {  	[tilespmem:s8], [sflag:$0x2] =	stream.indirect.gather [hbm4b:s4+s7], $0x10, s23, s7, $0xb8;
	[tilespmem:$0xB780] =	vst v63  }
0x4b: {  	_ =	swait.ge [sflag:s12], $0x2000  }
0x4c: {  	[sflag:s12] =	ssyncset.done $0x0  }
0x4d: {  	s24 =	rddreg [dreg:$0xa];
	[sflag:s12] =	ssyncadd.s32 $0xFFFFE000  }
0x4e: {  	[spmem:s2] =	stream.indirect.scatter.add.f32 [tilespmem:s9], [sflag:$0x4], $0x10, s24, s7, $0xb8;
	[tilespmem:$0xB780] =	vst v63  }
0x4f: {  	_ =	swait.ge [sflag:s11], $0x2000  }
0x50: {  	[sflag:s11] =	ssyncset.done $0x0  }
0x51: {  	s25 =	rddreg [dreg:$0xb];
	[sflag:s11] =	ssyncadd.s32 $0xFFFFE000  }
0x52: {  	[tilespmem:s9], [sflag:$0x1] =	stream.indirect.gather [hbm4b:s4+s7], $0x10, s25, s7, $0xb8;
	[tilespmem:$0xB780] =	vst v63  }
0x53: {  	_ =	swait.ge [sflag:s10], $0x2000  }
0x54: {  	[sflag:s10] =	ssyncset.done $0x0  }
0x55: {  	s26 =	rddreg [dreg:$0xc];
	[sflag:s10] =	ssyncadd.s32 $0xFFFFE000  }
0x56: {  	[spmem:s2] =	stream.indirect.scatter.add.f32 [tilespmem:s8], [sflag:$0x3], $0x10, s26, s7, $0xb8;
	[tilespmem:$0xB780] =	vst v63  }
0x57: {  	_ =	swait.ge [sflag:s3], $0x2000  }
0x58: {  	[sflag:s3] =	ssyncset.done $0x0  }
0x59: {  	s13 =	rddreg [dreg:$0xd];
	[sflag:s3] =	ssyncadd.s32 $0xFFFFE000  }
0x5a: {  	[tilespmem:s8], [sflag:$0x2] =	stream.indirect.gather [hbm4b:s4+s7], $0x10, s13, s7, $0xb8;
	[tilespmem:$0xB780] =	vst v63  }
0x5b: {  	_ =	swait.ge [sflag:s12], $0x2000  }
0x5c: {  	[sflag:s12] =	ssyncset.done $0x0  }
0x5d: {  	s20 =	rddreg [dreg:$0xe];
	[sflag:s12] =	ssyncadd.s32 $0xFFFFE000  }
0x5e: {  	[spmem:s2] =	stream.indirect.scatter.add.f32 [tilespmem:s9], [sflag:$0x4], $0x10, s20, s7, $0xb8;
	[tilespmem:$0xB780] =	vst v63  }
0x5f: {  	_ =	swait.ge [sflag:s11], $0x2000  }
0x60: {  	[sflag:s11] =	ssyncset.done $0x0  }
0x61: {  	s21 =	rddreg [dreg:$0xf];
	[sflag:s11] =	ssyncadd.s32 $0xFFFFE000  }
0x62: {  	[tilespmem:s9], [sflag:$0x1] =	stream.indirect.gather [hbm4b:s4+s7], $0x10, s21, s7, $0xb8;
	[tilespmem:$0xB780] =	vst v63  }
0x63: {  	_ =	swait.ge [sflag:s10], $0x2000  }
0x64: {  	[sflag:s10] =	ssyncset.done $0x0  }
0x65: {  	s22 =	rddreg [dreg:$0x10];
	[sflag:s10] =	ssyncadd.s32 $0xFFFFE000  }
0x66: {  	[spmem:s2] =	stream.indirect.scatter.add.f32 [tilespmem:s8], [sflag:$0x3], $0x10, s22, s7, $0xb8;
	[tilespmem:$0xB780] =	vst v63  }
0x67: {  	_ =	swait.ge [sflag:s3], $0x2000  }
0x68: {  	[sflag:s3] =	ssyncset.done $0x0  }
0x69: {  	s23 =	rddreg [dreg:$0x11];
	[sflag:s3] =	ssyncadd.s32 $0xFFFFE000  }
0x6a: {  	[tilespmem:s8], [sflag:$0x2] =	stream.indirect.gather [hbm4b:s4+s7], $0x10, s23, s7, $0xb8;
	[tilespmem:$0xB780] =	vst v63  }
0x6b: {  	_ =	swait.ge [sflag:s12], $0x2000  }
0x6c: {  	[sflag:s12] =	ssyncset.done $0x0  }
0x6d: {  	s24 =	rddreg [dreg:$0x12];
	[sflag:s12] =	ssyncadd.s32 $0xFFFFE000  }
0x6e: {  	[spmem:s2] =	stream.indirect.scatter.add.f32 [tilespmem:s9], [sflag:$0x4], $0x10, s24, s7, $0xb8;
	[tilespmem:$0xB780] =	vst v63  }
0x6f: {  	_ =	swait.ge [sflag:s11], $0x2000  }
0x70: {  	[sflag:s11] =	ssyncset.done $0x0  }
0x71: {  	s25 =	rddreg [dreg:$0x13];
	[sflag:s11] =	ssyncadd.s32 $0xFFFFE000  }
0x72: {  	[tilespmem:s9], [sflag:$0x1] =	stream.indirect.gather [hbm4b:s4+s7], $0x10, s25, s7, $0xb8;
	[tilespmem:$0xB780] =	vst v63  }
0x73: {  	_ =	swait.ge [sflag:s10], $0x2000  }
0x74: {  	[sflag:s10] =	ssyncset.done $0x0  }
0x75: {  	s26 =	rddreg [dreg:$0x14];
	[sflag:s10] =	ssyncadd.s32 $0xFFFFE000  }
0x76: {  	[spmem:s2] =	stream.indirect.scatter.add.f32 [tilespmem:s8], [sflag:$0x3], $0x10, s26, s7, $0xb8;
	[tilespmem:$0xB780] =	vst v63  }
0x77: {  	_ =	swait.ge [sflag:s3], $0x2000  }
0x78: {  	[sflag:s3] =	ssyncset.done $0x0  }
0x79: {  	s13 =	rddreg [dreg:$0x15];
	[sflag:s3] =	ssyncadd.s32 $0xFFFFE000  }
0x7a: {  	[tilespmem:s8], [sflag:$0x2] =	stream.indirect.gather [hbm4b:s4+s7], $0x10, s13, s7, $0xb8;
	[tilespmem:$0xB780] =	vst v63  }
0x7b: {  	_ =	swait.ge [sflag:s12], $0x2000  }
0x7c: {  	[sflag:s12] =	ssyncset.done $0x0  }
0x7d: {  	s20 =	rddreg [dreg:$0x16];
	[sflag:s12] =	ssyncadd.s32 $0xFFFFE000  }
0x7e: {  	[spmem:s2] =	stream.indirect.scatter.add.f32 [tilespmem:s9], [sflag:$0x4], $0x10, s20, s7, $0xb8;
	[tilespmem:$0xB780] =	vst v63  }
0x7f: {  	_ =	swait.ge [sflag:s11], $0x2000  }
0x80: {  	[sflag:s11] =	ssyncset.done $0x0  }
0x81: {  	s21 =	rddreg [dreg:$0x17];
	[sflag:s11] =	ssyncadd.s32 $0xFFFFE000  }
0x82: {  	[tilespmem:s9], [sflag:$0x1] =	stream.indirect.gather [hbm4b:s4+s7], $0x10, s21, s7, $0xb8;
	[tilespmem:$0xB780] =	vst v63  }
0x83: {  	_ =	swait.ge [sflag:s10], $0x2000  }
0x84: {  	[sflag:s10] =	ssyncset.done $0x0  }
0x85: {  	s22 =	rddreg [dreg:$0x18];
	[sflag:s10] =	ssyncadd.s32 $0xFFFFE000  }
0x86: {  	[spmem:s2] =	stream.indirect.scatter.add.f32 [tilespmem:s8], [sflag:$0x3], $0x10, s22, s7, $0xb8;
	[tilespmem:$0xB780] =	vst v63  }
0x87: {  	_ =	swait.ge [sflag:s3], $0x2000  }
0x88: {  	[sflag:s3] =	ssyncset.done $0x0  }
0x89: {  	s23 =	rddreg [dreg:$0x19];
	[sflag:s3] =	ssyncadd.s32 $0xFFFFE000  }
0x8a: {  	[tilespmem:s8], [sflag:$0x2] =	stream.indirect.gather [hbm4b:s4+s7], $0x10, s23, s7, $0xb8;
	[tilespmem:$0xB780] =	vst v63  }
0x8b: {  	_ =	swait.ge [sflag:s12], $0x2000  }
0x8c: {  	[sflag:s12] =	ssyncset.done $0x0  }
0x8d: {  	s24 =	rddreg [dreg:$0x1a];
	[sflag:s12] =	ssyncadd.s32 $0xFFFFE000  }
0x8e: {  	[spmem:s2] =	stream.indirect.scatter.add.f32 [tilespmem:s9], [sflag:$0x4], $0x10, s24, s7, $0xb8;
	[tilespmem:$0xB780] =	vst v63  }
0x8f: {  	_ =	swait.ge [sflag:s11], $0x2000  }
0x90: {  	[sflag:s11] =	ssyncset.done $0x0  }
0x91: {  	s25 =	rddreg [dreg:$0x1b];
	[sflag:s11] =	ssyncadd.s32 $0xFFFFE000  }
0x92: {  	[tilespmem:s9], [sflag:$0x1] =	stream.indirect.gather [hbm4b:s4+s7], $0x10, s25, s7, $0xb8;
	[tilespmem:$0xB780] =	vst v63  }
0x93: {  	_ =	swait.ge [sflag:s10], $0x2000  }
0x94: {  	[sflag:s10] =	ssyncset.done $0x0  }
0x95: {  	s26 =	rddreg [dreg:$0x1c];
	[sflag:s10] =	ssyncadd.s32 $0xFFFFE000  }
0x96: {  	[spmem:s2] =	stream.indirect.scatter.add.f32 [tilespmem:s8], [sflag:$0x3], $0x10, s26, s7, $0xb8;
	[tilespmem:$0xB780] =	vst v63  }
0x97: {  	_ =	swait.ge [sflag:s3], $0x2000  }
0x98: {  	[sflag:s3] =	ssyncset.done $0x0  }
0x99: {  	s13 =	rddreg [dreg:$0x1d];
	[sflag:s3] =	ssyncadd.s32 $0xFFFFE000  }
0x9a: {  	[tilespmem:s8], [sflag:$0x2] =	stream.indirect.gather [hbm4b:s4+s7], $0x10, s13, s7, $0xb8;
	[tilespmem:$0xB780] =	vst v63  }
0x9b: {  	_ =	swait.ge [sflag:s12], $0x2000  }
0x9c: {  	[sflag:s12] =	ssyncset.done $0x0  }
0x9d: {  	s20 =	rddreg [dreg:$0x1e];
	[sflag:s12] =	ssyncadd.s32 $0xFFFFE000  }
0x9e: {  	[spmem:s2] =	stream.indirect.scatter.add.f32 [tilespmem:s9], [sflag:$0x4], $0x10, s20, s7, $0xb8;
	[tilespmem:$0xB780] =	vst v63  }
0x9f: {  	_ =	swait.ge [sflag:s11], $0x2000  }
0xa0: {  	[sflag:s11] =	ssyncset.done $0x0  }
0xa1: {  	s21 =	rddreg [dreg:$0x1f];
	[sflag:s11] =	ssyncadd.s32 $0xFFFFE000  }
0xa2: {  	[tilespmem:s9], [sflag:$0x1] =	stream.indirect.gather [hbm4b:s4+s7], $0x10, s21, s7, $0xb8;
	[tilespmem:$0xB780] =	vst v63  }
0xa3: {  	_ =	swait.ge [sflag:s10], $0x2000  }
0xa4: {  	s22 =	sld [smem:$0x7F9]  }
0xa5: {  	[sflag:s10] =	ssyncset.done $0x0  }
0xa6: {  	[sflag:s10] =	ssyncadd.s32 $0xFFFFE000  }
0xa7: {  	[spmem:s2] =	stream.indirect.scatter.add.f32 [tilespmem:s8], [sflag:$0x3], $0x10, s22, s7, $0xb8;
	[tilespmem:$0xB780] =	vst v63  }
0xa8: {  	_ =	swait.ge [sflag:s3], $0x2000  }
0xa9: {  	s23 =	sld [smem:$0x7FA]  }
0xaa: {  	[sflag:s3] =	ssyncset.done $0x0  }
0xab: {  	[sflag:s3] =	ssyncadd.s32 $0xFFFFE000  }
0xac: {  	[tilespmem:s8], [sflag:$0x2] =	stream.indirect.gather [hbm4b:s4+s7], $0x10, s23, s7, $0xb8;
	[tilespmem:$0xB780] =	vst v63  }
0xad: {  	_ =	swait.ge [sflag:s12], $0x2000  }
0xae: {  	s24 =	sld [smem:$0x7FB]  }
0xaf: {  	[sflag:s12] =	ssyncset.done $0x0  }
0xb0: {  	[sflag:s12] =	ssyncadd.s32 $0xFFFFE000  }
0xb1: {  	[spmem:s2] =	stream.indirect.scatter.add.f32 [tilespmem:s9], [sflag:$0x4], $0x10, s24, s7, $0xb8;
	[tilespmem:$0xB780] =	vst v63  }
0xb2: {  	_ =	swait.ge [sflag:s11], $0x2000  }
0xb3: {  	s25 =	sld [smem:$0x7FC]  }
0xb4: {  	[sflag:s11] =	ssyncset.done $0x0  }
0xb5: {  	[sflag:s11] =	ssyncadd.s32 $0xFFFFE000  }
0xb6: {  	[tilespmem:s9], [sflag:$0x1] =	stream.indirect.gather [hbm4b:s4+s7], $0x10, s25, s7, $0xb8;
	[tilespmem:$0xB780] =	vst v63  }
0xb7: {  	_ =	swait.ge [sflag:s10], $0x2000  }
0xb8: {  	s26 =	sld [smem:$0x7FD]  }
0xb9: {  	[sflag:s10] =	ssyncset.done $0x0  }
0xba: {  	[sflag:s10] =	ssyncadd.s32 $0xFFFFE000  }
0xbb: {  	[spmem:s2] =	stream.indirect.scatter.add.f32 [tilespmem:s8], [sflag:$0x3], $0x10, s26, s7, $0xb8;
	[tilespmem:$0xB780] =	vst v63  }
0xbc: {  	_ =	swait.ge [sflag:s3], $0x2000  }
0xbd: {  	[sflag:s3] =	ssyncset.done $0x0  }
0xbe: {  	[sflag:s3] =	ssyncadd.s32 $0xFFFFE000  }
0xbf: {  	[tilespmem:s8], [sflag:$0x2] =	stream.indirect.gather [hbm4b:s4+s7], $0x10, s19, s7, $0xb8;
	[tilespmem:$0xB780] =	vst v63  }
0xc0: {  	_ =	swait.ge [sflag:s12], $0x2000  }
0xc1: {  	[sflag:s12] =	ssyncset.done $0x0  }
0xc2: {  	[sflag:s12] =	ssyncadd.s32 $0xFFFFE000  }
0xc3: {  	[spmem:s2] =	stream.indirect.scatter.add.f32 [tilespmem:s9], [sflag:$0x4], $0x10, s16, s7, $0xb8;
	[tilespmem:$0xB780] =	vst v63  }
0xc4: {  	_ =	swait.ge [sflag:s11], $0x2000  }
0xc5: {  	[sflag:s11] =	ssyncset.done $0x0  }
0xc6: {  	[sflag:s11] =	ssyncadd.s32 $0xFFFFE000  }
0xc7: {  	[tilespmem:s9], [sflag:$0x1] =	stream.indirect.gather [hbm4b:s4+s7], $0x10, s15, s7, $0xb8;
	[tilespmem:$0xB780] =	vst v63  }
0xc8: {  	_ =	swait.ge [sflag:s10], $0x2000  }
0xc9: {  	[sflag:s10] =	ssyncset.done $0x0  }
0xca: {  	[sflag:s10] =	ssyncadd.s32 $0xFFFFE000  }
0xcb: {  	[spmem:s2] =	stream.indirect.scatter.add.f32 [tilespmem:s8], [sflag:$0x3], $0x10, s1, s7, $0xb8;
	[tilespmem:$0xB780] =	vst v63  }
0xcc: {  	_ =	swait.ge [sflag:s3], $0x2000  }
0xcd: {  	[sflag:s3] =	ssyncset.done $0x0  }
0xce: {  	s19 =	simm.s32 @p0 $0x1;
	[sflag:s3] =	ssyncadd.s32 $0xFFFFE000  }
0xcf: {  	s14 =	smov.u32 s0;
	_ =	swait.ge @p0 [sflag:s19], $0x2000  }
0xd0: {  	s0 =	simm.s32 @p0 $0x5000;
	s13 =	simm.s32 @p0 $0x4C00;
	[sflag:s19] =	ssyncset.done @p0 $0x0  }
0xd1: {  	s21 =	simm.s32 @!p0 $0x1;
	s1 =	simm.s32 @p0 $0x200;
	[sflag:s19] =	ssyncadd.s32 @p0 $0xFFFFE000  }
0xd2: {  	[spmem:s2] =	stream.indirect.scatter.add.f32 @p0 [tilespmem:s0], [sflag:$0x4], $0x10, s13, s1, $0xb8;
	[tilespmem:$0xB780] =	vst v63  }
0xd3: {  	s24 =	simm.s32 @!p0 $0x200;
	s25 =	simm.s32 @!p0 $0x2600;
	s26 =	simm.s32 @!p0 $0x7000  }
0xd4: {  	[tilespmem:s26], [sflag:$0x2] =	stream.indirect.gather @!p0 [hbm4b:s4+s24], $0x10, s25, s24, $0xb8;
	[tilespmem:$0xB780] =	vst v63  }
0xd5: {  	_ =	swait.ge @!p0 [sflag:s21], $0x2000  }
0xd6: {  	s28 =	simm.s32 @!p0 $0x4;
	[sflag:s21] =	ssyncset.done @!p0 $0x0  }
0xd7: {  	s29 =	simm.s32 @!p0 $0x4C00;
	s30 =	simm.s32 @!p0 $0x5000;
	[sflag:s21] =	ssyncadd.s32 @!p0 $0xFFFFE000  }
0xd8: {  	[spmem:s2] =	stream.indirect.scatter.add.f32 @!p0 [tilespmem:s30], [sflag:$0x4], $0x10, s29, s24, $0xb8;
	[tilespmem:$0xB780] =	vst v63  }
0xd9: {  	_ =	swait.ge @!p0 [sflag:s28], $0x2000  }
0xda: {  	[sflag:s28] =	ssyncset.done @!p0 $0x0  }
0xdb: {  	s31 =	simm.s32 @!p0 $0x2;
	[sflag:s28] =	ssyncadd.s32 @!p0 $0xFFFFE000  }
0xdc: {  	_ =	swait.ge @!p0 [sflag:s31], $0x2000  }
0xdd: {  	s1 =	simm.s32 @!p0 $0x3;
	[sflag:s31] =	ssyncset.done @!p0 $0x0  }
0xde: {  	s0 =	simm.s32 @!p0 $0x4E00;
	s1 =	simm.s32 @p0 $0x4;
	[sflag:s31] =	ssyncadd.s32 @!p0 $0xFFFFE000  }
0xdf: {  	[spmem:s2] =	stream.indirect.scatter.add.f32 @!p0 [tilespmem:s26], [sflag:$0x3], $0x10, s0, s24, $0xb8;
	[tilespmem:$0xB780] =	vst v63  }
0xe0: {  	_ =	swait.ge [sflag:s1], $0x2000  }
0xe1: {  	[sflag:s1] =	ssyncset.done $0x0  }
0xe2: {  	[sflag:s1] =	ssyncadd.s32 $0xFFFFE000  }
0xe3: {  	[bflag:$0x0] =	sbarrier.arrive $0xFFFF  }
0xe4: {  	s13 =	rddreg [dreg:$0x6]  }
0xe5: {  	[hbm:s13], [sflag:s5] =	dma.local [spmem:s6], $0x4F0  }
0xe6: {  	s13 =	sadd.s32 $0xFFFFFFFF, s14  }
0xe7: {  	p2 =	sne.s32 s13, $0x0  }
.Ltmp1:
0xe8: {  	_ = 	snop;
	(pc) =	sbr.rel @!p2 .LBB2_2-.Ltmp1, $4  }
0xe9: {  	_ = 	snop  }
0xea: {  	p1 =	por $0x1, $0x1  }
0xeb: {  	s20 =	simm.s32 $0x4800;
	s22 =	simm.s32 @p0 $0x4C00;
	s23 =	simm.s32 @p0 $0x200  }
0xec: {  	s16 =	simm.s32 $0x2400;
	s15 =	simm.s32 $0x4A00;
	_ =	swait.ge [sflag:s3], $0x4F0  }
.LBB2_3:
0xed: {  	[sflag:s3] =	ssyncset.done $0x0  }
0xee: {  	s14 =	rddreg [dreg:$0x3];
	[sflag:s3] =	ssyncadd.s32 $0xFFFFFB10  }
0xef: {  	[tilespmem:s17], [sflag:$0x3] =	stream.linear.gather [hbm4b:s14+s17], $0x2800, $0x38;
	[tilespmem:$0xB780] =	vst v63  }
0xf0: {  	_ =	swait.ge [sflag:s3], $0x2800  }
0xf1: {  	[sflag:s3] =	ssyncset.done $0x0  }
0xf2: {  	s14 =	rddreg [dreg:$0x4];
	[sflag:s3] =	ssyncadd.s32 $0xFFFFD800  }
0xf3: {  	[tilespmem:s18], [sflag:$0x3] =	stream.linear.gather [hbm4b:s14+s17], $0x2800, $0x38;
	[tilespmem:$0xB780] =	vst v63  }
0xf4: {  	_ =	swait.ge [sflag:s3], $0x2800  }
0xf5: {  	[sflag:s3] =	ssyncset.done $0x0  }
0xf6: {  	s14 =	rddreg [dreg:$0x5];
	[sflag:s3] =	ssyncadd.s32 $0xFFFFD800  }
0xf7: {  	[spmem:s6], [sflag:s5] =	dma.local [hbm:s14], $0x4F0  }
0xf8: {  	_ =	swait.ge [sflag:s3], $0x4F0  }
0xf9: {  	[sflag:s3] =	ssyncset.done $0x0  }
0xfa: {  	[sflag:s3] =	ssyncadd.s32 $0xFFFFFB10  }
0xfb: {  	[bflag:$0x0] =	sbarrier.arrive $0xFFFF  }
0xfc: {  	[tilespmem:s9], [sflag:$0x1] =	stream.indirect.gather [hbm4b:s4+s7], $0x10, s17, s7, $0xb8;
	[tilespmem:$0xB780] =	vst v63  }
0xfd: {  	_ = 	snop  }
0xfe: {  	[tilespmem:s8], [sflag:$0x2] =	stream.indirect.gather [hbm4b:s4+s7], $0x10, s7, s7, $0xb8;
	[tilespmem:$0xB780] =	vst v63  }
0xff: {  	_ =	swait.ge [sflag:s12], $0x2000  }
0x100: {  	[sflag:s12] =	ssyncset.done $0x0  }
0x101: {  	[sflag:s12] =	ssyncadd.s32 $0xFFFFE000  }
0x102: {  	[spmem:s2] =	stream.indirect.scatter.add.f32 [tilespmem:s9], [sflag:$0x4], $0x10, s18, s7, $0xb8;
	[tilespmem:$0xB780] =	vst v63  }
0x103: {  	_ =	swait.ge [sflag:s11], $0x2000  }
0x104: {  	[sflag:s11] =	ssyncset.done $0x0  }
0x105: {  	s14 =	rddreg [dreg:$0x7];
	[sflag:s11] =	ssyncadd.s32 $0xFFFFE000  }
0x106: {  	[tilespmem:s9], [sflag:$0x1] =	stream.indirect.gather [hbm4b:s4+s7], $0x10, s14, s7, $0xb8;
	[tilespmem:$0xB780] =	vst v63  }
0x107: {  	_ =	swait.ge [sflag:s10], $0x2000  }
0x108: {  	[sflag:s10] =	ssyncset.done $0x0  }
0x109: {  	s14 =	rddreg [dreg:$0x8];
	[sflag:s10] =	ssyncadd.s32 $0xFFFFE000  }
0x10a: {  	[spmem:s2] =	stream.indirect.scatter.add.f32 [tilespmem:s8], [sflag:$0x3], $0x10, s14, s7, $0xb8;
	[tilespmem:$0xB780] =	vst v63  }
0x10b: {  	_ =	swait.ge [sflag:s3], $0x2000  }
0x10c: {  	[sflag:s3] =	ssyncset.done $0x0  }
0x10d: {  	s14 =	rddreg [dreg:$0x9];
	[sflag:s3] =	ssyncadd.s32 $0xFFFFE000  }
0x10e: {  	[tilespmem:s8], [sflag:$0x2] =	stream.indirect.gather [hbm4b:s4+s7], $0x10, s14, s7, $0xb8;
	[tilespmem:$0xB780] =	vst v63  }
0x10f: {  	_ =	swait.ge [sflag:s12], $0x2000  }
0x110: {  	[sflag:s12] =	ssyncset.done $0x0  }
0x111: {  	s14 =	rddreg [dreg:$0xa];
	[sflag:s12] =	ssyncadd.s32 $0xFFFFE000  }
0x112: {  	[spmem:s2] =	stream.indirect.scatter.add.f32 [tilespmem:s9], [sflag:$0x4], $0x10, s14, s7, $0xb8;
	[tilespmem:$0xB780] =	vst v63  }
0x113: {  	_ =	swait.ge [sflag:s11], $0x2000  }
0x114: {  	[sflag:s11] =	ssyncset.done $0x0  }
0x115: {  	s14 =	rddreg [dreg:$0xb];
	[sflag:s11] =	ssyncadd.s32 $0xFFFFE000  }
0x116: {  	[tilespmem:s9], [sflag:$0x1] =	stream.indirect.gather [hbm4b:s4+s7], $0x10, s14, s7, $0xb8;
	[tilespmem:$0xB780] =	vst v63  }
0x117: {  	_ =	swait.ge [sflag:s10], $0x2000  }
0x118: {  	[sflag:s10] =	ssyncset.done $0x0  }
0x119: {  	s14 =	rddreg [dreg:$0xc];
	[sflag:s10] =	ssyncadd.s32 $0xFFFFE000  }
0x11a: {  	[spmem:s2] =	stream.indirect.scatter.add.f32 [tilespmem:s8], [sflag:$0x3], $0x10, s14, s7, $0xb8;
	[tilespmem:$0xB780] =	vst v63  }
0x11b: {  	_ =	swait.ge [sflag:s3], $0x2000  }
0x11c: {  	[sflag:s3] =	ssyncset.done $0x0  }
0x11d: {  	s14 =	rddreg [dreg:$0xd];
	[sflag:s3] =	ssyncadd.s32 $0xFFFFE000  }
0x11e: {  	[tilespmem:s8], [sflag:$0x2] =	stream.indirect.gather [hbm4b:s4+s7], $0x10, s14, s7, $0xb8;
	[tilespmem:$0xB780] =	vst v63  }
0x11f: {  	_ =	swait.ge [sflag:s12], $0x2000  }
0x120: {  	[sflag:s12] =	ssyncset.done $0x0  }
0x121: {  	s14 =	rddreg [dreg:$0xe];
	[sflag:s12] =	ssyncadd.s32 $0xFFFFE000  }
0x122: {  	[spmem:s2] =	stream.indirect.scatter.add.f32 [tilespmem:s9], [sflag:$0x4], $0x10, s14, s7, $0xb8;
	[tilespmem:$0xB780] =	vst v63  }
0x123: {  	_ =	swait.ge [sflag:s11], $0x2000  }
0x124: {  	[sflag:s11] =	ssyncset.done $0x0  }
0x125: {  	s14 =	rddreg [dreg:$0xf];
	[sflag:s11] =	ssyncadd.s32 $0xFFFFE000  }
0x126: {  	[tilespmem:s9], [sflag:$0x1] =	stream.indirect.gather [hbm4b:s4+s7], $0x10, s14, s7, $0xb8;
	[tilespmem:$0xB780] =	vst v63  }
0x127: {  	_ =	swait.ge [sflag:s10], $0x2000  }
0x128: {  	[sflag:s10] =	ssyncset.done $0x0  }
0x129: {  	s14 =	rddreg [dreg:$0x10];
	[sflag:s10] =	ssyncadd.s32 $0xFFFFE000  }
0x12a: {  	[spmem:s2] =	stream.indirect.scatter.add.f32 [tilespmem:s8], [sflag:$0x3], $0x10, s14, s7, $0xb8;
	[tilespmem:$0xB780] =	vst v63  }
0x12b: {  	_ =	swait.ge [sflag:s3], $0x2000  }
0x12c: {  	[sflag:s3] =	ssyncset.done $0x0  }
0x12d: {  	s14 =	rddreg [dreg:$0x11];
	[sflag:s3] =	ssyncadd.s32 $0xFFFFE000  }
0x12e: {  	[tilespmem:s8], [sflag:$0x2] =	stream.indirect.gather [hbm4b:s4+s7], $0x10, s14, s7, $0xb8;
	[tilespmem:$0xB780] =	vst v63  }
0x12f: {  	_ =	swait.ge [sflag:s12], $0x2000  }
0x130: {  	[sflag:s12] =	ssyncset.done $0x0  }
0x131: {  	s14 =	rddreg [dreg:$0x12];
	[sflag:s12] =	ssyncadd.s32 $0xFFFFE000  }
0x132: {  	[spmem:s2] =	stream.indirect.scatter.add.f32 [tilespmem:s9], [sflag:$0x4], $0x10, s14, s7, $0xb8;
	[tilespmem:$0xB780] =	vst v63  }
0x133: {  	_ =	swait.ge [sflag:s11], $0x2000  }
0x134: {  	[sflag:s11] =	ssyncset.done $0x0  }
0x135: {  	s14 =	rddreg [dreg:$0x13];
	[sflag:s11] =	ssyncadd.s32 $0xFFFFE000  }
0x136: {  	[tilespmem:s9], [sflag:$0x1] =	stream.indirect.gather [hbm4b:s4+s7], $0x10, s14, s7, $0xb8;
	[tilespmem:$0xB780] =	vst v63  }
0x137: {  	_ =	swait.ge [sflag:s10], $0x2000  }
0x138: {  	[sflag:s10] =	ssyncset.done $0x0  }
0x139: {  	s14 =	rddreg [dreg:$0x14];
	[sflag:s10] =	ssyncadd.s32 $0xFFFFE000  }
0x13a: {  	[spmem:s2] =	stream.indirect.scatter.add.f32 [tilespmem:s8], [sflag:$0x3], $0x10, s14, s7, $0xb8;
	[tilespmem:$0xB780] =	vst v63  }
0x13b: {  	_ =	swait.ge [sflag:s3], $0x2000  }
0x13c: {  	[sflag:s3] =	ssyncset.done $0x0  }
0x13d: {  	s14 =	rddreg [dreg:$0x15];
	[sflag:s3] =	ssyncadd.s32 $0xFFFFE000  }
0x13e: {  	[tilespmem:s8], [sflag:$0x2] =	stream.indirect.gather [hbm4b:s4+s7], $0x10, s14, s7, $0xb8;
	[tilespmem:$0xB780] =	vst v63  }
0x13f: {  	_ =	swait.ge [sflag:s12], $0x2000  }
0x140: {  	[sflag:s12] =	ssyncset.done $0x0  }
0x141: {  	s14 =	rddreg [dreg:$0x16];
	[sflag:s12] =	ssyncadd.s32 $0xFFFFE000  }
0x142: {  	[spmem:s2] =	stream.indirect.scatter.add.f32 [tilespmem:s9], [sflag:$0x4], $0x10, s14, s7, $0xb8;
	[tilespmem:$0xB780] =	vst v63  }
0x143: {  	_ =	swait.ge [sflag:s11], $0x2000  }
0x144: {  	[sflag:s11] =	ssyncset.done $0x0  }
0x145: {  	s14 =	rddreg [dreg:$0x17];
	[sflag:s11] =	ssyncadd.s32 $0xFFFFE000  }
0x146: {  	[tilespmem:s9], [sflag:$0x1] =	stream.indirect.gather [hbm4b:s4+s7], $0x10, s14, s7, $0xb8;
	[tilespmem:$0xB780] =	vst v63  }
0x147: {  	_ =	swait.ge [sflag:s10], $0x2000  }
0x148: {  	[sflag:s10] =	ssyncset.done $0x0  }
0x149: {  	s14 =	rddreg [dreg:$0x18];
	[sflag:s10] =	ssyncadd.s32 $0xFFFFE000  }
0x14a: {  	[spmem:s2] =	stream.indirect.scatter.add.f32 [tilespmem:s8], [sflag:$0x3], $0x10, s14, s7, $0xb8;
	[tilespmem:$0xB780] =	vst v63  }
0x14b: {  	_ =	swait.ge [sflag:s3], $0x2000  }
0x14c: {  	[sflag:s3] =	ssyncset.done $0x0  }
0x14d: {  	s14 =	rddreg [dreg:$0x19];
	[sflag:s3] =	ssyncadd.s32 $0xFFFFE000  }
0x14e: {  	[tilespmem:s8], [sflag:$0x2] =	stream.indirect.gather [hbm4b:s4+s7], $0x10, s14, s7, $0xb8;
	[tilespmem:$0xB780] =	vst v63  }
0x14f: {  	_ =	swait.ge [sflag:s12], $0x2000  }
0x150: {  	[sflag:s12] =	ssyncset.done $0x0  }
0x151: {  	s14 =	rddreg [dreg:$0x1a];
	[sflag:s12] =	ssyncadd.s32 $0xFFFFE000  }
0x152: {  	[spmem:s2] =	stream.indirect.scatter.add.f32 [tilespmem:s9], [sflag:$0x4], $0x10, s14, s7, $0xb8;
	[tilespmem:$0xB780] =	vst v63  }
0x153: {  	_ =	swait.ge [sflag:s11], $0x2000  }
0x154: {  	[sflag:s11] =	ssyncset.done $0x0  }
0x155: {  	s14 =	rddreg [dreg:$0x1b];
	[sflag:s11] =	ssyncadd.s32 $0xFFFFE000  }
0x156: {  	[tilespmem:s9], [sflag:$0x1] =	stream.indirect.gather [hbm4b:s4+s7], $0x10, s14, s7, $0xb8;
	[tilespmem:$0xB780] =	vst v63  }
0x157: {  	_ =	swait.ge [sflag:s10], $0x2000  }
0x158: {  	[sflag:s10] =	ssyncset.done $0x0  }
0x159: {  	s14 =	rddreg [dreg:$0x1c];
	[sflag:s10] =	ssyncadd.s32 $0xFFFFE000  }
0x15a: {  	[spmem:s2] =	stream.indirect.scatter.add.f32 [tilespmem:s8], [sflag:$0x3], $0x10, s14, s7, $0xb8;
	[tilespmem:$0xB780] =	vst v63  }
0x15b: {  	_ =	swait.ge [sflag:s3], $0x2000  }
0x15c: {  	[sflag:s3] =	ssyncset.done $0x0  }
0x15d: {  	s14 =	rddreg [dreg:$0x1d];
	[sflag:s3] =	ssyncadd.s32 $0xFFFFE000  }
0x15e: {  	[tilespmem:s8], [sflag:$0x2] =	stream.indirect.gather [hbm4b:s4+s7], $0x10, s14, s7, $0xb8;
	[tilespmem:$0xB780] =	vst v63  }
0x15f: {  	_ =	swait.ge [sflag:s12], $0x2000  }
0x160: {  	[sflag:s12] =	ssyncset.done $0x0  }
0x161: {  	s14 =	rddreg [dreg:$0x1e];
	[sflag:s12] =	ssyncadd.s32 $0xFFFFE000  }
0x162: {  	[spmem:s2] =	stream.indirect.scatter.add.f32 [tilespmem:s9], [sflag:$0x4], $0x10, s14, s7, $0xb8;
	[tilespmem:$0xB780] =	vst v63  }
0x163: {  	_ =	swait.ge [sflag:s11], $0x2000  }
0x164: {  	[sflag:s11] =	ssyncset.done $0x0  }
0x165: {  	s14 =	rddreg [dreg:$0x1f];
	[sflag:s11] =	ssyncadd.s32 $0xFFFFE000  }
0x166: {  	[tilespmem:s9], [sflag:$0x1] =	stream.indirect.gather [hbm4b:s4+s7], $0x10, s14, s7, $0xb8;
	[tilespmem:$0xB780] =	vst v63  }
0x167: {  	_ =	swait.ge [sflag:s10], $0x2000  }
0x168: {  	s14 =	sld [smem:$0x7F9]  }
0x169: {  	[sflag:s10] =	ssyncset.done $0x0  }
0x16a: {  	[sflag:s10] =	ssyncadd.s32 $0xFFFFE000  }
0x16b: {  	[spmem:s2] =	stream.indirect.scatter.add.f32 [tilespmem:s8], [sflag:$0x3], $0x10, s14, s7, $0xb8;
	[tilespmem:$0xB780] =	vst v63  }
0x16c: {  	_ =	swait.ge [sflag:s3], $0x2000  }
0x16d: {  	s14 =	sld [smem:$0x7FA]  }
0x16e: {  	[sflag:s3] =	ssyncset.done $0x0  }
0x16f: {  	[sflag:s3] =	ssyncadd.s32 $0xFFFFE000  }
0x170: {  	[tilespmem:s8], [sflag:$0x2] =	stream.indirect.gather [hbm4b:s4+s7], $0x10, s14, s7, $0xb8;
	[tilespmem:$0xB780] =	vst v63  }
0x171: {  	_ =	swait.ge [sflag:s12], $0x2000  }
0x172: {  	s14 =	sld [smem:$0x7FB]  }
0x173: {  	[sflag:s12] =	ssyncset.done $0x0  }
0x174: {  	[sflag:s12] =	ssyncadd.s32 $0xFFFFE000  }
0x175: {  	[spmem:s2] =	stream.indirect.scatter.add.f32 [tilespmem:s9], [sflag:$0x4], $0x10, s14, s7, $0xb8;
	[tilespmem:$0xB780] =	vst v63  }
0x176: {  	_ =	swait.ge [sflag:s11], $0x2000  }
0x177: {  	s14 =	sld [smem:$0x7FC]  }
0x178: {  	[sflag:s11] =	ssyncset.done $0x0  }
0x179: {  	[sflag:s11] =	ssyncadd.s32 $0xFFFFE000  }
0x17a: {  	[tilespmem:s9], [sflag:$0x1] =	stream.indirect.gather [hbm4b:s4+s7], $0x10, s14, s7, $0xb8;
	[tilespmem:$0xB780] =	vst v63  }
0x17b: {  	_ =	swait.ge [sflag:s10], $0x2000  }
0x17c: {  	s14 =	sld [smem:$0x7FD]  }
0x17d: {  	[sflag:s10] =	ssyncset.done $0x0  }
0x17e: {  	[sflag:s10] =	ssyncadd.s32 $0xFFFFE000  }
0x17f: {  	[spmem:s2] =	stream.indirect.scatter.add.f32 [tilespmem:s8], [sflag:$0x3], $0x10, s14, s7, $0xb8;
	[tilespmem:$0xB780] =	vst v63  }
0x180: {  	_ =	swait.ge [sflag:s3], $0x2000  }
0x181: {  	[sflag:s3] =	ssyncset.done $0x0  }
0x182: {  	s14 =	simm.s32 $0x2200;
	[sflag:s3] =	ssyncadd.s32 $0xFFFFE000  }
0x183: {  	[tilespmem:s8], [sflag:$0x2] =	stream.indirect.gather [hbm4b:s4+s7], $0x10, s14, s7, $0xb8;
	[tilespmem:$0xB780] =	vst v63  }
0x184: {  	_ =	swait.ge [sflag:s12], $0x2000  }
0x185: {  	[sflag:s12] =	ssyncset.done $0x0  }
0x186: {  	[sflag:s12] =	ssyncadd.s32 $0xFFFFE000  }
0x187: {  	[spmem:s2] =	stream.indirect.scatter.add.f32 [tilespmem:s9], [sflag:$0x4], $0x10, s20, s7, $0xb8;
	[tilespmem:$0xB780] =	vst v63  }
0x188: {  	_ =	swait.ge [sflag:s11], $0x2000  }
0x189: {  	[sflag:s11] =	ssyncset.done $0x0  }
0x18a: {  	[sflag:s11] =	ssyncadd.s32 $0xFFFFE000  }
0x18b: {  	[tilespmem:s9], [sflag:$0x1] =	stream.indirect.gather [hbm4b:s4+s7], $0x10, s16, s7, $0xb8;
	[tilespmem:$0xB780] =	vst v63  }
0x18c: {  	_ =	swait.ge [sflag:s10], $0x2000  }
0x18d: {  	[sflag:s10] =	ssyncset.done $0x0  }
0x18e: {  	[sflag:s10] =	ssyncadd.s32 $0xFFFFE000  }
0x18f: {  	[spmem:s2] =	stream.indirect.scatter.add.f32 [tilespmem:s8], [sflag:$0x3], $0x10, s15, s7, $0xb8;
	[tilespmem:$0xB780] =	vst v63  }
0x190: {  	_ =	swait.ge [sflag:s3], $0x2000  }
0x191: {  	[sflag:s3] =	ssyncset.done $0x0  }
0x192: {  	[sflag:s3] =	ssyncadd.s32 $0xFFFFE000  }
0x193: {  	_ =	swait.ge @p0 [sflag:s19], $0x2000  }
0x194: {  	[sflag:s19] =	ssyncset.done @p0 $0x0  }
0x195: {  	s14 =	simm.s32 @p0 $0x5000;
	[sflag:s19] =	ssyncadd.s32 @p0 $0xFFFFE000  }
0x196: {  	[spmem:s2] =	stream.indirect.scatter.add.f32 @p0 [tilespmem:s14], [sflag:$0x4], $0x10, s22, s23, $0xb8;
	[tilespmem:$0xB780] =	vst v63  }
0x197: {  	_ = 	snop  }
0x198: {  	[tilespmem:s26], [sflag:$0x2] =	stream.indirect.gather @!p0 [hbm4b:s4+s24], $0x10, s25, s24, $0xb8;
	[tilespmem:$0xB780] =	vst v63  }
0x199: {  	_ =	swait.ge @!p0 [sflag:s21], $0x2000  }
0x19a: {  	[sflag:s21] =	ssyncset.done @!p0 $0x0  }
0x19b: {  	[sflag:s21] =	ssyncadd.s32 @!p0 $0xFFFFE000  }
0x19c: {  	[spmem:s2] =	stream.indirect.scatter.add.f32 @!p0 [tilespmem:s30], [sflag:$0x4], $0x10, s29, s24, $0xb8;
	[tilespmem:$0xB780] =	vst v63  }
0x19d: {  	_ =	swait.ge @!p0 [sflag:s28], $0x2000  }
0x19e: {  	[sflag:s28] =	ssyncset.done @!p0 $0x0  }
0x19f: {  	[sflag:s28] =	ssyncadd.s32 @!p0 $0xFFFFE000  }
0x1a0: {  	_ =	swait.ge @!p0 [sflag:s31], $0x2000  }
0x1a1: {  	[sflag:s31] =	ssyncset.done @!p0 $0x0  }
0x1a2: {  	[sflag:s31] =	ssyncadd.s32 @!p0 $0xFFFFE000  }
0x1a3: {  	[spmem:s2] =	stream.indirect.scatter.add.f32 @!p0 [tilespmem:s26], [sflag:$0x3], $0x10, s0, s24, $0xb8;
	[tilespmem:$0xB780] =	vst v63  }
0x1a4: {  	s13 =	sadd.s32 $0xFFFFFFFF, s13;
	_ =	swait.ge [sflag:s1], $0x2000  }
0x1a5: {  	p2 =	sne.s32 s13, $0x0;
	[sflag:s1] =	ssyncset.done $0x0  }
.Ltmp2:
0x1a6: {  	[sflag:s1] =	ssyncadd.s32 $0xFFFFE000;
	(pc) =	sbr.rel @p2 .LBB2_3-.Ltmp2, $4  }
0x1a7: {  	[bflag:$0x0] =	sbarrier.arrive $0xFFFF  }
0x1a8: {  	s14 =	rddreg [dreg:$0x6]  }
0x1a9: {  	[hbm:s14], [sflag:s5] =	dma.local [spmem:s6], $0x4F0  }
0x1aa: {  	_ =	swait.ge [sflag:s3], $0x4F0  }
0x1ab: {  	s13 =	stileid.u32;
	s14 =	rddreg [dreg:$0x2];
	s1 =	simm.s32 $0x4A00  }
0x1ac: {  	s15 =	simm.s32 $0x2400;
	s16 =	simm.s32 $0x4800;
	s19 =	simm.s32 $0x2200  }
.LBB2_5:
0x1ad: {  	[sflag:s3] =	ssyncset.done @p1 $0x0  }
0x1ae: {  	s0 =	rddreg [dreg:$0x3];
	[sflag:s3] =	ssyncadd.s32 @p1 $0xFFFFFB10  }
0x1af: {  	[tilespmem:s17], [sflag:$0x3] =	stream.linear.gather [hbm4b:s0+s17], $0x2800, $0x38;
	[tilespmem:$0xB780] =	vst v63  }
0x1b0: {  	_ =	swait.ge [sflag:s3], $0x2800  }
0x1b1: {  	[sflag:s3] =	ssyncset.done $0x0  }
0x1b2: {  	s24 =	rddreg [dreg:$0x4];
	[sflag:s3] =	ssyncadd.s32 $0xFFFFD800  }
0x1b3: {  	[tilespmem:s18], [sflag:$0x3] =	stream.linear.gather [hbm4b:s24+s17], $0x2800, $0x38;
	[tilespmem:$0xB780] =	vst v63  }
0x1b4: {  	_ =	swait.ge [sflag:s3], $0x2800  }
0x1b5: {  	[sflag:s3] =	ssyncset.done $0x0  }
0x1b6: {  	s25 =	rddreg [dreg:$0x5];
	[sflag:s3] =	ssyncadd.s32 $0xFFFFD800  }
0x1b7: {  	[spmem:s6], [sflag:s5] =	dma.local [hbm:s25], $0x4F0  }
0x1b8: {  	_ =	swait.ge [sflag:s3], $0x4F0  }
0x1b9: {  	[sflag:s3] =	ssyncset.done $0x0  }
0x1ba: {  	[sflag:s3] =	ssyncadd.s32 $0xFFFFFB10  }
0x1bb: {  	[bflag:$0x0] =	sbarrier.arrive $0xFFFF  }
0x1bc: {  	[tilespmem:s9], [sflag:$0x1] =	stream.indirect.gather [hbm4b:s4+s7], $0x10, s17, s7, $0xb8;
	[tilespmem:$0xB780] =	vst v63  }
0x1bd: {  	_ = 	snop  }
0x1be: {  	[tilespmem:s8], [sflag:$0x2] =	stream.indirect.gather [hbm4b:s4+s7], $0x10, s7, s7, $0xb8;
	[tilespmem:$0xB780] =	vst v63  }
0x1bf: {  	_ =	swait.ge [sflag:s12], $0x2000  }
0x1c0: {  	[sflag:s12] =	ssyncset.done $0x0  }
0x1c1: {  	[sflag:s12] =	ssyncadd.s32 $0xFFFFE000  }
0x1c2: {  	[spmem:s2] =	stream.indirect.scatter.add.f32 [tilespmem:s9], [sflag:$0x4], $0x10, s18, s7, $0xb8;
	[tilespmem:$0xB780] =	vst v63  }
0x1c3: {  	_ =	swait.ge [sflag:s11], $0x2000  }
0x1c4: {  	[sflag:s11] =	ssyncset.done $0x0  }
0x1c5: {  	s26 =	rddreg [dreg:$0x7];
	[sflag:s11] =	ssyncadd.s32 $0xFFFFE000  }
0x1c6: {  	[tilespmem:s9], [sflag:$0x1] =	stream.indirect.gather [hbm4b:s4+s7], $0x10, s26, s7, $0xb8;
	[tilespmem:$0xB780] =	vst v63  }
0x1c7: {  	_ =	swait.ge [sflag:s10], $0x2000  }
0x1c8: {  	[sflag:s10] =	ssyncset.done $0x0  }
0x1c9: {  	s28 =	rddreg [dreg:$0x8];
	[sflag:s10] =	ssyncadd.s32 $0xFFFFE000  }
0x1ca: {  	[spmem:s2] =	stream.indirect.scatter.add.f32 [tilespmem:s8], [sflag:$0x3], $0x10, s28, s7, $0xb8;
	[tilespmem:$0xB780] =	vst v63  }
0x1cb: {  	_ =	swait.ge [sflag:s3], $0x2000  }
0x1cc: {  	[sflag:s3] =	ssyncset.done $0x0  }
0x1cd: {  	s29 =	rddreg [dreg:$0x9];
	[sflag:s3] =	ssyncadd.s32 $0xFFFFE000  }
0x1ce: {  	[tilespmem:s8], [sflag:$0x2] =	stream.indirect.gather [hbm4b:s4+s7], $0x10, s29, s7, $0xb8;
	[tilespmem:$0xB780] =	vst v63  }
0x1cf: {  	_ =	swait.ge [sflag:s12], $0x2000  }
0x1d0: {  	[sflag:s12] =	ssyncset.done $0x0  }
0x1d1: {  	s30 =	rddreg [dreg:$0xa];
	[sflag:s12] =	ssyncadd.s32 $0xFFFFE000  }
0x1d2: {  	[spmem:s2] =	stream.indirect.scatter.add.f32 [tilespmem:s9], [sflag:$0x4], $0x10, s30, s7, $0xb8;
	[tilespmem:$0xB780] =	vst v63  }
0x1d3: {  	_ =	swait.ge [sflag:s11], $0x2000  }
0x1d4: {  	[sflag:s11] =	ssyncset.done $0x0  }
0x1d5: {  	s31 =	rddreg [dreg:$0xb];
	[sflag:s11] =	ssyncadd.s32 $0xFFFFE000  }
0x1d6: {  	[tilespmem:s9], [sflag:$0x1] =	stream.indirect.gather [hbm4b:s4+s7], $0x10, s31, s7, $0xb8;
	[tilespmem:$0xB780] =	vst v63  }
0x1d7: {  	_ =	swait.ge [sflag:s10], $0x2000  }
0x1d8: {  	[sflag:s10] =	ssyncset.done $0x0  }
0x1d9: {  	s17 =	rddreg [dreg:$0xc];
	[sflag:s10] =	ssyncadd.s32 $0xFFFFE000  }
0x1da: {  	[spmem:s2] =	stream.indirect.scatter.add.f32 [tilespmem:s8], [sflag:$0x3], $0x10, s17, s7, $0xb8;
	[tilespmem:$0xB780] =	vst v63  }
0x1db: {  	_ =	swait.ge [sflag:s3], $0x2000  }
0x1dc: {  	[sflag:s3] =	ssyncset.done $0x0  }
0x1dd: {  	s18 =	rddreg [dreg:$0xd];
	[sflag:s3] =	ssyncadd.s32 $0xFFFFE000  }
0x1de: {  	[tilespmem:s8], [sflag:$0x2] =	stream.indirect.gather [hbm4b:s4+s7], $0x10, s18, s7, $0xb8;
	[tilespmem:$0xB780] =	vst v63  }
0x1df: {  	_ =	swait.ge [sflag:s12], $0x2000  }
0x1e0: {  	[sflag:s12] =	ssyncset.done $0x0  }
0x1e1: {  	s20 =	rddreg [dreg:$0xe];
	[sflag:s12] =	ssyncadd.s32 $0xFFFFE000  }
0x1e2: {  	[spmem:s2] =	stream.indirect.scatter.add.f32 [tilespmem:s9], [sflag:$0x4], $0x10, s20, s7, $0xb8;
	[tilespmem:$0xB780] =	vst v63  }
0x1e3: {  	_ =	swait.ge [sflag:s11], $0x2000  }
0x1e4: {  	[sflag:s11] =	ssyncset.done $0x0  }
0x1e5: {  	s21 =	rddreg [dreg:$0xf];
	[sflag:s11] =	ssyncadd.s32 $0xFFFFE000  }
0x1e6: {  	[tilespmem:s9], [sflag:$0x1] =	stream.indirect.gather [hbm4b:s4+s7], $0x10, s21, s7, $0xb8;
	[tilespmem:$0xB780] =	vst v63  }
0x1e7: {  	_ =	swait.ge [sflag:s10], $0x2000  }
0x1e8: {  	[sflag:s10] =	ssyncset.done $0x0  }
0x1e9: {  	s22 =	rddreg [dreg:$0x10];
	[sflag:s10] =	ssyncadd.s32 $0xFFFFE000  }
0x1ea: {  	[spmem:s2] =	stream.indirect.scatter.add.f32 [tilespmem:s8], [sflag:$0x3], $0x10, s22, s7, $0xb8;
	[tilespmem:$0xB780] =	vst v63  }
0x1eb: {  	_ =	swait.ge [sflag:s3], $0x2000  }
0x1ec: {  	[sflag:s3] =	ssyncset.done $0x0  }
0x1ed: {  	s23 =	rddreg [dreg:$0x11];
	[sflag:s3] =	ssyncadd.s32 $0xFFFFE000  }
0x1ee: {  	[tilespmem:s8], [sflag:$0x2] =	stream.indirect.gather [hbm4b:s4+s7], $0x10, s23, s7, $0xb8;
	[tilespmem:$0xB780] =	vst v63  }
0x1ef: {  	_ =	swait.ge [sflag:s12], $0x2000  }
0x1f0: {  	[sflag:s12] =	ssyncset.done $0x0  }
0x1f1: {  	s24 =	rddreg [dreg:$0x12];
	[sflag:s12] =	ssyncadd.s32 $0xFFFFE000  }
0x1f2: {  	[spmem:s2] =	stream.indirect.scatter.add.f32 [tilespmem:s9], [sflag:$0x4], $0x10, s24, s7, $0xb8;
	[tilespmem:$0xB780] =	vst v63  }
0x1f3: {  	_ =	swait.ge [sflag:s11], $0x2000  }
0x1f4: {  	[sflag:s11] =	ssyncset.done $0x0  }
0x1f5: {  	s25 =	rddreg [dreg:$0x13];
	[sflag:s11] =	ssyncadd.s32 $0xFFFFE000  }
0x1f6: {  	[tilespmem:s9], [sflag:$0x1] =	stream.indirect.gather [hbm4b:s4+s7], $0x10, s25, s7, $0xb8;
	[tilespmem:$0xB780] =	vst v63  }
0x1f7: {  	_ =	swait.ge [sflag:s10], $0x2000  }
0x1f8: {  	[sflag:s10] =	ssyncset.done $0x0  }
0x1f9: {  	s26 =	rddreg [dreg:$0x14];
	[sflag:s10] =	ssyncadd.s32 $0xFFFFE000  }
0x1fa: {  	[spmem:s2] =	stream.indirect.scatter.add.f32 [tilespmem:s8], [sflag:$0x3], $0x10, s26, s7, $0xb8;
	[tilespmem:$0xB780] =	vst v63  }
0x1fb: {  	_ =	swait.ge [sflag:s3], $0x2000  }
0x1fc: {  	[sflag:s3] =	ssyncset.done $0x0  }
0x1fd: {  	s28 =	rddreg [dreg:$0x15];
	[sflag:s3] =	ssyncadd.s32 $0xFFFFE000  }
0x1fe: {  	[tilespmem:s8], [sflag:$0x2] =	stream.indirect.gather [hbm4b:s4+s7], $0x10, s28, s7, $0xb8;
	[tilespmem:$0xB780] =	vst v63  }
0x1ff: {  	_ =	swait.ge [sflag:s12], $0x2000  }
0x200: {  	[sflag:s12] =	ssyncset.done $0x0  }
0x201: {  	s29 =	rddreg [dreg:$0x16];
	[sflag:s12] =	ssyncadd.s32 $0xFFFFE000  }
0x202: {  	[spmem:s2] =	stream.indirect.scatter.add.f32 [tilespmem:s9], [sflag:$0x4], $0x10, s29, s7, $0xb8;
	[tilespmem:$0xB780] =	vst v63  }
0x203: {  	_ =	swait.ge [sflag:s11], $0x2000  }
0x204: {  	[sflag:s11] =	ssyncset.done $0x0  }
0x205: {  	s30 =	rddreg [dreg:$0x17];
	[sflag:s11] =	ssyncadd.s32 $0xFFFFE000  }
0x206: {  	[tilespmem:s9], [sflag:$0x1] =	stream.indirect.gather [hbm4b:s4+s7], $0x10, s30, s7, $0xb8;
	[tilespmem:$0xB780] =	vst v63  }
0x207: {  	_ =	swait.ge [sflag:s10], $0x2000  }
0x208: {  	[sflag:s10] =	ssyncset.done $0x0  }
0x209: {  	s31 =	rddreg [dreg:$0x18];
	[sflag:s10] =	ssyncadd.s32 $0xFFFFE000  }
0x20a: {  	[spmem:s2] =	stream.indirect.scatter.add.f32 [tilespmem:s8], [sflag:$0x3], $0x10, s31, s7, $0xb8;
	[tilespmem:$0xB780] =	vst v63  }
0x20b: {  	_ =	swait.ge [sflag:s3], $0x2000  }
0x20c: {  	[sflag:s3] =	ssyncset.done $0x0  }
0x20d: {  	s17 =	rddreg [dreg:$0x19];
	[sflag:s3] =	ssyncadd.s32 $0xFFFFE000  }
0x20e: {  	[tilespmem:s8], [sflag:$0x2] =	stream.indirect.gather [hbm4b:s4+s7], $0x10, s17, s7, $0xb8;
	[tilespmem:$0xB780] =	vst v63  }
0x20f: {  	_ =	swait.ge [sflag:s12], $0x2000  }
0x210: {  	[sflag:s12] =	ssyncset.done $0x0  }
0x211: {  	s18 =	rddreg [dreg:$0x1a];
	[sflag:s12] =	ssyncadd.s32 $0xFFFFE000  }
0x212: {  	[spmem:s2] =	stream.indirect.scatter.add.f32 [tilespmem:s9], [sflag:$0x4], $0x10, s18, s7, $0xb8;
	[tilespmem:$0xB780] =	vst v63  }
0x213: {  	_ =	swait.ge [sflag:s11], $0x2000  }
0x214: {  	[sflag:s11] =	ssyncset.done $0x0  }
0x215: {  	s20 =	rddreg [dreg:$0x1b];
	[sflag:s11] =	ssyncadd.s32 $0xFFFFE000  }
0x216: {  	[tilespmem:s9], [sflag:$0x1] =	stream.indirect.gather [hbm4b:s4+s7], $0x10, s20, s7, $0xb8;
	[tilespmem:$0xB780] =	vst v63  }
0x217: {  	_ =	swait.ge [sflag:s10], $0x2000  }
0x218: {  	[sflag:s10] =	ssyncset.done $0x0  }
0x219: {  	s21 =	rddreg [dreg:$0x1c];
	[sflag:s10] =	ssyncadd.s32 $0xFFFFE000  }
0x21a: {  	[spmem:s2] =	stream.indirect.scatter.add.f32 [tilespmem:s8], [sflag:$0x3], $0x10, s21, s7, $0xb8;
	[tilespmem:$0xB780] =	vst v63  }
0x21b: {  	_ =	swait.ge [sflag:s3], $0x2000  }
0x21c: {  	[sflag:s3] =	ssyncset.done $0x0  }
0x21d: {  	s22 =	rddreg [dreg:$0x1d];
	[sflag:s3] =	ssyncadd.s32 $0xFFFFE000  }
0x21e: {  	[tilespmem:s8], [sflag:$0x2] =	stream.indirect.gather [hbm4b:s4+s7], $0x10, s22, s7, $0xb8;
	[tilespmem:$0xB780] =	vst v63  }
0x21f: {  	_ =	swait.ge [sflag:s12], $0x2000  }
0x220: {  	[sflag:s12] =	ssyncset.done $0x0  }
0x221: {  	s23 =	rddreg [dreg:$0x1e];
	[sflag:s12] =	ssyncadd.s32 $0xFFFFE000  }
0x222: {  	[spmem:s2] =	stream.indirect.scatter.add.f32 [tilespmem:s9], [sflag:$0x4], $0x10, s23, s7, $0xb8;
	[tilespmem:$0xB780] =	vst v63  }
0x223: {  	_ =	swait.ge [sflag:s11], $0x2000  }
0x224: {  	[sflag:s11] =	ssyncset.done $0x0  }
0x225: {  	s24 =	rddreg [dreg:$0x1f];
	[sflag:s11] =	ssyncadd.s32 $0xFFFFE000  }
0x226: {  	[tilespmem:s9], [sflag:$0x1] =	stream.indirect.gather [hbm4b:s4+s7], $0x10, s24, s7, $0xb8;
	[tilespmem:$0xB780] =	vst v63  }
0x227: {  	_ =	swait.ge [sflag:s10], $0x2000  }
0x228: {  	s25 =	sld [smem:$0x7F9]  }
0x229: {  	[sflag:s10] =	ssyncset.done $0x0  }
0x22a: {  	[sflag:s10] =	ssyncadd.s32 $0xFFFFE000  }
0x22b: {  	[spmem:s2] =	stream.indirect.scatter.add.f32 [tilespmem:s8], [sflag:$0x3], $0x10, s25, s7, $0xb8;
	[tilespmem:$0xB780] =	vst v63  }
0x22c: {  	_ =	swait.ge [sflag:s3], $0x2000  }
0x22d: {  	s26 =	sld [smem:$0x7FA]  }
0x22e: {  	[sflag:s3] =	ssyncset.done $0x0  }
0x22f: {  	[sflag:s3] =	ssyncadd.s32 $0xFFFFE000  }
0x230: {  	[tilespmem:s8], [sflag:$0x2] =	stream.indirect.gather [hbm4b:s4+s7], $0x10, s26, s7, $0xb8;
	[tilespmem:$0xB780] =	vst v63  }
0x231: {  	_ =	swait.ge [sflag:s12], $0x2000  }
0x232: {  	s28 =	sld [smem:$0x7FB]  }
0x233: {  	[sflag:s12] =	ssyncset.done $0x0  }
0x234: {  	[sflag:s12] =	ssyncadd.s32 $0xFFFFE000  }
0x235: {  	[spmem:s2] =	stream.indirect.scatter.add.f32 [tilespmem:s9], [sflag:$0x4], $0x10, s28, s7, $0xb8;
	[tilespmem:$0xB780] =	vst v63  }
0x236: {  	_ =	swait.ge [sflag:s11], $0x2000  }
0x237: {  	s29 =	sld [smem:$0x7FC]  }
0x238: {  	[sflag:s11] =	ssyncset.done $0x0  }
0x239: {  	[sflag:s11] =	ssyncadd.s32 $0xFFFFE000  }
0x23a: {  	[tilespmem:s9], [sflag:$0x1] =	stream.indirect.gather [hbm4b:s4+s7], $0x10, s29, s7, $0xb8;
	[tilespmem:$0xB780] =	vst v63  }
0x23b: {  	_ =	swait.ge [sflag:s10], $0x2000  }
0x23c: {  	s30 =	sld [smem:$0x7FD]  }
0x23d: {  	[sflag:s10] =	ssyncset.done $0x0  }
0x23e: {  	[sflag:s10] =	ssyncadd.s32 $0xFFFFE000  }
0x23f: {  	[spmem:s2] =	stream.indirect.scatter.add.f32 [tilespmem:s8], [sflag:$0x3], $0x10, s30, s7, $0xb8;
	[tilespmem:$0xB780] =	vst v63  }
0x240: {  	_ =	swait.ge [sflag:s3], $0x2000  }
0x241: {  	[sflag:s3] =	ssyncset.done $0x0  }
0x242: {  	[sflag:s3] =	ssyncadd.s32 $0xFFFFE000  }
0x243: {  	[tilespmem:s8], [sflag:$0x2] =	stream.indirect.gather [hbm4b:s4+s7], $0x10, s19, s7, $0xb8;
	[tilespmem:$0xB780] =	vst v63  }
0x244: {  	_ =	swait.ge [sflag:s12], $0x2000  }
0x245: {  	[sflag:s12] =	ssyncset.done $0x0  }
0x246: {  	[sflag:s12] =	ssyncadd.s32 $0xFFFFE000  }
0x247: {  	[spmem:s2] =	stream.indirect.scatter.add.f32 [tilespmem:s9], [sflag:$0x4], $0x10, s16, s7, $0xb8;
	[tilespmem:$0xB780] =	vst v63  }
0x248: {  	_ =	swait.ge [sflag:s11], $0x2000  }
0x249: {  	[sflag:s11] =	ssyncset.done $0x0  }
0x24a: {  	[sflag:s11] =	ssyncadd.s32 $0xFFFFE000  }
0x24b: {  	[tilespmem:s9], [sflag:$0x1] =	stream.indirect.gather [hbm4b:s4+s7], $0x10, s15, s7, $0xb8;
	[tilespmem:$0xB780] =	vst v63  }
0x24c: {  	_ =	swait.ge [sflag:s10], $0x2000  }
0x24d: {  	[sflag:s10] =	ssyncset.done $0x0  }
0x24e: {  	[sflag:s10] =	ssyncadd.s32 $0xFFFFE000  }
0x24f: {  	[spmem:s2] =	stream.indirect.scatter.add.f32 [tilespmem:s8], [sflag:$0x3], $0x10, s1, s7, $0xb8;
	[tilespmem:$0xB780] =	vst v63  }
0x250: {  	_ =	swait.ge [sflag:s3], $0x2000  }
0x251: {  	[sflag:s3] =	ssyncset.done $0x0  }
0x252: {  	s0 =	simm.s32 @p0 $0x1;
	[sflag:s3] =	ssyncadd.s32 $0xFFFFE000  }
0x253: {  	_ =	swait.ge @p0 [sflag:s0], $0x2000  }
0x254: {  	s9 =	simm.s32 @p0 $0x4C00;
	s1 =	simm.s32 @p0 $0x5000;
	[sflag:s0] =	ssyncset.done @p0 $0x0  }
0x255: {  	s7 =	simm.s32 @!p0 $0x1;
	s8 =	simm.s32 @p0 $0x200;
	[sflag:s0] =	ssyncadd.s32 @p0 $0xFFFFE000  }
0x256: {  	[spmem:s2] =	stream.indirect.scatter.add.f32 @p0 [tilespmem:s1], [sflag:$0x4], $0x10, s9, s8, $0xb8;
	[tilespmem:$0xB780] =	vst v63  }
0x257: {  	s0 =	simm.s32 @!p0 $0x200;
	s1 =	simm.s32 @!p0 $0x2600;
	s8 =	simm.s32 @!p0 $0x7000  }
0x258: {  	[tilespmem:s8], [sflag:$0x2] =	stream.indirect.gather @!p0 [hbm4b:s4+s0], $0x10, s1, s0, $0xb8;
	[tilespmem:$0xB780] =	vst v63  }
0x259: {  	_ =	swait.ge @!p0 [sflag:s7], $0x2000  }
0x25a: {  	s9 =	simm.s32 @!p0 $0x5000;
	[sflag:s7] =	ssyncset.done @!p0 $0x0  }
0x25b: {  	s1 =	simm.s32 @!p0 $0x4;
	s4 =	simm.s32 @!p0 $0x4C00;
	[sflag:s7] =	ssyncadd.s32 @!p0 $0xFFFFE000  }
0x25c: {  	[spmem:s2] =	stream.indirect.scatter.add.f32 @!p0 [tilespmem:s9], [sflag:$0x4], $0x10, s4, s0, $0xb8;
	[tilespmem:$0xB780] =	vst v63  }
0x25d: {  	_ =	swait.ge @!p0 [sflag:s1], $0x2000  }
0x25e: {  	[sflag:s1] =	ssyncset.done @!p0 $0x0  }
0x25f: {  	s4 =	simm.s32 @!p0 $0x2;
	[sflag:s1] =	ssyncadd.s32 @!p0 $0xFFFFE000  }
0x260: {  	_ =	swait.ge @!p0 [sflag:s4], $0x2000  }
0x261: {  	s1 =	simm.s32 @!p0 $0x3;
	[sflag:s4] =	ssyncset.done @!p0 $0x0  }
0x262: {  	s7 =	simm.s32 @!p0 $0x4E00;
	s1 =	simm.s32 @p0 $0x4;
	[sflag:s4] =	ssyncadd.s32 @!p0 $0xFFFFE000  }
0x263: {  	[spmem:s2] =	stream.indirect.scatter.add.f32 @!p0 [tilespmem:s8], [sflag:$0x3], $0x10, s7, s0, $0xb8;
	[tilespmem:$0xB780] =	vst v63  }
0x264: {  	_ =	swait.ge [sflag:s1], $0x2000  }
0x265: {  	[sflag:s1] =	ssyncset.done $0x0  }
0x266: {  	[sflag:s1] =	ssyncadd.s32 $0xFFFFE000  }
0x267: {  	[bflag:$0x0] =	sbarrier.arrive $0xFFFF  }
0x268: {  	s31 =	rddreg [dreg:$0x6]  }
0x269: {  	[hbm:s31], [sflag:s5] =	dma.local [spmem:s6], $0x4F0  }
0x26a: {  	_ =	swait.ge [sflag:s3], $0x4F0  }
0x26b: {  	[sflag:s3] =	ssyncset.done $0x0  }
0x26c: {  	[sflag:s3] =	ssyncadd.s32 $0xFFFFFB10  }
0x26d: {  	_ =	sfence.sel $0x180000  }
0x26e: {  	[bflag:$0x0] =	sbarrier.arrive $0xFFFF  }
0x26f: {  	p0 =	sne.s32 s13, $0x0;
	_ =	strace $0x9000004A  }
0x270: {  	s0 =	sadd.s32 @!p0 $0x100000, s14;
	[bflag:$0x2] =	sbarrier.arrive $0xFFFF  }
0x271: {  	[sflag:s0] =	ssyncadd.tile.s32 @!p0 $0x1;
	_ =	shalt  }
.LBB2_2:
.Ltmp3:
0x272: {  	(pc) =	sbr.rel .LBB2_5-.Ltmp3, $3  }
0x273: {  	_ =	sdelay $0x1  }
0x274: {  	s13 =	stileid.u32;
	s14 =	rddreg [dreg:$0x2];
	s1 =	simm.s32 $0x4A00  }
0x275: {  	s15 =	simm.s32 $0x2400;
	s16 =	simm.s32 $0x4800;
	s19 =	simm.s32 $0x2200  }
.Lfunc_end2:
_tile_overlayer_lowered:
.L_overlay_start_2:
0x276: {  	(tag) =	ssettag $0x2  }
0x277: {  	s0 =	rddreg [dreg:$0x0];
	s2 =	stileid.u32  }
0x278: {  	s1 =	rddreg [dreg:$0x1];
	p0 =	sne.s32 s2, $0x0  }
0x279: {  	s3 =	rddreg [dreg:$0x2];
	[bflag:$0x3] =	sbarrier.arrive $0xFFFF;
	s2 =	simm.s32 @!p0 $0x1C03  }
0x27a: {  	[timem:s3], [sflag:s2] =	dma.local @!p0 [hbm:s0], s1  }
0x27b: {  	s0 =	simm.s32 @!p0 $0x3  }
0x27c: {  	_ =	swait.ge @!p0 [sflag:s0], s1  }
0x27d: {  	s1 =	ssub.s32 @!p0 $0x0, s1;
	[sflag:s0] =	ssyncset.done @!p0 $0x0  }
0x27e: {  	[sflag:s0] =	ssyncadd.s32 @!p0 s1  }
0x27f: {  	[bflag:$0x3] =	sbarrier.arrive $0xFFFF  }
0x280: {  	_ =	shalt  }

// kernel: kernel.14.cloned.1.call-start
scs
__scs_entry_jumppad:
0x0: {  	(pc) =	sbr.rel $0x88, $3  }
0x1: {  	(tag) =	ssettag $0x0;
	lr =	simm.s32 $0x1  }
0x2: {  	[smem:$0x3F9B] =	sst lr;
	_ =	strace $0xD0000000  }
0x3: {  	_ = 	snop  }
0x4: {  	_ = 	snop  }
0x5: {  	_ = 	snop  }
0x6: {  	_ = 	snop  }
0x7: {  	_ = 	snop  }
__scs_overlays_trampoline_lowered:
0x8: {  	[smem:$0x3FAA] =	sst s0  }
0x9: {  	[smem:$0x3FAB] =	sst s1  }
0xa: {  	[smem:$0x3FAC] =	sst s2  }
0xb: {  	[smem:$0x3FAD] =	sst s3  }
0xc: {  	[smem:$0x3FAE] =	sst s4  }
0xd: {  	[smem:$0x3FAF] =	sst s5  }
0xe: {  	[smem:$0x3FB0] =	sst s6  }
0xf: {  	[smem:$0x3FB1] =	sst s7  }
0x10: {  	[smem:$0x3FB2] =	sst s8  }
0x11: {  	[smem:$0x3FB3] =	sst s9;
	s0 =	simm.s32 @!p0 $0x0  }
0x12: {  	s1 =	sld [smem:$0x3F99];
	s0 =	simm.s32 @p0 $0x1  }
0x13: {  	[smem:$0x3FB4] =	sst s0;
	s0 =	simm.s32 @!p1 $0x0  }
0x14: {  	s2 =	sld [smem:$0x3F98];
	s0 =	simm.s32 @p1 $0x1  }
0x15: {  	[smem:$0x3FB5] =	sst s0;
	s0 =	simm.s32 @!p2 $0x0  }
0x16: {  	s3 =	sld [smem:$0x3FDB];
	s0 =	simm.s32 @p2 $0x1  }
0x17: {  	s4 =	simm.s32 $0x1BF5;
	[smem:$0x3FB7] =	sst s0  }
0x18: {  	s0 =	sld [smem:$0x3F9A];
	_ =	swait.ge [sflag:s4], $0x0  }
0x19: {  	s7 =	sld [smem:$0x3F9B]  }
0x1a: {  	s8 =	sadd.s32 $0xFFFFE003, lr  }
0x1b: {  	s9 =	sadd.s32 $0xFFFFFEF7, lr;
	s5 =	simm.s32 $0xFFFFFFFF;
	p2 =	slt.u32 s8, $0xFFFFF086  }
0x1c: {  	p1 =	slt.u32 s9, $0xF7A;
	s5 =	simm.s32 @!p2 $0x0  }
0x1d: {  	s5 =	simm.s32 @p1 $0x1;
	p0 =	seq.s32 s7, s2  }
0x1e: {  	s7 =	smul.u32 @!p0 $0xF7A, s2;
	p2 =	seq.s32 @!p0 s5, $0x0  }
0x1f: {  	s9 =	smul.u32 $0xF7A, s1;
	s8 =	simm.s32 @!p0 $0x1BF5;
	p2 =	por !p2, p0  }
0x20: {  	[sflag:s8] =	ssyncset.s32 @!p0 $0xFFFFF086;
	s6 =	sadd.s32 @!p0 s3, s7;
	s7 =	simm.s32 @!p0 $0x108  }
0x21: {  	s3 =	sadd.s32 s3, s9;
	s6 =	sadd.s32 @!p0 $0x88, s6;
	s7 =	simm.s32 @p2 $0x1082  }
0x22: {  	[simem:s7], [sflag:s8] =	dma.local @!p0 [hbm:s6], $0xF7A  }
0x23: {  	s9 =	sor.u32 $0xD0000000, s2;
	s6 =	simm.s32 $0x108;
	_ =	swait.ge @!p0 [sflag:s8], $0x0  }
0x24: {  	s3 =	sadd.s32 $0x88, s3;
	s6 =	simm.s32 @!p1 $0x1082;
	[sflag:s4] =	ssyncset.s32 $0xFFFFF086  }
0x25: {  	[simem:s6], [sflag:s4] =	dma.local [hbm:s3], $0xF7A  }
0x26: {  	[smem:$0x3F9B] =	sst s1;
	(tag) =	ssettag s2;
	_ =	strace s9  }
0x27: {  	s1 =	sld [smem:$0x3FAB]  }
0x28: {  	s2 =	sld [smem:$0x3FAC]  }
0x29: {  	s4 =	sld [smem:$0x3FAE]  }
0x2a: {  	p0 =	seq.s32 s5, $0x0;
	s5 =	sld [smem:$0x3FAF]  }
0x2b: {  	s6 =	sld [smem:$0x3FB0]  }
0x2c: {  	s7 =	sld [smem:$0x3FB1]  }
0x2d: {  	s3 =	simm.s32 $0x108;
	s8 =	sld [smem:$0x3FB2]  }
0x2e: {  	s3 =	simm.s32 @!p0 $0x1082;
	s9 =	sld [smem:$0x3FB3]  }
0x2f: {  	lr =	sadd.s32 s0, s3;
	s0 =	sld [smem:$0x3FAA]  }
0x30: {  	s3 =	sld [smem:$0x3FAD]  }
0x31: {  	[smem:$0x3FB6] =	sst s10  }
0x32: {  	s10 =	sld [smem:$0x3FB4];
	_ =	sdelay $0x3  }
0x33: {  	p0 =	seq.s32 s10, $0x1;
	s10 =	sld [smem:$0x3FB6];
	_ =	sdelay $0x3  }
0x34: {  	[smem:$0x3FB6] =	sst s10  }
0x35: {  	s10 =	sld [smem:$0x3FB5];
	_ =	sdelay $0x3  }
0x36: {  	p1 =	seq.s32 s10, $0x1;
	s10 =	sld [smem:$0x3FB6];
	_ =	sdelay $0x3  }
0x37: {  	[smem:$0x3FB6] =	sst s10  }
0x38: {  	s10 =	sld [smem:$0x3FB7]  }
0x39: {  	_ = 	snop;
	(pc) =	sbr.ind lr, $3  }
0x3a: {  	_ = 	snop  }
0x3b: {  	_ = 	snop  }
0x3c: {  	p2 =	seq.s32 s10, $0x1;
	s10 =	sld [smem:$0x3FB6]  }
0x3d: {  	_ =	shalt  }
0x3e: {  	_ =	shalt  }
0x3f: {  	_ =	shalt  }
0x40: {  	_ =	shalt  }
0x41: {  	_ =	shalt  }
0x42: {  	_ =	shalt  }
0x43: {  	_ =	shalt  }
0x44: {  	_ =	shalt  }
0x45: {  	_ =	shalt  }
0x46: {  	_ =	shalt  }
0x47: {  	_ =	shalt  }
0x48: {  	_ =	shalt  }
0x49: {  	_ =	shalt  }
0x4a: {  	_ =	shalt  }
0x4b: {  	_ =	shalt  }
0x4c: {  	_ =	shalt  }
0x4d: {  	_ =	shalt  }
0x4e: {  	_ =	shalt  }
0x4f: {  	_ =	shalt  }
0x50: {  	_ =	shalt  }
0x51: {  	_ =	shalt  }
0x52: {  	_ =	shalt  }
0x53: {  	_ =	shalt  }
0x54: {  	_ =	shalt  }
0x55: {  	_ =	shalt  }
0x56: {  	_ =	shalt  }
0x57: {  	_ =	shalt  }
0x58: {  	_ =	shalt  }
0x59: {  	_ =	shalt  }
0x5a: {  	_ =	shalt  }
0x5b: {  	_ =	shalt  }
0x5c: {  	_ =	shalt  }
0x5d: {  	_ =	shalt  }
0x5e: {  	_ =	shalt  }
0x5f: {  	_ =	shalt  }
0x60: {  	_ =	shalt  }
0x61: {  	_ =	shalt  }
0x62: {  	_ =	shalt  }
0x63: {  	_ =	shalt  }
0x64: {  	_ =	shalt  }
0x65: {  	_ =	shalt  }
0x66: {  	_ =	shalt  }
0x67: {  	_ =	shalt  }
0x68: {  	_ =	shalt  }
0x69: {  	_ =	shalt  }
0x6a: {  	_ =	shalt  }
0x6b: {  	_ =	shalt  }
0x6c: {  	_ =	shalt  }
0x6d: {  	_ =	shalt  }
0x6e: {  	_ =	shalt  }
0x6f: {  	_ =	shalt  }
0x70: {  	_ =	shalt  }
0x71: {  	_ =	shalt  }
0x72: {  	_ =	shalt  }
0x73: {  	_ =	shalt  }
0x74: {  	_ =	shalt  }
0x75: {  	_ =	shalt  }
0x76: {  	_ =	shalt  }
0x77: {  	_ =	shalt  }
0x78: {  	_ =	shalt  }
0x79: {  	_ =	shalt  }
0x7a: {  	_ =	shalt  }
0x7b: {  	_ =	shalt  }
0x7c: {  	_ =	shalt  }
0x7d: {  	_ =	shalt  }
0x7e: {  	_ =	shalt  }
0x7f: {  	_ =	shalt  }
0x80: {  	_ =	shalt  }
0x81: {  	_ =	shalt  }
0x82: {  	_ =	shalt  }
0x83: {  	_ =	shalt  }
0x84: {  	_ =	shalt  }
0x85: {  	_ =	shalt  }
0x86: {  	_ =	shalt  }
0x87: {  	_ =	shalt  }
.Lfunc_end0:
.L_simem_size_0:
called_computation.2_lowered:
.L_overlay_start_0:
0x88: {  	s2 =	sld [smem:$0x3FD9]  }
0x89: {  	s3 =	sld [smem:$0x3FFE];
	_ =	sdelay $0x1  }
0x8a: {  	s1 =	srdreg.scid  }
0x8b: {  	s0 =	sand.u32 $0x1, s1  }
0x8c: {  	s16 =	sshll.u32 s0, $0xA;
	s2 =	sadd.s32 s3, s2  }
0x8d: {  	s2 =	sadd.s32 s2, s16  }
0x8e: {  	[smem:$0x3FC2] =	sst s2  }
0x8f: {  	_ = 	snop  }
0x90: {  	(tm) =	ssettm $0x1  }
0x91: {  	s17 =	sld [smem:$0x3FFB];
	_ =	sdelay $0x3  }
0x92: {  	_ =	strace s17  }
0x93: {  	s2 =	sld [smem:$0x3FFC];
	_ =	sdelay $0x3  }
0x94: {  	_ =	strace s2  }
0x95: {  	s2 =	sld [smem:$0x3FFD];
	_ =	sdelay $0x3  }
0x96: {  	_ =	strace s2  }
0x97: {  	_ =	strace $0x8FFFFFFF  }
0x98: {  	s18 =	sld [smem:$0x3FDB];
	_ =	sdelay $0x1  }
0x99: {  	s19 =	simm.s32 $_scs_section_size  }
0x9a: {  	s4 =	simm.s32 $_size__tile_overlayer_lowered;
	s5 =	simm.s32 $_tile_overlayer_lowered  }
0x9b: {  	s22 =	simm.s32 $0x1BFF;
	s21 =	sshll.u32 s5, $0x1;
	s2 =	sadd.s32 s19, s18  }
0x9c: {  	s6 =	simm.s32 $0x0;
	s20 =	sshll.u32 s4, $0x1;
	s4 =	sadd.s32 s21, s2  }
0x9d: {  	[timem:s6], [sflag:s22] =	dma.local [hbm:s4], s20  }
0x9e: {  	_ =	swait.ge [sflag:s22], s20  }
0x9f: {  	s3 =	ssub.s32 $0x0, s20;
	[sflag:s22] =	ssyncset.done $0x0  }
0xa0: {  	[sflag:s22] =	ssyncadd.s32 s3;
	_ =	sdelay $0x1  }
0xa1: {  	s23 =	simm.s32 $0x1B8B  }
0xa2: {  	_ =	swait.ge [sflag:s23], $0x1  }
0xa3: {  	[sflag:s23] =	ssyncset.done $0x0  }
0xa4: {  	s25 =	simm.s32 $0x1B8E;
	s24 =	sld [smem:$0x3FFE];
	[sflag:s23] =	ssyncadd.s32 $0xFFFFFFFF  }
0xa5: {  	s26 =	simm.s32 $execute0_lowered;
	[smem:$0x3FD2] =	sst s25  }
0xa6: {  	s4 =	sshll.u32 s26, $0x1;
	_ =	strace $0x8000004C;
	[dreg:$0x1] =	wrdreg $0xFFFFFFFF  }
0xa7: {  	s28 =	simm.s32 $_size_execute0_lowered;
	s2 =	sadd.s32 s2, s4;
	[dreg:$0x0] =	wrdreg $0x0  }
0xa8: {  	s4 =	sshll.u32 s28, $0x1;
	[dreg:$0x2] =	wrdreg s2  }
0xa9: {  	[dreg:$0x3] =	wrdreg s4  }
0xaa: {  	[dreg:$0x4] =	wrdreg $0xC0  }
0xab: {  	_ =	task [dreg:s6], $0x5FFFF  }
0xac: {  	[dreg:$0x1] =	wrdreg $0xFFFFFFFF  }
0xad: {  	[dreg:$0x0] =	wrdreg $0x60  }
0xae: {  	[dreg:$0x2] =	wrdreg s24  }
0xaf: {  	[dreg:$0x3] =	wrdreg $0x70000  }
0xb0: {  	[dreg:$0x4] =	wrdreg $0x9  }
0xb1: {  	_ =	task.clear_ibuf [dreg:s6], $0x5FFFF;
	_ =	strace $0x9000004C  }
0xb2: {  	s29 =	simm.s32 $0x9;
	_ =	strace $0x8000004E  }
0xb3: {  	_ =	swait.ge [sflag:s29], $0x1  }
0xb4: {  	[sflag:s29] =	ssyncadd.s32 $0xFFFFFFFF  }
0xb5: {  	_ =	strace $0x9000004E  }
0xb6: {  	_ =	sfence  }
0xb7: {  	s30 =	sld [smem:$0x0];
	_ =	sdelay $0x2  }
0xb8: {  	s31 =	sshll.u32 s1, $0xD;
	s1 =	sshrl.u32 s1, $0x2  }
0xb9: {  	s3 =	sand.u32 $0x4000, s31;
	s1 =	sadd.s32 s1, s30  }
0xba: {  	s0 =	sor.u32 s3, s0;
	s1 =	sshll.u32 s1, $0x11  }
0xbb: {  	s0 =	sor.u32 s1, s0  }
0xbc: {  	s0 =	sadd.s32 $0x8F2B, s0  }
0xbd: {  	[sflag:s0] =	ssyncadd.remote.s32 $0x1  }
0xbe: {  	_ =	sfence.sel $0xFFFF  }
0xbf: {  	[dreg:$0x0] =	wrdreg $0xFFFFFFFF;
	(pc) =	sbr.abs _section_cstart, $3  }
0xc0: {  	[dreg:$0x1] =	wrdreg $0xFFFFFFFF  }
0xc1: {  	_ =	task.clear_ibuf [dreg:s6], $0x2FFFF;
	_ =	strace $0x9FFFFFFF  }
0xc2: {  	(tm) =	ssettm $0x7FFFFFFF  }
0xc3: {  	_ =	shalt  }
tec
execute0_lowered:
.L_overlay_start_1:
0x0: {  	(tag) =	ssettag $0x1  }
0x1: {  	s13 =	stileid.u32  }
0x2: {  	s0 =	srdreg.scid;
	s3 =	rddreg [dreg:$0x0]  }
0x3: {  	s2 =	rddreg [dreg:$0x1];
	s1 =	sand.u32 $0x1, s0;
	s17 =	sshll.u32 s13, $0x1  }
0x4: {  	s14 =	rddreg [dreg:$0x2];
	s0 =	sor.u32 s1, s17;
	s17 =	simm.s32 $0x0  }
0x5: {  	s21 =	simm.s32 $0x400;
	[smem:$0x7FF] =	sst s17  }
0x6: {  	s22 =	simm.s32 $0x2A00;
	_ =	strace $0x8000004D;
	[dreg:$0x7] =	wrdreg s21  }
0x7: {  	s23 =	simm.s32 $0x600;
	[dreg:$0x8] =	wrdreg s22  }
0x8: {  	s24 =	simm.s32 $0x2C00;
	[dreg:$0x9] =	wrdreg s23  }
0x9: {  	s25 =	simm.s32 $0x800;
	s26 =	simm.s32 $0x2E00;
	[dreg:$0xa] =	wrdreg s24  }
0xa: {  	s28 =	simm.s32 $0xA00;
	s29 =	simm.s32 $0x3000;
	[dreg:$0xb] =	wrdreg s25  }
0xb: {  	s30 =	simm.s32 $0xC00;
	s31 =	simm.s32 $0x3200;
	[dreg:$0xc] =	wrdreg s26  }
0xc: {  	s9 =	simm.s32 $0x3600;
	s10 =	simm.s32 $0x1200;
	[dreg:$0xd] =	wrdreg s28  }
0xd: {  	s12 =	simm.s32 $0x3800;
	s15 =	simm.s32 $0x1400;
	[dreg:$0xe] =	wrdreg s29  }
0xe: {  	s16 =	simm.s32 $0x3A00;
	s6 =	smul.u32 $0x13C0, s13;
	[dreg:$0xf] =	wrdreg s30  }
0xf: {  	p1 =	por $0x0, $0x0;
	s18 =	smul.u32 $0x13C00, s1;
	[dreg:$0x10] =	wrdreg s31  }
0x10: {  	s1 =	ssub.s32 $0x2, s1;
	s4 =	smul.u32 $0x13, s0;
	[dreg:$0x14] =	wrdreg s9  }
0x11: {  	s5 =	smax.u32 s0, $0xF;
	s7 =	sshrl.u32 s6, $0x3;
	[dreg:$0x15] =	wrdreg s10  }
0x12: {  	s11 =	sshrl.u32 s1, $0x1;
	p0 =	slt.u32 s0, $0xF;
	[dreg:$0x16] =	wrdreg s12  }
0x13: {  	s7 =	sadd.s32 s7, s3;
	s1 =	ssub.s32 s1, s11;
	[dreg:$0x17] =	wrdreg s15  }
0x14: {  	[dreg:$0x18] =	wrdreg s16;
	s21 =	simm.s32 $0x3E00;
	s22 =	sshll.u32 s13, $0x6  }
0x15: {  	s23 =	simm.s32 $0x1A00;
	s24 =	simm.s32 $0x4000;
	[dreg:$0x1c] =	wrdreg s21  }
0x16: {  	s25 =	simm.s32 $0x1C00;
	s26 =	simm.s32 $0x4200;
	[dreg:$0x1d] =	wrdreg s23  }
0x17: {  	s9 =	simm.s32 $0x5000;
	s28 =	simm.s32 $0x1E00;
	[dreg:$0x1e] =	wrdreg s24  }
0x18: {  	s29 =	simm.s32 $0x4400;
	s12 =	simm.s32 $0x1;
	[dreg:$0x1f] =	wrdreg s25  }
0x19: {  	s30 =	simm.s32 $0x2000;
	s11 =	simm.s32 $0x4;
	[smem:$0x7F9] =	sst s26  }
0x1a: {  	s31 =	simm.s32 $0x4600;
	s10 =	simm.s32 $0x2;
	[smem:$0x7FA] =	sst s28  }
0x1b: {  	s16 =	simm.s32 $0x4800;
	s15 =	simm.s32 $0x2400;
	[smem:$0x7FB] =	sst s29  }
0x1c: {  	s4 =	sadd.s32 s4, s5;
	s5 =	sadd.s32 s6, s18;
	[smem:$0x7FC] =	sst s30  }
0x1d: {  	s19 =	sadd.s32 $0x15400, s7;
	s7 =	simm.s32 $0x3400;
	[smem:$0x7FD] =	sst s31  }
0x1e: {  	s6 =	sadd.s32 s6, s2;
	s1 =	smax.u32 s1, $0x1;
	[dreg:$0x5] =	wrdreg s19  }
0x1f: {  	s18 =	simm.s32 $0x1600;
	s4 =	sshll.u32 s4, $0x6;
	[dreg:$0x12] =	wrdreg s7  }
0x20: {  	s5 =	sshrl.u32 s5, $0x3;
	[dreg:$0x19] =	wrdreg s18;
	s19 =	simm.s32 $0x3C00  }
0x21: {  	s18 =	simm.s32 $0x2800;
	s6 =	sshrl.u32 s6, $0x3;
	s7 =	simm.s32 $0x200  }
0x22: {  	s0 =	sadd.s32 $0xFFFFFFFF, s1;
	s1 =	simm.s32 $0x4A00;
	s4 =	sadd.s32 s3, s4  }
0x23: {  	s5 =	sadd.s32 s5, s3;
	[dreg:$0x1a] =	wrdreg s19;
	s8 =	sadd.s32 $0xB240, s4  }
0x24: {  	p2 =	sne.s32 s0, $0x0;
	s4 =	sadd.s32 $0x1440, s4;
	[dreg:$0x3] =	wrdreg s8  }
.Ltmp0:
0x25: {  	s20 =	sadd.s32 $0x69400, s5;
	[dreg:$0x4] =	wrdreg s4;
	(pc) =	sbr.rel @!p2 .LBB2_5-.Ltmp0, $4  }
0x26: {  	s19 =	simm.s32 $0x2200;
	s5 =	simm.s32 $0xE00;
	[dreg:$0x6] =	wrdreg s20  }
0x27: {  	[dreg:$0x11] =	wrdreg s5;
	s8 =	simm.s32 $0x1000;
	s4 =	sadd.s32 $0x66C00, s3  }
0x28: {  	s3 =	simm.s32 $0x3;
	s20 =	simm.s32 $0x1800;
	[dreg:$0x13] =	wrdreg s8  }
0x29: {  	s5 =	sor.u32 $0x1C03, s22;
	[dreg:$0x1b] =	wrdreg s20;
	s8 =	simm.s32 $0x6000  }
0x2a: {  	s26 =	rddreg [dreg:$0x3]  }
0x2b: {  	[tilespmem:s17], [sflag:$0x3] =	stream.linear.gather [hbm4b:s26+s17], $0x2800, $0x38;
	[tilespmem:$0x83C0] =	vst v63  }
0x2c: {  	_ =	swait.ge [sflag:s3], $0x2800  }
0x2d: {  	[sflag:s3] =	ssyncset.done $0x0  }
0x2e: {  	s13 =	rddreg [dreg:$0x4];
	[sflag:s3] =	ssyncadd.s32 $0xFFFFD800  }
0x2f: {  	[tilespmem:s18], [sflag:$0x3] =	stream.linear.gather [hbm4b:s13+s17], $0x2800, $0x38;
	[tilespmem:$0x83C0] =	vst v63  }
0x30: {  	_ =	swait.ge [sflag:s3], $0x2800  }
0x31: {  	[sflag:s3] =	ssyncset.done $0x0  }
0x32: {  	s20 =	rddreg [dreg:$0x5];
	[sflag:s3] =	ssyncadd.s32 $0xFFFFD800  }
0x33: {  	[spmem:s6], [sflag:s5] =	dma.local [hbm:s20], $0x278  }
0x34: {  	_ =	swait.ge [sflag:s3], $0x278  }
0x35: {  	[sflag:s3] =	ssyncset.done $0x0  }
0x36: {  	[sflag:s3] =	ssyncadd.s32 $0xFFFFFD88  }
0x37: {  	[bflag:$0x0] =	sbarrier.arrive $0xFFFF  }
0x38: {  	[tilespmem:s9], [sflag:$0x1] =	stream.indirect.gather [hbm4b:s4+s7], $0x8, s17, s7, $0xb8;
	[tilespmem:$0x83C0] =	vst v63  }
0x39: {  	_ = 	snop  }
0x3a: {  	[tilespmem:s8], [sflag:$0x2] =	stream.indirect.gather [hbm4b:s4+s7], $0x8, s7, s7, $0xb8;
	[tilespmem:$0x83C0] =	vst v63  }
0x3b: {  	_ =	swait.ge [sflag:s12], $0x1000  }
0x3c: {  	[sflag:s12] =	ssyncset.done $0x0  }
0x3d: {  	[sflag:s12] =	ssyncadd.s32 $0xFFFFF000  }
0x3e: {  	[spmem:s2] =	stream.indirect.scatter.add.f32 [tilespmem:s9], [sflag:$0x4], $0x8, s18, s7, $0xb8;
	[tilespmem:$0x83C0] =	vst v63  }
0x3f: {  	_ =	swait.ge [sflag:s11], $0x1000  }
0x40: {  	[sflag:s11] =	ssyncset.done $0x0  }
0x41: {  	s21 =	rddreg [dreg:$0x7];
	[sflag:s11] =	ssyncadd.s32 $0xFFFFF000  }
0x42: {  	[tilespmem:s9], [sflag:$0x1] =	stream.indirect.gather [hbm4b:s4+s7], $0x8, s21, s7, $0xb8;
	[tilespmem:$0x83C0] =	vst v63  }
0x43: {  	_ =	swait.ge [sflag:s10], $0x1000  }
0x44: {  	[sflag:s10] =	ssyncset.done $0x0  }
0x45: {  	s22 =	rddreg [dreg:$0x8];
	[sflag:s10] =	ssyncadd.s32 $0xFFFFF000  }
0x46: {  	[spmem:s2] =	stream.indirect.scatter.add.f32 [tilespmem:s8], [sflag:$0x3], $0x8, s22, s7, $0xb8;
	[tilespmem:$0x83C0] =	vst v63  }
0x47: {  	_ =	swait.ge [sflag:s3], $0x1000  }
0x48: {  	[sflag:s3] =	ssyncset.done $0x0  }
0x49: {  	s23 =	rddreg [dreg:$0x9];
	[sflag:s3] =	ssyncadd.s32 $0xFFFFF000  }
0x4a: {  	[tilespmem:s8], [sflag:$0x2] =	stream.indirect.gather [hbm4b:s4+s7], $0x8, s23, s7, $0xb8;
	[tilespmem:$0x83C0] =	vst v63  }
0x4b: {  	_ =	swait.ge [sflag:s12], $0x1000  }
0x4c: {  	[sflag:s12] =	ssyncset.done $0x0  }
0x4d: {  	s24 =	rddreg [dreg:$0xa];
	[sflag:s12] =	ssyncadd.s32 $0xFFFFF000  }
0x4e: {  	[spmem:s2] =	stream.indirect.scatter.add.f32 [tilespmem:s9], [sflag:$0x4], $0x8, s24, s7, $0xb8;
	[tilespmem:$0x83C0] =	vst v63  }
0x4f: {  	_ =	swait.ge [sflag:s11], $0x1000  }
0x50: {  	[sflag:s11] =	ssyncset.done $0x0  }
0x51: {  	s25 =	rddreg [dreg:$0xb];
	[sflag:s11] =	ssyncadd.s32 $0xFFFFF000  }
0x52: {  	[tilespmem:s9], [sflag:$0x1] =	stream.indirect.gather [hbm4b:s4+s7], $0x8, s25, s7, $0xb8;
	[tilespmem:$0x83C0] =	vst v63  }
0x53: {  	_ =	swait.ge [sflag:s10], $0x1000  }
0x54: {  	[sflag:s10] =	ssyncset.done $0x0  }
0x55: {  	s26 =	rddreg [dreg:$0xc];
	[sflag:s10] =	ssyncadd.s32 $0xFFFFF000  }
0x56: {  	[spmem:s2] =	stream.indirect.scatter.add.f32 [tilespmem:s8], [sflag:$0x3], $0x8, s26, s7, $0xb8;
	[tilespmem:$0x83C0] =	vst v63  }
0x57: {  	_ =	swait.ge [sflag:s3], $0x1000  }
0x58: {  	[sflag:s3] =	ssyncset.done $0x0  }
0x59: {  	s13 =	rddreg [dreg:$0xd];
	[sflag:s3] =	ssyncadd.s32 $0xFFFFF000  }
0x5a: {  	[tilespmem:s8], [sflag:$0x2] =	stream.indirect.gather [hbm4b:s4+s7], $0x8, s13, s7, $0xb8;
	[tilespmem:$0x83C0] =	vst v63  }
0x5b: {  	_ =	swait.ge [sflag:s12], $0x1000  }
0x5c: {  	[sflag:s12] =	ssyncset.done $0x0  }
0x5d: {  	s20 =	rddreg [dreg:$0xe];
	[sflag:s12] =	ssyncadd.s32 $0xFFFFF000  }
0x5e: {  	[spmem:s2] =	stream.indirect.scatter.add.f32 [tilespmem:s9], [sflag:$0x4], $0x8, s20, s7, $0xb8;
	[tilespmem:$0x83C0] =	vst v63  }
0x5f: {  	_ =	swait.ge [sflag:s11], $0x1000  }
0x60: {  	[sflag:s11] =	ssyncset.done $0x0  }
0x61: {  	s21 =	rddreg [dreg:$0xf];
	[sflag:s11] =	ssyncadd.s32 $0xFFFFF000  }
0x62: {  	[tilespmem:s9], [sflag:$0x1] =	stream.indirect.gather [hbm4b:s4+s7], $0x8, s21, s7, $0xb8;
	[tilespmem:$0x83C0] =	vst v63  }
0x63: {  	_ =	swait.ge [sflag:s10], $0x1000  }
0x64: {  	[sflag:s10] =	ssyncset.done $0x0  }
0x65: {  	s22 =	rddreg [dreg:$0x10];
	[sflag:s10] =	ssyncadd.s32 $0xFFFFF000  }
0x66: {  	[spmem:s2] =	stream.indirect.scatter.add.f32 [tilespmem:s8], [sflag:$0x3], $0x8, s22, s7, $0xb8;
	[tilespmem:$0x83C0] =	vst v63  }
0x67: {  	_ =	swait.ge [sflag:s3], $0x1000  }
0x68: {  	[sflag:s3] =	ssyncset.done $0x0  }
0x69: {  	s23 =	rddreg [dreg:$0x11];
	[sflag:s3] =	ssyncadd.s32 $0xFFFFF000  }
0x6a: {  	[tilespmem:s8], [sflag:$0x2] =	stream.indirect.gather [hbm4b:s4+s7], $0x8, s23, s7, $0xb8;
	[tilespmem:$0x83C0] =	vst v63  }
0x6b: {  	_ =	swait.ge [sflag:s12], $0x1000  }
0x6c: {  	[sflag:s12] =	ssyncset.done $0x0  }
0x6d: {  	s24 =	rddreg [dreg:$0x12];
	[sflag:s12] =	ssyncadd.s32 $0xFFFFF000  }
0x6e: {  	[spmem:s2] =	stream.indirect.scatter.add.f32 [tilespmem:s9], [sflag:$0x4], $0x8, s24, s7, $0xb8;
	[tilespmem:$0x83C0] =	vst v63  }
0x6f: {  	_ =	swait.ge [sflag:s11], $0x1000  }
0x70: {  	[sflag:s11] =	ssyncset.done $0x0  }
0x71: {  	s25 =	rddreg [dreg:$0x13];
	[sflag:s11] =	ssyncadd.s32 $0xFFFFF000  }
0x72: {  	[tilespmem:s9], [sflag:$0x1] =	stream.indirect.gather [hbm4b:s4+s7], $0x8, s25, s7, $0xb8;
	[tilespmem:$0x83C0] =	vst v63  }
0x73: {  	_ =	swait.ge [sflag:s10], $0x1000  }
0x74: {  	[sflag:s10] =	ssyncset.done $0x0  }
0x75: {  	s26 =	rddreg [dreg:$0x14];
	[sflag:s10] =	ssyncadd.s32 $0xFFFFF000  }
0x76: {  	[spmem:s2] =	stream.indirect.scatter.add.f32 [tilespmem:s8], [sflag:$0x3], $0x8, s26, s7, $0xb8;
	[tilespmem:$0x83C0] =	vst v63  }
0x77: {  	_ =	swait.ge [sflag:s3], $0x1000  }
0x78: {  	[sflag:s3] =	ssyncset.done $0x0  }
0x79: {  	s13 =	rddreg [dreg:$0x15];
	[sflag:s3] =	ssyncadd.s32 $0xFFFFF000  }
0x7a: {  	[tilespmem:s8], [sflag:$0x2] =	stream.indirect.gather [hbm4b:s4+s7], $0x8, s13, s7, $0xb8;
	[tilespmem:$0x83C0] =	vst v63  }
0x7b: {  	_ =	swait.ge [sflag:s12], $0x1000  }
0x7c: {  	[sflag:s12] =	ssyncset.done $0x0  }
0x7d: {  	s20 =	rddreg [dreg:$0x16];
	[sflag:s12] =	ssyncadd.s32 $0xFFFFF000  }
0x7e: {  	[spmem:s2] =	stream.indirect.scatter.add.f32 [tilespmem:s9], [sflag:$0x4], $0x8, s20, s7, $0xb8;
	[tilespmem:$0x83C0] =	vst v63  }
0x7f: {  	_ =	swait.ge [sflag:s11], $0x1000  }
0x80: {  	[sflag:s11] =	ssyncset.done $0x0  }
0x81: {  	s21 =	rddreg [dreg:$0x17];
	[sflag:s11] =	ssyncadd.s32 $0xFFFFF000  }
0x82: {  	[tilespmem:s9], [sflag:$0x1] =	stream.indirect.gather [hbm4b:s4+s7], $0x8, s21, s7, $0xb8;
	[tilespmem:$0x83C0] =	vst v63  }
0x83: {  	_ =	swait.ge [sflag:s10], $0x1000  }
0x84: {  	[sflag:s10] =	ssyncset.done $0x0  }
0x85: {  	s22 =	rddreg [dreg:$0x18];
	[sflag:s10] =	ssyncadd.s32 $0xFFFFF000  }
0x86: {  	[spmem:s2] =	stream.indirect.scatter.add.f32 [tilespmem:s8], [sflag:$0x3], $0x8, s22, s7, $0xb8;
	[tilespmem:$0x83C0] =	vst v63  }
0x87: {  	_ =	swait.ge [sflag:s3], $0x1000  }
0x88: {  	[sflag:s3] =	ssyncset.done $0x0  }
0x89: {  	s23 =	rddreg [dreg:$0x19];
	[sflag:s3] =	ssyncadd.s32 $0xFFFFF000  }
0x8a: {  	[tilespmem:s8], [sflag:$0x2] =	stream.indirect.gather [hbm4b:s4+s7], $0x8, s23, s7, $0xb8;
	[tilespmem:$0x83C0] =	vst v63  }
0x8b: {  	_ =	swait.ge [sflag:s12], $0x1000  }
0x8c: {  	[sflag:s12] =	ssyncset.done $0x0  }
0x8d: {  	s24 =	rddreg [dreg:$0x1a];
	[sflag:s12] =	ssyncadd.s32 $0xFFFFF000  }
0x8e: {  	[spmem:s2] =	stream.indirect.scatter.add.f32 [tilespmem:s9], [sflag:$0x4], $0x8, s24, s7, $0xb8;
	[tilespmem:$0x83C0] =	vst v63  }
0x8f: {  	_ =	swait.ge [sflag:s11], $0x1000  }
0x90: {  	[sflag:s11] =	ssyncset.done $0x0  }
0x91: {  	s25 =	rddreg [dreg:$0x1b];
	[sflag:s11] =	ssyncadd.s32 $0xFFFFF000  }
0x92: {  	[tilespmem:s9], [sflag:$0x1] =	stream.indirect.gather [hbm4b:s4+s7], $0x8, s25, s7, $0xb8;
	[tilespmem:$0x83C0] =	vst v63  }
0x93: {  	_ =	swait.ge [sflag:s10], $0x1000  }
0x94: {  	[sflag:s10] =	ssyncset.done $0x0  }
0x95: {  	s26 =	rddreg [dreg:$0x1c];
	[sflag:s10] =	ssyncadd.s32 $0xFFFFF000  }
0x96: {  	[spmem:s2] =	stream.indirect.scatter.add.f32 [tilespmem:s8], [sflag:$0x3], $0x8, s26, s7, $0xb8;
	[tilespmem:$0x83C0] =	vst v63  }
0x97: {  	_ =	swait.ge [sflag:s3], $0x1000  }
0x98: {  	[sflag:s3] =	ssyncset.done $0x0  }
0x99: {  	s13 =	rddreg [dreg:$0x1d];
	[sflag:s3] =	ssyncadd.s32 $0xFFFFF000  }
0x9a: {  	[tilespmem:s8], [sflag:$0x2] =	stream.indirect.gather [hbm4b:s4+s7], $0x8, s13, s7, $0xb8;
	[tilespmem:$0x83C0] =	vst v63  }
0x9b: {  	_ =	swait.ge [sflag:s12], $0x1000  }
0x9c: {  	[sflag:s12] =	ssyncset.done $0x0  }
0x9d: {  	s20 =	rddreg [dreg:$0x1e];
	[sflag:s12] =	ssyncadd.s32 $0xFFFFF000  }
0x9e: {  	[spmem:s2] =	stream.indirect.scatter.add.f32 [tilespmem:s9], [sflag:$0x4], $0x8, s20, s7, $0xb8;
	[tilespmem:$0x83C0] =	vst v63  }
0x9f: {  	_ =	swait.ge [sflag:s11], $0x1000  }
0xa0: {  	[sflag:s11] =	ssyncset.done $0x0  }
0xa1: {  	s21 =	rddreg [dreg:$0x1f];
	[sflag:s11] =	ssyncadd.s32 $0xFFFFF000  }
0xa2: {  	[tilespmem:s9], [sflag:$0x1] =	stream.indirect.gather [hbm4b:s4+s7], $0x8, s21, s7, $0xb8;
	[tilespmem:$0x83C0] =	vst v63  }
0xa3: {  	_ =	swait.ge [sflag:s10], $0x1000  }
0xa4: {  	s22 =	sld [smem:$0x7F9]  }
0xa5: {  	[sflag:s10] =	ssyncset.done $0x0  }
0xa6: {  	[sflag:s10] =	ssyncadd.s32 $0xFFFFF000  }
0xa7: {  	[spmem:s2] =	stream.indirect.scatter.add.f32 [tilespmem:s8], [sflag:$0x3], $0x8, s22, s7, $0xb8;
	[tilespmem:$0x83C0] =	vst v63  }
0xa8: {  	_ =	swait.ge [sflag:s3], $0x1000  }
0xa9: {  	s23 =	sld [smem:$0x7FA]  }
0xaa: {  	[sflag:s3] =	ssyncset.done $0x0  }
0xab: {  	[sflag:s3] =	ssyncadd.s32 $0xFFFFF000  }
0xac: {  	[tilespmem:s8], [sflag:$0x2] =	stream.indirect.gather [hbm4b:s4+s7], $0x8, s23, s7, $0xb8;
	[tilespmem:$0x83C0] =	vst v63  }
0xad: {  	_ =	swait.ge [sflag:s12], $0x1000  }
0xae: {  	s24 =	sld [smem:$0x7FB]  }
0xaf: {  	[sflag:s12] =	ssyncset.done $0x0  }
0xb0: {  	[sflag:s12] =	ssyncadd.s32 $0xFFFFF000  }
0xb1: {  	[spmem:s2] =	stream.indirect.scatter.add.f32 [tilespmem:s9], [sflag:$0x4], $0x8, s24, s7, $0xb8;
	[tilespmem:$0x83C0] =	vst v63  }
0xb2: {  	_ =	swait.ge [sflag:s11], $0x1000  }
0xb3: {  	s25 =	sld [smem:$0x7FC]  }
0xb4: {  	[sflag:s11] =	ssyncset.done $0x0  }
0xb5: {  	[sflag:s11] =	ssyncadd.s32 $0xFFFFF000  }
0xb6: {  	[tilespmem:s9], [sflag:$0x1] =	stream.indirect.gather [hbm4b:s4+s7], $0x8, s25, s7, $0xb8;
	[tilespmem:$0x83C0] =	vst v63  }
0xb7: {  	_ =	swait.ge [sflag:s10], $0x1000  }
0xb8: {  	s26 =	sld [smem:$0x7FD]  }
0xb9: {  	[sflag:s10] =	ssyncset.done $0x0  }
0xba: {  	[sflag:s10] =	ssyncadd.s32 $0xFFFFF000  }
0xbb: {  	[spmem:s2] =	stream.indirect.scatter.add.f32 [tilespmem:s8], [sflag:$0x3], $0x8, s26, s7, $0xb8;
	[tilespmem:$0x83C0] =	vst v63  }
0xbc: {  	_ =	swait.ge [sflag:s3], $0x1000  }
0xbd: {  	[sflag:s3] =	ssyncset.done $0x0  }
0xbe: {  	[sflag:s3] =	ssyncadd.s32 $0xFFFFF000  }
0xbf: {  	[tilespmem:s8], [sflag:$0x2] =	stream.indirect.gather [hbm4b:s4+s7], $0x8, s19, s7, $0xb8;
	[tilespmem:$0x83C0] =	vst v63  }
0xc0: {  	_ =	swait.ge [sflag:s12], $0x1000  }
0xc1: {  	[sflag:s12] =	ssyncset.done $0x0  }
0xc2: {  	[sflag:s12] =	ssyncadd.s32 $0xFFFFF000  }
0xc3: {  	[spmem:s2] =	stream.indirect.scatter.add.f32 [tilespmem:s9], [sflag:$0x4], $0x8, s16, s7, $0xb8;
	[tilespmem:$0x83C0] =	vst v63  }
0xc4: {  	_ =	swait.ge [sflag:s11], $0x1000  }
0xc5: {  	[sflag:s11] =	ssyncset.done $0x0  }
0xc6: {  	[sflag:s11] =	ssyncadd.s32 $0xFFFFF000  }
0xc7: {  	[tilespmem:s9], [sflag:$0x1] =	stream.indirect.gather [hbm4b:s4+s7], $0x8, s15, s7, $0xb8;
	[tilespmem:$0x83C0] =	vst v63  }
0xc8: {  	_ =	swait.ge [sflag:s10], $0x1000  }
0xc9: {  	[sflag:s10] =	ssyncset.done $0x0  }
0xca: {  	[sflag:s10] =	ssyncadd.s32 $0xFFFFF000  }
0xcb: {  	[spmem:s2] =	stream.indirect.scatter.add.f32 [tilespmem:s8], [sflag:$0x3], $0x8, s1, s7, $0xb8;
	[tilespmem:$0x83C0] =	vst v63  }
0xcc: {  	_ =	swait.ge [sflag:s3], $0x1000  }
0xcd: {  	[sflag:s3] =	ssyncset.done $0x0  }
0xce: {  	s19 =	simm.s32 @p0 $0x1;
	[sflag:s3] =	ssyncadd.s32 $0xFFFFF000  }
0xcf: {  	s14 =	smov.u32 s0;
	_ =	swait.ge @p0 [sflag:s19], $0x1000  }
0xd0: {  	s0 =	simm.s32 @p0 $0x5000;
	s13 =	simm.s32 @p0 $0x4C00;
	[sflag:s19] =	ssyncset.done @p0 $0x0  }
0xd1: {  	s21 =	simm.s32 @!p0 $0x1;
	s1 =	simm.s32 @p0 $0x200;
	[sflag:s19] =	ssyncadd.s32 @p0 $0xFFFFF000  }
0xd2: {  	[spmem:s2] =	stream.indirect.scatter.add.f32 @p0 [tilespmem:s0], [sflag:$0x4], $0x8, s13, s1, $0xb8;
	[tilespmem:$0x83C0] =	vst v63  }
0xd3: {  	s24 =	simm.s32 @!p0 $0x200;
	s25 =	simm.s32 @!p0 $0x2600;
	s26 =	simm.s32 @!p0 $0x6000  }
0xd4: {  	[tilespmem:s26], [sflag:$0x2] =	stream.indirect.gather @!p0 [hbm4b:s4+s24], $0x8, s25, s24, $0xb8;
	[tilespmem:$0x83C0] =	vst v63  }
0xd5: {  	_ =	swait.ge @!p0 [sflag:s21], $0x1000  }
0xd6: {  	s28 =	simm.s32 @!p0 $0x4;
	[sflag:s21] =	ssyncset.done @!p0 $0x0  }
0xd7: {  	s29 =	simm.s32 @!p0 $0x4C00;
	s30 =	simm.s32 @!p0 $0x5000;
	[sflag:s21] =	ssyncadd.s32 @!p0 $0xFFFFF000  }
0xd8: {  	[spmem:s2] =	stream.indirect.scatter.add.f32 @!p0 [tilespmem:s30], [sflag:$0x4], $0x8, s29, s24, $0xb8;
	[tilespmem:$0x83C0] =	vst v63  }
0xd9: {  	_ =	swait.ge @!p0 [sflag:s28], $0x1000  }
0xda: {  	[sflag:s28] =	ssyncset.done @!p0 $0x0  }
0xdb: {  	s31 =	simm.s32 @!p0 $0x2;
	[sflag:s28] =	ssyncadd.s32 @!p0 $0xFFFFF000  }
0xdc: {  	_ =	swait.ge @!p0 [sflag:s31], $0x1000  }
0xdd: {  	s1 =	simm.s32 @!p0 $0x3;
	[sflag:s31] =	ssyncset.done @!p0 $0x0  }
0xde: {  	s0 =	simm.s32 @!p0 $0x4E00;
	s1 =	simm.s32 @p0 $0x4;
	[sflag:s31] =	ssyncadd.s32 @!p0 $0xFFFFF000  }
0xdf: {  	[spmem:s2] =	stream.indirect.scatter.add.f32 @!p0 [tilespmem:s26], [sflag:$0x3], $0x8, s0, s24, $0xb8;
	[tilespmem:$0x83C0] =	vst v63  }
0xe0: {  	_ =	swait.ge [sflag:s1], $0x1000  }
0xe1: {  	[sflag:s1] =	ssyncset.done $0x0  }
0xe2: {  	[sflag:s1] =	ssyncadd.s32 $0xFFFFF000  }
0xe3: {  	[bflag:$0x0] =	sbarrier.arrive $0xFFFF  }
0xe4: {  	s13 =	rddreg [dreg:$0x6]  }
0xe5: {  	[hbm:s13], [sflag:s5] =	dma.local [spmem:s6], $0x278  }
0xe6: {  	s13 =	sadd.s32 $0xFFFFFFFF, s14  }
0xe7: {  	p2 =	sne.s32 s13, $0x0  }
.Ltmp1:
0xe8: {  	_ = 	snop;
	(pc) =	sbr.rel @!p2 .LBB2_2-.Ltmp1, $4  }
0xe9: {  	_ = 	snop  }
0xea: {  	p1 =	por $0x1, $0x1  }
0xeb: {  	s20 =	simm.s32 $0x4800;
	s22 =	simm.s32 @p0 $0x4C00;
	s23 =	simm.s32 @p0 $0x200  }
0xec: {  	s16 =	simm.s32 $0x2400;
	s15 =	simm.s32 $0x4A00;
	_ =	swait.ge [sflag:s3], $0x278  }
.LBB2_3:
0xed: {  	[sflag:s3] =	ssyncset.done $0x0  }
0xee: {  	s14 =	rddreg [dreg:$0x3];
	[sflag:s3] =	ssyncadd.s32 $0xFFFFFD88  }
0xef: {  	[tilespmem:s17], [sflag:$0x3] =	stream.linear.gather [hbm4b:s14+s17], $0x2800, $0x38;
	[tilespmem:$0x83C0] =	vst v63  }
0xf0: {  	_ =	swait.ge [sflag:s3], $0x2800  }
0xf1: {  	[sflag:s3] =	ssyncset.done $0x0  }
0xf2: {  	s14 =	rddreg [dreg:$0x4];
	[sflag:s3] =	ssyncadd.s32 $0xFFFFD800  }
0xf3: {  	[tilespmem:s18], [sflag:$0x3] =	stream.linear.gather [hbm4b:s14+s17], $0x2800, $0x38;
	[tilespmem:$0x83C0] =	vst v63  }
0xf4: {  	_ =	swait.ge [sflag:s3], $0x2800  }
0xf5: {  	[sflag:s3] =	ssyncset.done $0x0  }
0xf6: {  	s14 =	rddreg [dreg:$0x5];
	[sflag:s3] =	ssyncadd.s32 $0xFFFFD800  }
0xf7: {  	[spmem:s6], [sflag:s5] =	dma.local [hbm:s14], $0x278  }
0xf8: {  	_ =	swait.ge [sflag:s3], $0x278  }
0xf9: {  	[sflag:s3] =	ssyncset.done $0x0  }
0xfa: {  	[sflag:s3] =	ssyncadd.s32 $0xFFFFFD88  }
0xfb: {  	[bflag:$0x0] =	sbarrier.arrive $0xFFFF  }
0xfc: {  	[tilespmem:s9], [sflag:$0x1] =	stream.indirect.gather [hbm4b:s4+s7], $0x8, s17, s7, $0xb8;
	[tilespmem:$0x83C0] =	vst v63  }
0xfd: {  	_ = 	snop  }
0xfe: {  	[tilespmem:s8], [sflag:$0x2] =	stream.indirect.gather [hbm4b:s4+s7], $0x8, s7, s7, $0xb8;
	[tilespmem:$0x83C0] =	vst v63  }
0xff: {  	_ =	swait.ge [sflag:s12], $0x1000  }
0x100: {  	[sflag:s12] =	ssyncset.done $0x0  }
0x101: {  	[sflag:s12] =	ssyncadd.s32 $0xFFFFF000  }
0x102: {  	[spmem:s2] =	stream.indirect.scatter.add.f32 [tilespmem:s9], [sflag:$0x4], $0x8, s18, s7, $0xb8;
	[tilespmem:$0x83C0] =	vst v63  }
0x103: {  	_ =	swait.ge [sflag:s11], $0x1000  }
0x104: {  	[sflag:s11] =	ssyncset.done $0x0  }
0x105: {  	s14 =	rddreg [dreg:$0x7];
	[sflag:s11] =	ssyncadd.s32 $0xFFFFF000  }
0x106: {  	[tilespmem:s9], [sflag:$0x1] =	stream.indirect.gather [hbm4b:s4+s7], $0x8, s14, s7, $0xb8;
	[tilespmem:$0x83C0] =	vst v63  }
0x107: {  	_ =	swait.ge [sflag:s10], $0x1000  }
0x108: {  	[sflag:s10] =	ssyncset.done $0x0  }
0x109: {  	s14 =	rddreg [dreg:$0x8];
	[sflag:s10] =	ssyncadd.s32 $0xFFFFF000  }
0x10a: {  	[spmem:s2] =	stream.indirect.scatter.add.f32 [tilespmem:s8], [sflag:$0x3], $0x8, s14, s7, $0xb8;
	[tilespmem:$0x83C0] =	vst v63  }
0x10b: {  	_ =	swait.ge [sflag:s3], $0x1000  }
0x10c: {  	[sflag:s3] =	ssyncset.done $0x0  }
0x10d: {  	s14 =	rddreg [dreg:$0x9];
	[sflag:s3] =	ssyncadd.s32 $0xFFFFF000  }
0x10e: {  	[tilespmem:s8], [sflag:$0x2] =	stream.indirect.gather [hbm4b:s4+s7], $0x8, s14, s7, $0xb8;
	[tilespmem:$0x83C0] =	vst v63  }
0x10f: {  	_ =	swait.ge [sflag:s12], $0x1000  }
0x110: {  	[sflag:s12] =	ssyncset.done $0x0  }
0x111: {  	s14 =	rddreg [dreg:$0xa];
	[sflag:s12] =	ssyncadd.s32 $0xFFFFF000  }
0x112: {  	[spmem:s2] =	stream.indirect.scatter.add.f32 [tilespmem:s9], [sflag:$0x4], $0x8, s14, s7, $0xb8;
	[tilespmem:$0x83C0] =	vst v63  }
0x113: {  	_ =	swait.ge [sflag:s11], $0x1000  }
0x114: {  	[sflag:s11] =	ssyncset.done $0x0  }
0x115: {  	s14 =	rddreg [dreg:$0xb];
	[sflag:s11] =	ssyncadd.s32 $0xFFFFF000  }
0x116: {  	[tilespmem:s9], [sflag:$0x1] =	stream.indirect.gather [hbm4b:s4+s7], $0x8, s14, s7, $0xb8;
	[tilespmem:$0x83C0] =	vst v63  }
0x117: {  	_ =	swait.ge [sflag:s10], $0x1000  }
0x118: {  	[sflag:s10] =	ssyncset.done $0x0  }
0x119: {  	s14 =	rddreg [dreg:$0xc];
	[sflag:s10] =	ssyncadd.s32 $0xFFFFF000  }
0x11a: {  	[spmem:s2] =	stream.indirect.scatter.add.f32 [tilespmem:s8], [sflag:$0x3], $0x8, s14, s7, $0xb8;
	[tilespmem:$0x83C0] =	vst v63  }
0x11b: {  	_ =	swait.ge [sflag:s3], $0x1000  }
0x11c: {  	[sflag:s3] =	ssyncset.done $0x0  }
0x11d: {  	s14 =	rddreg [dreg:$0xd];
	[sflag:s3] =	ssyncadd.s32 $0xFFFFF000  }
0x11e: {  	[tilespmem:s8], [sflag:$0x2] =	stream.indirect.gather [hbm4b:s4+s7], $0x8, s14, s7, $0xb8;
	[tilespmem:$0x83C0] =	vst v63  }
0x11f: {  	_ =	swait.ge [sflag:s12], $0x1000  }
0x120: {  	[sflag:s12] =	ssyncset.done $0x0  }
0x121: {  	s14 =	rddreg [dreg:$0xe];
	[sflag:s12] =	ssyncadd.s32 $0xFFFFF000  }
0x122: {  	[spmem:s2] =	stream.indirect.scatter.add.f32 [tilespmem:s9], [sflag:$0x4], $0x8, s14, s7, $0xb8;
	[tilespmem:$0x83C0] =	vst v63  }
0x123: {  	_ =	swait.ge [sflag:s11], $0x1000  }
0x124: {  	[sflag:s11] =	ssyncset.done $0x0  }
0x125: {  	s14 =	rddreg [dreg:$0xf];
	[sflag:s11] =	ssyncadd.s32 $0xFFFFF000  }
0x126: {  	[tilespmem:s9], [sflag:$0x1] =	stream.indirect.gather [hbm4b:s4+s7], $0x8, s14, s7, $0xb8;
	[tilespmem:$0x83C0] =	vst v63  }
0x127: {  	_ =	swait.ge [sflag:s10], $0x1000  }
0x128: {  	[sflag:s10] =	ssyncset.done $0x0  }
0x129: {  	s14 =	rddreg [dreg:$0x10];
	[sflag:s10] =	ssyncadd.s32 $0xFFFFF000  }
0x12a: {  	[spmem:s2] =	stream.indirect.scatter.add.f32 [tilespmem:s8], [sflag:$0x3], $0x8, s14, s7, $0xb8;
	[tilespmem:$0x83C0] =	vst v63  }
0x12b: {  	_ =	swait.ge [sflag:s3], $0x1000  }
0x12c: {  	[sflag:s3] =	ssyncset.done $0x0  }
0x12d: {  	s14 =	rddreg [dreg:$0x11];
	[sflag:s3] =	ssyncadd.s32 $0xFFFFF000  }
0x12e: {  	[tilespmem:s8], [sflag:$0x2] =	stream.indirect.gather [hbm4b:s4+s7], $0x8, s14, s7, $0xb8;
	[tilespmem:$0x83C0] =	vst v63  }
0x12f: {  	_ =	swait.ge [sflag:s12], $0x1000  }
0x130: {  	[sflag:s12] =	ssyncset.done $0x0  }
0x131: {  	s14 =	rddreg [dreg:$0x12];
	[sflag:s12] =	ssyncadd.s32 $0xFFFFF000  }
0x132: {  	[spmem:s2] =	stream.indirect.scatter.add.f32 [tilespmem:s9], [sflag:$0x4], $0x8, s14, s7, $0xb8;
	[tilespmem:$0x83C0] =	vst v63  }
0x133: {  	_ =	swait.ge [sflag:s11], $0x1000  }
0x134: {  	[sflag:s11] =	ssyncset.done $0x0  }
0x135: {  	s14 =	rddreg [dreg:$0x13];
	[sflag:s11] =	ssyncadd.s32 $0xFFFFF000  }
0x136: {  	[tilespmem:s9], [sflag:$0x1] =	stream.indirect.gather [hbm4b:s4+s7], $0x8, s14, s7, $0xb8;
	[tilespmem:$0x83C0] =	vst v63  }
0x137: {  	_ =	swait.ge [sflag:s10], $0x1000  }
0x138: {  	[sflag:s10] =	ssyncset.done $0x0  }
0x139: {  	s14 =	rddreg [dreg:$0x14];
	[sflag:s10] =	ssyncadd.s32 $0xFFFFF000  }
0x13a: {  	[spmem:s2] =	stream.indirect.scatter.add.f32 [tilespmem:s8], [sflag:$0x3], $0x8, s14, s7, $0xb8;
	[tilespmem:$0x83C0] =	vst v63  }
0x13b: {  	_ =	swait.ge [sflag:s3], $0x1000  }
0x13c: {  	[sflag:s3] =	ssyncset.done $0x0  }
0x13d: {  	s14 =	rddreg [dreg:$0x15];
	[sflag:s3] =	ssyncadd.s32 $0xFFFFF000  }
0x13e: {  	[tilespmem:s8], [sflag:$0x2] =	stream.indirect.gather [hbm4b:s4+s7], $0x8, s14, s7, $0xb8;
	[tilespmem:$0x83C0] =	vst v63  }
0x13f: {  	_ =	swait.ge [sflag:s12], $0x1000  }
0x140: {  	[sflag:s12] =	ssyncset.done $0x0  }
0x141: {  	s14 =	rddreg [dreg:$0x16];
	[sflag:s12] =	ssyncadd.s32 $0xFFFFF000  }
0x142: {  	[spmem:s2] =	stream.indirect.scatter.add.f32 [tilespmem:s9], [sflag:$0x4], $0x8, s14, s7, $0xb8;
	[tilespmem:$0x83C0] =	vst v63  }
0x143: {  	_ =	swait.ge [sflag:s11], $0x1000  }
0x144: {  	[sflag:s11] =	ssyncset.done $0x0  }
0x145: {  	s14 =	rddreg [dreg:$0x17];
	[sflag:s11] =	ssyncadd.s32 $0xFFFFF000  }
0x146: {  	[tilespmem:s9], [sflag:$0x1] =	stream.indirect.gather [hbm4b:s4+s7], $0x8, s14, s7, $0xb8;
	[tilespmem:$0x83C0] =	vst v63  }
0x147: {  	_ =	swait.ge [sflag:s10], $0x1000  }
0x148: {  	[sflag:s10] =	ssyncset.done $0x0  }
0x149: {  	s14 =	rddreg [dreg:$0x18];
	[sflag:s10] =	ssyncadd.s32 $0xFFFFF000  }
0x14a: {  	[spmem:s2] =	stream.indirect.scatter.add.f32 [tilespmem:s8], [sflag:$0x3], $0x8, s14, s7, $0xb8;
	[tilespmem:$0x83C0] =	vst v63  }
0x14b: {  	_ =	swait.ge [sflag:s3], $0x1000  }
0x14c: {  	[sflag:s3] =	ssyncset.done $0x0  }
0x14d: {  	s14 =	rddreg [dreg:$0x19];
	[sflag:s3] =	ssyncadd.s32 $0xFFFFF000  }
0x14e: {  	[tilespmem:s8], [sflag:$0x2] =	stream.indirect.gather [hbm4b:s4+s7], $0x8, s14, s7, $0xb8;
	[tilespmem:$0x83C0] =	vst v63  }
0x14f: {  	_ =	swait.ge [sflag:s12], $0x1000  }
0x150: {  	[sflag:s12] =	ssyncset.done $0x0  }
0x151: {  	s14 =	rddreg [dreg:$0x1a];
	[sflag:s12] =	ssyncadd.s32 $0xFFFFF000  }
0x152: {  	[spmem:s2] =	stream.indirect.scatter.add.f32 [tilespmem:s9], [sflag:$0x4], $0x8, s14, s7, $0xb8;
	[tilespmem:$0x83C0] =	vst v63  }
0x153: {  	_ =	swait.ge [sflag:s11], $0x1000  }
0x154: {  	[sflag:s11] =	ssyncset.done $0x0  }
0x155: {  	s14 =	rddreg [dreg:$0x1b];
	[sflag:s11] =	ssyncadd.s32 $0xFFFFF000  }
0x156: {  	[tilespmem:s9], [sflag:$0x1] =	stream.indirect.gather [hbm4b:s4+s7], $0x8, s14, s7, $0xb8;
	[tilespmem:$0x83C0] =	vst v63  }
0x157: {  	_ =	swait.ge [sflag:s10], $0x1000  }
0x158: {  	[sflag:s10] =	ssyncset.done $0x0  }
0x159: {  	s14 =	rddreg [dreg:$0x1c];
	[sflag:s10] =	ssyncadd.s32 $0xFFFFF000  }
0x15a: {  	[spmem:s2] =	stream.indirect.scatter.add.f32 [tilespmem:s8], [sflag:$0x3], $0x8, s14, s7, $0xb8;
	[tilespmem:$0x83C0] =	vst v63  }
0x15b: {  	_ =	swait.ge [sflag:s3], $0x1000  }
0x15c: {  	[sflag:s3] =	ssyncset.done $0x0  }
0x15d: {  	s14 =	rddreg [dreg:$0x1d];
	[sflag:s3] =	ssyncadd.s32 $0xFFFFF000  }
0x15e: {  	[tilespmem:s8], [sflag:$0x2] =	stream.indirect.gather [hbm4b:s4+s7], $0x8, s14, s7, $0xb8;
	[tilespmem:$0x83C0] =	vst v63  }
0x15f: {  	_ =	swait.ge [sflag:s12], $0x1000  }
0x160: {  	[sflag:s12] =	ssyncset.done $0x0  }
0x161: {  	s14 =	rddreg [dreg:$0x1e];
	[sflag:s12] =	ssyncadd.s32 $0xFFFFF000  }
0x162: {  	[spmem:s2] =	stream.indirect.scatter.add.f32 [tilespmem:s9], [sflag:$0x4], $0x8, s14, s7, $0xb8;
	[tilespmem:$0x83C0] =	vst v63  }
0x163: {  	_ =	swait.ge [sflag:s11], $0x1000  }
0x164: {  	[sflag:s11] =	ssyncset.done $0x0  }
0x165: {  	s14 =	rddreg [dreg:$0x1f];
	[sflag:s11] =	ssyncadd.s32 $0xFFFFF000  }
0x166: {  	[tilespmem:s9], [sflag:$0x1] =	stream.indirect.gather [hbm4b:s4+s7], $0x8, s14, s7, $0xb8;
	[tilespmem:$0x83C0] =	vst v63  }
0x167: {  	_ =	swait.ge [sflag:s10], $0x1000  }
0x168: {  	s14 =	sld [smem:$0x7F9]  }
0x169: {  	[sflag:s10] =	ssyncset.done $0x0  }
0x16a: {  	[sflag:s10] =	ssyncadd.s32 $0xFFFFF000  }
0x16b: {  	[spmem:s2] =	stream.indirect.scatter.add.f32 [tilespmem:s8], [sflag:$0x3], $0x8, s14, s7, $0xb8;
	[tilespmem:$0x83C0] =	vst v63  }
0x16c: {  	_ =	swait.ge [sflag:s3], $0x1000  }
0x16d: {  	s14 =	sld [smem:$0x7FA]  }
0x16e: {  	[sflag:s3] =	ssyncset.done $0x0  }
0x16f: {  	[sflag:s3] =	ssyncadd.s32 $0xFFFFF000  }
0x170: {  	[tilespmem:s8], [sflag:$0x2] =	stream.indirect.gather [hbm4b:s4+s7], $0x8, s14, s7, $0xb8;
	[tilespmem:$0x83C0] =	vst v63  }
0x171: {  	_ =	swait.ge [sflag:s12], $0x1000  }
0x172: {  	s14 =	sld [smem:$0x7FB]  }
0x173: {  	[sflag:s12] =	ssyncset.done $0x0  }
0x174: {  	[sflag:s12] =	ssyncadd.s32 $0xFFFFF000  }
0x175: {  	[spmem:s2] =	stream.indirect.scatter.add.f32 [tilespmem:s9], [sflag:$0x4], $0x8, s14, s7, $0xb8;
	[tilespmem:$0x83C0] =	vst v63  }
0x176: {  	_ =	swait.ge [sflag:s11], $0x1000  }
0x177: {  	s14 =	sld [smem:$0x7FC]  }
0x178: {  	[sflag:s11] =	ssyncset.done $0x0  }
0x179: {  	[sflag:s11] =	ssyncadd.s32 $0xFFFFF000  }
0x17a: {  	[tilespmem:s9], [sflag:$0x1] =	stream.indirect.gather [hbm4b:s4+s7], $0x8, s14, s7, $0xb8;
	[tilespmem:$0x83C0] =	vst v63  }
0x17b: {  	_ =	swait.ge [sflag:s10], $0x1000  }
0x17c: {  	s14 =	sld [smem:$0x7FD]  }
0x17d: {  	[sflag:s10] =	ssyncset.done $0x0  }
0x17e: {  	[sflag:s10] =	ssyncadd.s32 $0xFFFFF000  }
0x17f: {  	[spmem:s2] =	stream.indirect.scatter.add.f32 [tilespmem:s8], [sflag:$0x3], $0x8, s14, s7, $0xb8;
	[tilespmem:$0x83C0] =	vst v63  }
0x180: {  	_ =	swait.ge [sflag:s3], $0x1000  }
0x181: {  	[sflag:s3] =	ssyncset.done $0x0  }
0x182: {  	s14 =	simm.s32 $0x2200;
	[sflag:s3] =	ssyncadd.s32 $0xFFFFF000  }
0x183: {  	[tilespmem:s8], [sflag:$0x2] =	stream.indirect.gather [hbm4b:s4+s7], $0x8, s14, s7, $0xb8;
	[tilespmem:$0x83C0] =	vst v63  }
0x184: {  	_ =	swait.ge [sflag:s12], $0x1000  }
0x185: {  	[sflag:s12] =	ssyncset.done $0x0  }
0x186: {  	[sflag:s12] =	ssyncadd.s32 $0xFFFFF000  }
0x187: {  	[spmem:s2] =	stream.indirect.scatter.add.f32 [tilespmem:s9], [sflag:$0x4], $0x8, s20, s7, $0xb8;
	[tilespmem:$0x83C0] =	vst v63  }
0x188: {  	_ =	swait.ge [sflag:s11], $0x1000  }
0x189: {  	[sflag:s11] =	ssyncset.done $0x0  }
0x18a: {  	[sflag:s11] =	ssyncadd.s32 $0xFFFFF000  }
0x18b: {  	[tilespmem:s9], [sflag:$0x1] =	stream.indirect.gather [hbm4b:s4+s7], $0x8, s16, s7, $0xb8;
	[tilespmem:$0x83C0] =	vst v63  }
0x18c: {  	_ =	swait.ge [sflag:s10], $0x1000  }
0x18d: {  	[sflag:s10] =	ssyncset.done $0x0  }
0x18e: {  	[sflag:s10] =	ssyncadd.s32 $0xFFFFF000  }
0x18f: {  	[spmem:s2] =	stream.indirect.scatter.add.f32 [tilespmem:s8], [sflag:$0x3], $0x8, s15, s7, $0xb8;
	[tilespmem:$0x83C0] =	vst v63  }
0x190: {  	_ =	swait.ge [sflag:s3], $0x1000  }
0x191: {  	[sflag:s3] =	ssyncset.done $0x0  }
0x192: {  	[sflag:s3] =	ssyncadd.s32 $0xFFFFF000  }
0x193: {  	_ =	swait.ge @p0 [sflag:s19], $0x1000  }
0x194: {  	[sflag:s19] =	ssyncset.done @p0 $0x0  }
0x195: {  	s14 =	simm.s32 @p0 $0x5000;
	[sflag:s19] =	ssyncadd.s32 @p0 $0xFFFFF000  }
0x196: {  	[spmem:s2] =	stream.indirect.scatter.add.f32 @p0 [tilespmem:s14], [sflag:$0x4], $0x8, s22, s23, $0xb8;
	[tilespmem:$0x83C0] =	vst v63  }
0x197: {  	_ = 	snop  }
0x198: {  	[tilespmem:s26], [sflag:$0x2] =	stream.indirect.gather @!p0 [hbm4b:s4+s24], $0x8, s25, s24, $0xb8;
	[tilespmem:$0x83C0] =	vst v63  }
0x199: {  	_ =	swait.ge @!p0 [sflag:s21], $0x1000  }
0x19a: {  	[sflag:s21] =	ssyncset.done @!p0 $0x0  }
0x19b: {  	[sflag:s21] =	ssyncadd.s32 @!p0 $0xFFFFF000  }
0x19c: {  	[spmem:s2] =	stream.indirect.scatter.add.f32 @!p0 [tilespmem:s30], [sflag:$0x4], $0x8, s29, s24, $0xb8;
	[tilespmem:$0x83C0] =	vst v63  }
0x19d: {  	_ =	swait.ge @!p0 [sflag:s28], $0x1000  }
0x19e: {  	[sflag:s28] =	ssyncset.done @!p0 $0x0  }
0x19f: {  	[sflag:s28] =	ssyncadd.s32 @!p0 $0xFFFFF000  }
0x1a0: {  	_ =	swait.ge @!p0 [sflag:s31], $0x1000  }
0x1a1: {  	[sflag:s31] =	ssyncset.done @!p0 $0x0  }
0x1a2: {  	[sflag:s31] =	ssyncadd.s32 @!p0 $0xFFFFF000  }
0x1a3: {  	[spmem:s2] =	stream.indirect.scatter.add.f32 @!p0 [tilespmem:s26], [sflag:$0x3], $0x8, s0, s24, $0xb8;
	[tilespmem:$0x83C0] =	vst v63  }
0x1a4: {  	s13 =	sadd.s32 $0xFFFFFFFF, s13;
	_ =	swait.ge [sflag:s1], $0x1000  }
0x1a5: {  	p2 =	sne.s32 s13, $0x0;
	[sflag:s1] =	ssyncset.done $0x0  }
.Ltmp2:
0x1a6: {  	[sflag:s1] =	ssyncadd.s32 $0xFFFFF000;
	(pc) =	sbr.rel @p2 .LBB2_3-.Ltmp2, $4  }
0x1a7: {  	[bflag:$0x0] =	sbarrier.arrive $0xFFFF  }
0x1a8: {  	s14 =	rddreg [dreg:$0x6]  }
0x1a9: {  	[hbm:s14], [sflag:s5] =	dma.local [spmem:s6], $0x278  }
0x1aa: {  	_ =	swait.ge [sflag:s3], $0x278  }
0x1ab: {  	s13 =	stileid.u32;
	s14 =	rddreg [dreg:$0x2];
	s1 =	simm.s32 $0x4A00  }
0x1ac: {  	s15 =	simm.s32 $0x2400;
	s16 =	simm.s32 $0x4800;
	s19 =	simm.s32 $0x2200  }
.LBB2_5:
0x1ad: {  	[sflag:s3] =	ssyncset.done @p1 $0x0  }
0x1ae: {  	s0 =	rddreg [dreg:$0x3];
	[sflag:s3] =	ssyncadd.s32 @p1 $0xFFFFFD88  }
0x1af: {  	[tilespmem:s17], [sflag:$0x3] =	stream.linear.gather [hbm4b:s0+s17], $0x2800, $0x38;
	[tilespmem:$0x83C0] =	vst v63  }
0x1b0: {  	_ =	swait.ge [sflag:s3], $0x2800  }
0x1b1: {  	[sflag:s3] =	ssyncset.done $0x0  }
0x1b2: {  	s24 =	rddreg [dreg:$0x4];
	[sflag:s3] =	ssyncadd.s32 $0xFFFFD800  }
0x1b3: {  	[tilespmem:s18], [sflag:$0x3] =	stream.linear.gather [hbm4b:s24+s17], $0x2800, $0x38;
	[tilespmem:$0x83C0] =	vst v63  }
0x1b4: {  	_ =	swait.ge [sflag:s3], $0x2800  }
0x1b5: {  	[sflag:s3] =	ssyncset.done $0x0  }
0x1b6: {  	s25 =	rddreg [dreg:$0x5];
	[sflag:s3] =	ssyncadd.s32 $0xFFFFD800  }
0x1b7: {  	[spmem:s6], [sflag:s5] =	dma.local [hbm:s25], $0x278  }
0x1b8: {  	_ =	swait.ge [sflag:s3], $0x278  }
0x1b9: {  	[sflag:s3] =	ssyncset.done $0x0  }
0x1ba: {  	[sflag:s3] =	ssyncadd.s32 $0xFFFFFD88  }
0x1bb: {  	[bflag:$0x0] =	sbarrier.arrive $0xFFFF  }
0x1bc: {  	[tilespmem:s9], [sflag:$0x1] =	stream.indirect.gather [hbm4b:s4+s7], $0x8, s17, s7, $0xb8;
	[tilespmem:$0x83C0] =	vst v63  }
0x1bd: {  	_ = 	snop  }
0x1be: {  	[tilespmem:s8], [sflag:$0x2] =	stream.indirect.gather [hbm4b:s4+s7], $0x8, s7, s7, $0xb8;
	[tilespmem:$0x83C0] =	vst v63  }
0x1bf: {  	_ =	swait.ge [sflag:s12], $0x1000  }
0x1c0: {  	[sflag:s12] =	ssyncset.done $0x0  }
0x1c1: {  	[sflag:s12] =	ssyncadd.s32 $0xFFFFF000  }
0x1c2: {  	[spmem:s2] =	stream.indirect.scatter.add.f32 [tilespmem:s9], [sflag:$0x4], $0x8, s18, s7, $0xb8;
	[tilespmem:$0x83C0] =	vst v63  }
0x1c3: {  	_ =	swait.ge [sflag:s11], $0x1000  }
0x1c4: {  	[sflag:s11] =	ssyncset.done $0x0  }
0x1c5: {  	s26 =	rddreg [dreg:$0x7];
	[sflag:s11] =	ssyncadd.s32 $0xFFFFF000  }
0x1c6: {  	[tilespmem:s9], [sflag:$0x1] =	stream.indirect.gather [hbm4b:s4+s7], $0x8, s26, s7, $0xb8;
	[tilespmem:$0x83C0] =	vst v63  }
0x1c7: {  	_ =	swait.ge [sflag:s10], $0x1000  }
0x1c8: {  	[sflag:s10] =	ssyncset.done $0x0  }
0x1c9: {  	s28 =	rddreg [dreg:$0x8];
	[sflag:s10] =	ssyncadd.s32 $0xFFFFF000  }
0x1ca: {  	[spmem:s2] =	stream.indirect.scatter.add.f32 [tilespmem:s8], [sflag:$0x3], $0x8, s28, s7, $0xb8;
	[tilespmem:$0x83C0] =	vst v63  }
0x1cb: {  	_ =	swait.ge [sflag:s3], $0x1000  }
0x1cc: {  	[sflag:s3] =	ssyncset.done $0x0  }
0x1cd: {  	s29 =	rddreg [dreg:$0x9];
	[sflag:s3] =	ssyncadd.s32 $0xFFFFF000  }
0x1ce: {  	[tilespmem:s8], [sflag:$0x2] =	stream.indirect.gather [hbm4b:s4+s7], $0x8, s29, s7, $0xb8;
	[tilespmem:$0x83C0] =	vst v63  }
0x1cf: {  	_ =	swait.ge [sflag:s12], $0x1000  }
0x1d0: {  	[sflag:s12] =	ssyncset.done $0x0  }
0x1d1: {  	s30 =	rddreg [dreg:$0xa];
	[sflag:s12] =	ssyncadd.s32 $0xFFFFF000  }
0x1d2: {  	[spmem:s2] =	stream.indirect.scatter.add.f32 [tilespmem:s9], [sflag:$0x4], $0x8, s30, s7, $0xb8;
	[tilespmem:$0x83C0] =	vst v63  }
0x1d3: {  	_ =	swait.ge [sflag:s11], $0x1000  }
0x1d4: {  	[sflag:s11] =	ssyncset.done $0x0  }
0x1d5: {  	s31 =	rddreg [dreg:$0xb];
	[sflag:s11] =	ssyncadd.s32 $0xFFFFF000  }
0x1d6: {  	[tilespmem:s9], [sflag:$0x1] =	stream.indirect.gather [hbm4b:s4+s7], $0x8, s31, s7, $0xb8;
	[tilespmem:$0x83C0] =	vst v63  }
0x1d7: {  	_ =	swait.ge [sflag:s10], $0x1000  }
0x1d8: {  	[sflag:s10] =	ssyncset.done $0x0  }
0x1d9: {  	s17 =	rddreg [dreg:$0xc];
	[sflag:s10] =	ssyncadd.s32 $0xFFFFF000  }
0x1da: {  	[spmem:s2] =	stream.indirect.scatter.add.f32 [tilespmem:s8], [sflag:$0x3], $0x8, s17, s7, $0xb8;
	[tilespmem:$0x83C0] =	vst v63  }
0x1db: {  	_ =	swait.ge [sflag:s3], $0x1000  }
0x1dc: {  	[sflag:s3] =	ssyncset.done $0x0  }
0x1dd: {  	s18 =	rddreg [dreg:$0xd];
	[sflag:s3] =	ssyncadd.s32 $0xFFFFF000  }
0x1de: {  	[tilespmem:s8], [sflag:$0x2] =	stream.indirect.gather [hbm4b:s4+s7], $0x8, s18, s7, $0xb8;
	[tilespmem:$0x83C0] =	vst v63  }
0x1df: {  	_ =	swait.ge [sflag:s12], $0x1000  }
0x1e0: {  	[sflag:s12] =	ssyncset.done $0x0  }
0x1e1: {  	s20 =	rddreg [dreg:$0xe];
	[sflag:s12] =	ssyncadd.s32 $0xFFFFF000  }
0x1e2: {  	[spmem:s2] =	stream.indirect.scatter.add.f32 [tilespmem:s9], [sflag:$0x4], $0x8, s20, s7, $0xb8;
	[tilespmem:$0x83C0] =	vst v63  }
0x1e3: {  	_ =	swait.ge [sflag:s11], $0x1000  }
0x1e4: {  	[sflag:s11] =	ssyncset.done $0x0  }
0x1e5: {  	s21 =	rddreg [dreg:$0xf];
	[sflag:s11] =	ssyncadd.s32 $0xFFFFF000  }
0x1e6: {  	[tilespmem:s9], [sflag:$0x1] =	stream.indirect.gather [hbm4b:s4+s7], $0x8, s21, s7, $0xb8;
	[tilespmem:$0x83C0] =	vst v63  }
0x1e7: {  	_ =	swait.ge [sflag:s10], $0x1000  }
0x1e8: {  	[sflag:s10] =	ssyncset.done $0x0  }
0x1e9: {  	s22 =	rddreg [dreg:$0x10];
	[sflag:s10] =	ssyncadd.s32 $0xFFFFF000  }
0x1ea: {  	[spmem:s2] =	stream.indirect.scatter.add.f32 [tilespmem:s8], [sflag:$0x3], $0x8, s22, s7, $0xb8;
	[tilespmem:$0x83C0] =	vst v63  }
0x1eb: {  	_ =	swait.ge [sflag:s3], $0x1000  }
0x1ec: {  	[sflag:s3] =	ssyncset.done $0x0  }
0x1ed: {  	s23 =	rddreg [dreg:$0x11];
	[sflag:s3] =	ssyncadd.s32 $0xFFFFF000  }
0x1ee: {  	[tilespmem:s8], [sflag:$0x2] =	stream.indirect.gather [hbm4b:s4+s7], $0x8, s23, s7, $0xb8;
	[tilespmem:$0x83C0] =	vst v63  }
0x1ef: {  	_ =	swait.ge [sflag:s12], $0x1000  }
0x1f0: {  	[sflag:s12] =	ssyncset.done $0x0  }
0x1f1: {  	s24 =	rddreg [dreg:$0x12];
	[sflag:s12] =	ssyncadd.s32 $0xFFFFF000  }
0x1f2: {  	[spmem:s2] =	stream.indirect.scatter.add.f32 [tilespmem:s9], [sflag:$0x4], $0x8, s24, s7, $0xb8;
	[tilespmem:$0x83C0] =	vst v63  }
0x1f3: {  	_ =	swait.ge [sflag:s11], $0x1000  }
0x1f4: {  	[sflag:s11] =	ssyncset.done $0x0  }
0x1f5: {  	s25 =	rddreg [dreg:$0x13];
	[sflag:s11] =	ssyncadd.s32 $0xFFFFF000  }
0x1f6: {  	[tilespmem:s9], [sflag:$0x1] =	stream.indirect.gather [hbm4b:s4+s7], $0x8, s25, s7, $0xb8;
	[tilespmem:$0x83C0] =	vst v63  }
0x1f7: {  	_ =	swait.ge [sflag:s10], $0x1000  }
0x1f8: {  	[sflag:s10] =	ssyncset.done $0x0  }
0x1f9: {  	s26 =	rddreg [dreg:$0x14];
	[sflag:s10] =	ssyncadd.s32 $0xFFFFF000  }
0x1fa: {  	[spmem:s2] =	stream.indirect.scatter.add.f32 [tilespmem:s8], [sflag:$0x3], $0x8, s26, s7, $0xb8;
	[tilespmem:$0x83C0] =	vst v63  }
0x1fb: {  	_ =	swait.ge [sflag:s3], $0x1000  }
0x1fc: {  	[sflag:s3] =	ssyncset.done $0x0  }
0x1fd: {  	s28 =	rddreg [dreg:$0x15];
	[sflag:s3] =	ssyncadd.s32 $0xFFFFF000  }
0x1fe: {  	[tilespmem:s8], [sflag:$0x2] =	stream.indirect.gather [hbm4b:s4+s7], $0x8, s28, s7, $0xb8;
	[tilespmem:$0x83C0] =	vst v63  }
0x1ff: {  	_ =	swait.ge [sflag:s12], $0x1000  }
0x200: {  	[sflag:s12] =	ssyncset.done $0x0  }
0x201: {  	s29 =	rddreg [dreg:$0x16];
	[sflag:s12] =	ssyncadd.s32 $0xFFFFF000  }
0x202: {  	[spmem:s2] =	stream.indirect.scatter.add.f32 [tilespmem:s9], [sflag:$0x4], $0x8, s29, s7, $0xb8;
	[tilespmem:$0x83C0] =	vst v63  }
0x203: {  	_ =	swait.ge [sflag:s11], $0x1000  }
0x204: {  	[sflag:s11] =	ssyncset.done $0x0  }
0x205: {  	s30 =	rddreg [dreg:$0x17];
	[sflag:s11] =	ssyncadd.s32 $0xFFFFF000  }
0x206: {  	[tilespmem:s9], [sflag:$0x1] =	stream.indirect.gather [hbm4b:s4+s7], $0x8, s30, s7, $0xb8;
	[tilespmem:$0x83C0] =	vst v63  }
0x207: {  	_ =	swait.ge [sflag:s10], $0x1000  }
0x208: {  	[sflag:s10] =	ssyncset.done $0x0  }
0x209: {  	s31 =	rddreg [dreg:$0x18];
	[sflag:s10] =	ssyncadd.s32 $0xFFFFF000  }
0x20a: {  	[spmem:s2] =	stream.indirect.scatter.add.f32 [tilespmem:s8], [sflag:$0x3], $0x8, s31, s7, $0xb8;
	[tilespmem:$0x83C0] =	vst v63  }
0x20b: {  	_ =	swait.ge [sflag:s3], $0x1000  }
0x20c: {  	[sflag:s3] =	ssyncset.done $0x0  }
0x20d: {  	s17 =	rddreg [dreg:$0x19];
	[sflag:s3] =	ssyncadd.s32 $0xFFFFF000  }
0x20e: {  	[tilespmem:s8], [sflag:$0x2] =	stream.indirect.gather [hbm4b:s4+s7], $0x8, s17, s7, $0xb8;
	[tilespmem:$0x83C0] =	vst v63  }
0x20f: {  	_ =	swait.ge [sflag:s12], $0x1000  }
0x210: {  	[sflag:s12] =	ssyncset.done $0x0  }
0x211: {  	s18 =	rddreg [dreg:$0x1a];
	[sflag:s12] =	ssyncadd.s32 $0xFFFFF000  }
0x212: {  	[spmem:s2] =	stream.indirect.scatter.add.f32 [tilespmem:s9], [sflag:$0x4], $0x8, s18, s7, $0xb8;
	[tilespmem:$0x83C0] =	vst v63  }
0x213: {  	_ =	swait.ge [sflag:s11], $0x1000  }
0x214: {  	[sflag:s11] =	ssyncset.done $0x0  }
0x215: {  	s20 =	rddreg [dreg:$0x1b];
	[sflag:s11] =	ssyncadd.s32 $0xFFFFF000  }
0x216: {  	[tilespmem:s9], [sflag:$0x1] =	stream.indirect.gather [hbm4b:s4+s7], $0x8, s20, s7, $0xb8;
	[tilespmem:$0x83C0] =	vst v63  }
0x217: {  	_ =	swait.ge [sflag:s10], $0x1000  }
0x218: {  	[sflag:s10] =	ssyncset.done $0x0  }
0x219: {  	s21 =	rddreg [dreg:$0x1c];
	[sflag:s10] =	ssyncadd.s32 $0xFFFFF000  }
0x21a: {  	[spmem:s2] =	stream.indirect.scatter.add.f32 [tilespmem:s8], [sflag:$0x3], $0x8, s21, s7, $0xb8;
	[tilespmem:$0x83C0] =	vst v63  }
0x21b: {  	_ =	swait.ge [sflag:s3], $0x1000  }
0x21c: {  	[sflag:s3] =	ssyncset.done $0x0  }
0x21d: {  	s22 =	rddreg [dreg:$0x1d];
	[sflag:s3] =	ssyncadd.s32 $0xFFFFF000  }
0x21e: {  	[tilespmem:s8], [sflag:$0x2] =	stream.indirect.gather [hbm4b:s4+s7], $0x8, s22, s7, $0xb8;
	[tilespmem:$0x83C0] =	vst v63  }
0x21f: {  	_ =	swait.ge [sflag:s12], $0x1000  }
0x220: {  	[sflag:s12] =	ssyncset.done $0x0  }
0x221: {  	s23 =	rddreg [dreg:$0x1e];
	[sflag:s12] =	ssyncadd.s32 $0xFFFFF000  }
0x222: {  	[spmem:s2] =	stream.indirect.scatter.add.f32 [tilespmem:s9], [sflag:$0x4], $0x8, s23, s7, $0xb8;
	[tilespmem:$0x83C0] =	vst v63  }
0x223: {  	_ =	swait.ge [sflag:s11], $0x1000  }
0x224: {  	[sflag:s11] =	ssyncset.done $0x0  }
0x225: {  	s24 =	rddreg [dreg:$0x1f];
	[sflag:s11] =	ssyncadd.s32 $0xFFFFF000  }
0x226: {  	[tilespmem:s9], [sflag:$0x1] =	stream.indirect.gather [hbm4b:s4+s7], $0x8, s24, s7, $0xb8;
	[tilespmem:$0x83C0] =	vst v63  }
0x227: {  	_ =	swait.ge [sflag:s10], $0x1000  }
0x228: {  	s25 =	sld [smem:$0x7F9]  }
0x229: {  	[sflag:s10] =	ssyncset.done $0x0  }
0x22a: {  	[sflag:s10] =	ssyncadd.s32 $0xFFFFF000  }
0x22b: {  	[spmem:s2] =	stream.indirect.scatter.add.f32 [tilespmem:s8], [sflag:$0x3], $0x8, s25, s7, $0xb8;
	[tilespmem:$0x83C0] =	vst v63  }
0x22c: {  	_ =	swait.ge [sflag:s3], $0x1000  }
0x22d: {  	s26 =	sld [smem:$0x7FA]  }
0x22e: {  	[sflag:s3] =	ssyncset.done $0x0  }
0x22f: {  	[sflag:s3] =	ssyncadd.s32 $0xFFFFF000  }
0x230: {  	[tilespmem:s8], [sflag:$0x2] =	stream.indirect.gather [hbm4b:s4+s7], $0x8, s26, s7, $0xb8;
	[tilespmem:$0x83C0] =	vst v63  }
0x231: {  	_ =	swait.ge [sflag:s12], $0x1000  }
0x232: {  	s28 =	sld [smem:$0x7FB]  }
0x233: {  	[sflag:s12] =	ssyncset.done $0x0  }
0x234: {  	[sflag:s12] =	ssyncadd.s32 $0xFFFFF000  }
0x235: {  	[spmem:s2] =	stream.indirect.scatter.add.f32 [tilespmem:s9], [sflag:$0x4], $0x8, s28, s7, $0xb8;
	[tilespmem:$0x83C0] =	vst v63  }
0x236: {  	_ =	swait.ge [sflag:s11], $0x1000  }
0x237: {  	s29 =	sld [smem:$0x7FC]  }
0x238: {  	[sflag:s11] =	ssyncset.done $0x0  }
0x239: {  	[sflag:s11] =	ssyncadd.s32 $0xFFFFF000  }
0x23a: {  	[tilespmem:s9], [sflag:$0x1] =	stream.indirect.gather [hbm4b:s4+s7], $0x8, s29, s7, $0xb8;
	[tilespmem:$0x83C0] =	vst v63  }
0x23b: {  	_ =	swait.ge [sflag:s10], $0x1000  }
0x23c: {  	s30 =	sld [smem:$0x7FD]  }
0x23d: {  	[sflag:s10] =	ssyncset.done $0x0  }
0x23e: {  	[sflag:s10] =	ssyncadd.s32 $0xFFFFF000  }
0x23f: {  	[spmem:s2] =	stream.indirect.scatter.add.f32 [tilespmem:s8], [sflag:$0x3], $0x8, s30, s7, $0xb8;
	[tilespmem:$0x83C0] =	vst v63  }
0x240: {  	_ =	swait.ge [sflag:s3], $0x1000  }
0x241: {  	[sflag:s3] =	ssyncset.done $0x0  }
0x242: {  	[sflag:s3] =	ssyncadd.s32 $0xFFFFF000  }
0x243: {  	[tilespmem:s8], [sflag:$0x2] =	stream.indirect.gather [hbm4b:s4+s7], $0x8, s19, s7, $0xb8;
	[tilespmem:$0x83C0] =	vst v63  }
0x244: {  	_ =	swait.ge [sflag:s12], $0x1000  }
0x245: {  	[sflag:s12] =	ssyncset.done $0x0  }
0x246: {  	[sflag:s12] =	ssyncadd.s32 $0xFFFFF000  }
0x247: {  	[spmem:s2] =	stream.indirect.scatter.add.f32 [tilespmem:s9], [sflag:$0x4], $0x8, s16, s7, $0xb8;
	[tilespmem:$0x83C0] =	vst v63  }
0x248: {  	_ =	swait.ge [sflag:s11], $0x1000  }
0x249: {  	[sflag:s11] =	ssyncset.done $0x0  }
0x24a: {  	[sflag:s11] =	ssyncadd.s32 $0xFFFFF000  }
0x24b: {  	[tilespmem:s9], [sflag:$0x1] =	stream.indirect.gather [hbm4b:s4+s7], $0x8, s15, s7, $0xb8;
	[tilespmem:$0x83C0] =	vst v63  }
0x24c: {  	_ =	swait.ge [sflag:s10], $0x1000  }
0x24d: {  	[sflag:s10] =	ssyncset.done $0x0  }
0x24e: {  	[sflag:s10] =	ssyncadd.s32 $0xFFFFF000  }
0x24f: {  	[spmem:s2] =	stream.indirect.scatter.add.f32 [tilespmem:s8], [sflag:$0x3], $0x8, s1, s7, $0xb8;
	[tilespmem:$0x83C0] =	vst v63  }
0x250: {  	_ =	swait.ge [sflag:s3], $0x1000  }
0x251: {  	[sflag:s3] =	ssyncset.done $0x0  }
0x252: {  	s0 =	simm.s32 @p0 $0x1;
	[sflag:s3] =	ssyncadd.s32 $0xFFFFF000  }
0x253: {  	_ =	swait.ge @p0 [sflag:s0], $0x1000  }
0x254: {  	s9 =	simm.s32 @p0 $0x4C00;
	s1 =	simm.s32 @p0 $0x5000;
	[sflag:s0] =	ssyncset.done @p0 $0x0  }
0x255: {  	s7 =	simm.s32 @!p0 $0x1;
	s8 =	simm.s32 @p0 $0x200;
	[sflag:s0] =	ssyncadd.s32 @p0 $0xFFFFF000  }
0x256: {  	[spmem:s2] =	stream.indirect.scatter.add.f32 @p0 [tilespmem:s1], [sflag:$0x4], $0x8, s9, s8, $0xb8;
	[tilespmem:$0x83C0] =	vst v63  }
0x257: {  	s0 =	simm.s32 @!p0 $0x200;
	s1 =	simm.s32 @!p0 $0x2600;
	s8 =	simm.s32 @!p0 $0x6000  }
0x258: {  	[tilespmem:s8], [sflag:$0x2] =	stream.indirect.gather @!p0 [hbm4b:s4+s0], $0x8, s1, s0, $0xb8;
	[tilespmem:$0x83C0] =	vst v63  }
0x259: {  	_ =	swait.ge @!p0 [sflag:s7], $0x1000  }
0x25a: {  	s9 =	simm.s32 @!p0 $0x5000;
	[sflag:s7] =	ssyncset.done @!p0 $0x0  }
0x25b: {  	s1 =	simm.s32 @!p0 $0x4;
	s4 =	simm.s32 @!p0 $0x4C00;
	[sflag:s7] =	ssyncadd.s32 @!p0 $0xFFFFF000  }
0x25c: {  	[spmem:s2] =	stream.indirect.scatter.add.f32 @!p0 [tilespmem:s9], [sflag:$0x4], $0x8, s4, s0, $0xb8;
	[tilespmem:$0x83C0] =	vst v63  }
0x25d: {  	_ =	swait.ge @!p0 [sflag:s1], $0x1000  }
0x25e: {  	[sflag:s1] =	ssyncset.done @!p0 $0x0  }
0x25f: {  	s4 =	simm.s32 @!p0 $0x2;
	[sflag:s1] =	ssyncadd.s32 @!p0 $0xFFFFF000  }
0x260: {  	_ =	swait.ge @!p0 [sflag:s4], $0x1000  }
0x261: {  	s1 =	simm.s32 @!p0 $0x3;
	[sflag:s4] =	ssyncset.done @!p0 $0x0  }
0x262: {  	s7 =	simm.s32 @!p0 $0x4E00;
	s1 =	simm.s32 @p0 $0x4;
	[sflag:s4] =	ssyncadd.s32 @!p0 $0xFFFFF000  }
0x263: {  	[spmem:s2] =	stream.indirect.scatter.add.f32 @!p0 [tilespmem:s8], [sflag:$0x3], $0x8, s7, s0, $0xb8;
	[tilespmem:$0x83C0] =	vst v63  }
0x264: {  	_ =	swait.ge [sflag:s1], $0x1000  }
0x265: {  	[sflag:s1] =	ssyncset.done $0x0  }
0x266: {  	[sflag:s1] =	ssyncadd.s32 $0xFFFFF000  }
0x267: {  	[bflag:$0x0] =	sbarrier.arrive $0xFFFF  }
0x268: {  	s31 =	rddreg [dreg:$0x6]  }
0x269: {  	[hbm:s31], [sflag:s5] =	dma.local [spmem:s6], $0x278  }
0x26a: {  	_ =	swait.ge [sflag:s3], $0x278  }
0x26b: {  	[sflag:s3] =	ssyncset.done $0x0  }
0x26c: {  	[sflag:s3] =	ssyncadd.s32 $0xFFFFFD88  }
0x26d: {  	_ =	sfence.sel $0x180000  }
0x26e: {  	[bflag:$0x0] =	sbarrier.arrive $0xFFFF  }
0x26f: {  	p0 =	sne.s32 s13, $0x0;
	_ =	strace $0x9000004D  }
0x270: {  	s0 =	sadd.s32 @!p0 $0x100000, s14;
	[bflag:$0x2] =	sbarrier.arrive $0xFFFF  }
0x271: {  	[sflag:s0] =	ssyncadd.tile.s32 @!p0 $0x1;
	_ =	shalt  }
.LBB2_2:
.Ltmp3:
0x272: {  	(pc) =	sbr.rel .LBB2_5-.Ltmp3, $3  }
0x273: {  	_ =	sdelay $0x1  }
0x274: {  	s13 =	stileid.u32;
	s14 =	rddreg [dreg:$0x2];
	s1 =	simm.s32 $0x4A00  }
0x275: {  	s15 =	simm.s32 $0x2400;
	s16 =	simm.s32 $0x4800;
	s19 =	simm.s32 $0x2200  }
.Lfunc_end2:
_tile_overlayer_lowered:
.L_overlay_start_2:
0x276: {  	(tag) =	ssettag $0x2  }
0x277: {  	s0 =	rddreg [dreg:$0x0];
	s2 =	stileid.u32  }
0x278: {  	s1 =	rddreg [dreg:$0x1];
	p0 =	sne.s32 s2, $0x0  }
0x279: {  	s3 =	rddreg [dreg:$0x2];
	[bflag:$0x3] =	sbarrier.arrive $0xFFFF;
	s2 =	simm.s32 @!p0 $0x1C03  }
0x27a: {  	[timem:s3], [sflag:s2] =	dma.local @!p0 [hbm:s0], s1  }
0x27b: {  	s0 =	simm.s32 @!p0 $0x3  }
0x27c: {  	_ =	swait.ge @!p0 [sflag:s0], s1  }
0x27d: {  	s1 =	ssub.s32 @!p0 $0x0, s1;
	[sflag:s0] =	ssyncset.done @!p0 $0x0  }
0x27e: {  	[sflag:s0] =	ssyncadd.s32 @!p0 s1  }
0x27f: {  	[bflag:$0x3] =	sbarrier.arrive $0xFFFF  }
0x280: {  	_ =	shalt  }

// kernel: kernel.8.cloned.1.call-start
scs
__scs_entry_jumppad:
0x0: {  	(pc) =	sbr.rel $0x88, $3  }
0x1: {  	(tag) =	ssettag $0x0;
	lr =	simm.s32 $0x1  }
0x2: {  	[smem:$0x3F9B] =	sst lr;
	_ =	strace $0xD0000000  }
0x3: {  	_ = 	snop  }
0x4: {  	_ = 	snop  }
0x5: {  	_ = 	snop  }
0x6: {  	_ = 	snop  }
0x7: {  	_ = 	snop  }
__scs_overlays_trampoline_lowered:
0x8: {  	[smem:$0x3FAA] =	sst s0  }
0x9: {  	[smem:$0x3FAB] =	sst s1  }
0xa: {  	[smem:$0x3FAC] =	sst s2  }
0xb: {  	[smem:$0x3FAD] =	sst s3  }
0xc: {  	[smem:$0x3FAE] =	sst s4  }
0xd: {  	[smem:$0x3FAF] =	sst s5  }
0xe: {  	[smem:$0x3FB0] =	sst s6  }
0xf: {  	[smem:$0x3FB1] =	sst s7  }
0x10: {  	[smem:$0x3FB2] =	sst s8  }
0x11: {  	[smem:$0x3FB3] =	sst s9;
	s0 =	simm.s32 @!p0 $0x0  }
0x12: {  	s1 =	sld [smem:$0x3F99];
	s0 =	simm.s32 @p0 $0x1  }
0x13: {  	[smem:$0x3FB4] =	sst s0;
	s0 =	simm.s32 @!p1 $0x0  }
0x14: {  	s2 =	sld [smem:$0x3F98];
	s0 =	simm.s32 @p1 $0x1  }
0x15: {  	[smem:$0x3FB5] =	sst s0;
	s0 =	simm.s32 @!p2 $0x0  }
0x16: {  	s3 =	sld [smem:$0x3FDB];
	s0 =	simm.s32 @p2 $0x1  }
0x17: {  	s4 =	simm.s32 $0x1BF5;
	[smem:$0x3FB7] =	sst s0  }
0x18: {  	s0 =	sld [smem:$0x3F9A];
	_ =	swait.ge [sflag:s4], $0x0  }
0x19: {  	s7 =	sld [smem:$0x3F9B]  }
0x1a: {  	s8 =	sadd.s32 $0xFFFFE003, lr  }
0x1b: {  	s9 =	sadd.s32 $0xFFFFFEF7, lr;
	s5 =	simm.s32 $0xFFFFFFFF;
	p2 =	slt.u32 s8, $0xFFFFF086  }
0x1c: {  	p1 =	slt.u32 s9, $0xF7A;
	s5 =	simm.s32 @!p2 $0x0  }
0x1d: {  	s5 =	simm.s32 @p1 $0x1;
	p0 =	seq.s32 s7, s2  }
0x1e: {  	s7 =	smul.u32 @!p0 $0xF7A, s2;
	p2 =	seq.s32 @!p0 s5, $0x0  }
0x1f: {  	s9 =	smul.u32 $0xF7A, s1;
	s8 =	simm.s32 @!p0 $0x1BF5;
	p2 =	por !p2, p0  }
0x20: {  	[sflag:s8] =	ssyncset.s32 @!p0 $0xFFFFF086;
	s6 =	sadd.s32 @!p0 s3, s7;
	s7 =	simm.s32 @!p0 $0x108  }
0x21: {  	s3 =	sadd.s32 s3, s9;
	s6 =	sadd.s32 @!p0 $0x88, s6;
	s7 =	simm.s32 @p2 $0x1082  }
0x22: {  	[simem:s7], [sflag:s8] =	dma.local @!p0 [hbm:s6], $0xF7A  }
0x23: {  	s9 =	sor.u32 $0xD0000000, s2;
	s6 =	simm.s32 $0x108;
	_ =	swait.ge @!p0 [sflag:s8], $0x0  }
0x24: {  	s3 =	sadd.s32 $0x88, s3;
	s6 =	simm.s32 @!p1 $0x1082;
	[sflag:s4] =	ssyncset.s32 $0xFFFFF086  }
0x25: {  	[simem:s6], [sflag:s4] =	dma.local [hbm:s3], $0xF7A  }
0x26: {  	[smem:$0x3F9B] =	sst s1;
	(tag) =	ssettag s2;
	_ =	strace s9  }
0x27: {  	s1 =	sld [smem:$0x3FAB]  }
0x28: {  	s2 =	sld [smem:$0x3FAC]  }
0x29: {  	s4 =	sld [smem:$0x3FAE]  }
0x2a: {  	p0 =	seq.s32 s5, $0x0;
	s5 =	sld [smem:$0x3FAF]  }
0x2b: {  	s6 =	sld [smem:$0x3FB0]  }
0x2c: {  	s7 =	sld [smem:$0x3FB1]  }
0x2d: {  	s3 =	simm.s32 $0x108;
	s8 =	sld [smem:$0x3FB2]  }
0x2e: {  	s3 =	simm.s32 @!p0 $0x1082;
	s9 =	sld [smem:$0x3FB3]  }
0x2f: {  	lr =	sadd.s32 s0, s3;
	s0 =	sld [smem:$0x3FAA]  }
0x30: {  	s3 =	sld [smem:$0x3FAD]  }
0x31: {  	[smem:$0x3FB6] =	sst s10  }
0x32: {  	s10 =	sld [smem:$0x3FB4];
	_ =	sdelay $0x3  }
0x33: {  	p0 =	seq.s32 s10, $0x1;
	s10 =	sld [smem:$0x3FB6];
	_ =	sdelay $0x3  }
0x34: {  	[smem:$0x3FB6] =	sst s10  }
0x35: {  	s10 =	sld [smem:$0x3FB5];
	_ =	sdelay $0x3  }
0x36: {  	p1 =	seq.s32 s10, $0x1;
	s10 =	sld [smem:$0x3FB6];
	_ =	sdelay $0x3  }
0x37: {  	[smem:$0x3FB6] =	sst s10  }
0x38: {  	s10 =	sld [smem:$0x3FB7]  }
0x39: {  	_ = 	snop;
	(pc) =	sbr.ind lr, $3  }
0x3a: {  	_ = 	snop  }
0x3b: {  	_ = 	snop  }
0x3c: {  	p2 =	seq.s32 s10, $0x1;
	s10 =	sld [smem:$0x3FB6]  }
0x3d: {  	_ =	shalt  }
0x3e: {  	_ =	shalt  }
0x3f: {  	_ =	shalt  }
0x40: {  	_ =	shalt  }
0x41: {  	_ =	shalt  }
0x42: {  	_ =	shalt  }
0x43: {  	_ =	shalt  }
0x44: {  	_ =	shalt  }
0x45: {  	_ =	shalt  }
0x46: {  	_ =	shalt  }
0x47: {  	_ =	shalt  }
0x48: {  	_ =	shalt  }
0x49: {  	_ =	shalt  }
0x4a: {  	_ =	shalt  }
0x4b: {  	_ =	shalt  }
0x4c: {  	_ =	shalt  }
0x4d: {  	_ =	shalt  }
0x4e: {  	_ =	shalt  }
0x4f: {  	_ =	shalt  }
0x50: {  	_ =	shalt  }
0x51: {  	_ =	shalt  }
0x52: {  	_ =	shalt  }
0x53: {  	_ =	shalt  }
0x54: {  	_ =	shalt  }
0x55: {  	_ =	shalt  }
0x56: {  	_ =	shalt  }
0x57: {  	_ =	shalt  }
0x58: {  	_ =	shalt  }
0x59: {  	_ =	shalt  }
0x5a: {  	_ =	shalt  }
0x5b: {  	_ =	shalt  }
0x5c: {  	_ =	shalt  }
0x5d: {  	_ =	shalt  }
0x5e: {  	_ =	shalt  }
0x5f: {  	_ =	shalt  }
0x60: {  	_ =	shalt  }
0x61: {  	_ =	shalt  }
0x62: {  	_ =	shalt  }
0x63: {  	_ =	shalt  }
0x64: {  	_ =	shalt  }
0x65: {  	_ =	shalt  }
0x66: {  	_ =	shalt  }
0x67: {  	_ =	shalt  }
0x68: {  	_ =	shalt  }
0x69: {  	_ =	shalt  }
0x6a: {  	_ =	shalt  }
0x6b: {  	_ =	shalt  }
0x6c: {  	_ =	shalt  }
0x6d: {  	_ =	shalt  }
0x6e: {  	_ =	shalt  }
0x6f: {  	_ =	shalt  }
0x70: {  	_ =	shalt  }
0x71: {  	_ =	shalt  }
0x72: {  	_ =	shalt  }
0x73: {  	_ =	shalt  }
0x74: {  	_ =	shalt  }
0x75: {  	_ =	shalt  }
0x76: {  	_ =	shalt  }
0x77: {  	_ =	shalt  }
0x78: {  	_ =	shalt  }
0x79: {  	_ =	shalt  }
0x7a: {  	_ =	shalt  }
0x7b: {  	_ =	shalt  }
0x7c: {  	_ =	shalt  }
0x7d: {  	_ =	shalt  }
0x7e: {  	_ =	shalt  }
0x7f: {  	_ =	shalt  }
0x80: {  	_ =	shalt  }
0x81: {  	_ =	shalt  }
0x82: {  	_ =	shalt  }
0x83: {  	_ =	shalt  }
0x84: {  	_ =	shalt  }
0x85: {  	_ =	shalt  }
0x86: {  	_ =	shalt  }
0x87: {  	_ =	shalt  }
.Lfunc_end0:
.L_simem_size_0:
called_computation_lowered:
.L_overlay_start_0:
0x88: {  	s2 =	sld [smem:$0x3FD9]  }
0x89: {  	s3 =	sld [smem:$0x3FFE];
	_ =	sdelay $0x1  }
0x8a: {  	s1 =	srdreg.scid  }
0x8b: {  	s0 =	sand.u32 $0x1, s1  }
0x8c: {  	s17 =	sshll.u32 s0, $0xA;
	s2 =	sadd.s32 s3, s2  }
0x8d: {  	s2 =	sadd.s32 s2, s17  }
0x8e: {  	[smem:$0x3FC2] =	sst s2  }
0x8f: {  	_ = 	snop  }
0x90: {  	s2 =	sld [smem:$0x3FD0];
	(tm) =	ssettm $0x1  }
0x91: {  	s18 =	sld [smem:$0x3FFB];
	_ =	sdelay $0x3  }
0x92: {  	_ =	strace s18  }
0x93: {  	s3 =	sld [smem:$0x3FFC];
	_ =	sdelay $0x3  }
0x94: {  	_ =	strace s3  }
0x95: {  	s3 =	sld [smem:$0x3FFD];
	_ =	sdelay $0x3  }
0x96: {  	_ =	strace s3  }
0x97: {  	_ =	strace $0x8FFFFFFF  }
0x98: {  	s19 =	sld [smem:$0x3FDB];
	_ =	sdelay $0x1  }
0x99: {  	s4 =	simm.s32 $_scs_section_size  }
0x9a: {  	s5 =	simm.s32 $_size__tile_overlayer_lowered;
	s6 =	simm.s32 $_tile_overlayer_lowered  }
0x9b: {  	s22 =	simm.s32 $0x1BFF;
	s21 =	sshll.u32 s6, $0x1;
	s3 =	sadd.s32 s4, s19  }
0x9c: {  	s7 =	simm.s32 $0x0;
	s20 =	sshll.u32 s5, $0x1;
	s5 =	sadd.s32 s21, s3  }
0x9d: {  	[timem:s7], [sflag:s22] =	dma.local [hbm:s5], s20  }
0x9e: {  	_ =	swait.ge [sflag:s22], s20  }
0x9f: {  	s4 =	ssub.s32 $0x0, s20;
	[sflag:s22] =	ssyncset.done $0x0  }
0xa0: {  	[sflag:s22] =	ssyncadd.s32 s4;
	_ =	sdelay $0x1  }
0xa1: {  	s23 =	simm.s32 $0x1B8B  }
0xa2: {  	_ =	swait.ge [sflag:s23], $0x1  }
0xa3: {  	[sflag:s23] =	ssyncset.done $0x0  }
0xa4: {  	s25 =	simm.s32 $0x1B8E;
	s24 =	sld [smem:$0x3FFE];
	[sflag:s23] =	ssyncadd.s32 $0xFFFFFFFF  }
0xa5: {  	s26 =	simm.s32 $execute0_lowered;
	[smem:$0x3FD2] =	sst s25  }
0xa6: {  	s5 =	sshll.u32 s26, $0x1;
	_ =	strace $0x80000046;
	[dreg:$0x1] =	wrdreg $0xFFFFFFFF  }
0xa7: {  	s28 =	simm.s32 $_size_execute0_lowered;
	s3 =	sadd.s32 s3, s5;
	[dreg:$0x0] =	wrdreg $0x0  }
0xa8: {  	s5 =	sshll.u32 s28, $0x1;
	[dreg:$0x2] =	wrdreg s3  }
0xa9: {  	[dreg:$0x3] =	wrdreg s5  }
0xaa: {  	[dreg:$0x4] =	wrdreg $0xC0  }
0xab: {  	_ =	task [dreg:s7], $0x5FFFF  }
0xac: {  	[dreg:$0x1] =	wrdreg $0xFFFFFFFF  }
0xad: {  	[dreg:$0x0] =	wrdreg $0x60  }
0xae: {  	[dreg:$0x2] =	wrdreg s24  }
0xaf: {  	[dreg:$0x3] =	wrdreg s2  }
0xb0: {  	[dreg:$0x4] =	wrdreg $0x70000  }
0xb1: {  	[dreg:$0x5] =	wrdreg $0x9  }
0xb2: {  	_ =	task.clear_ibuf [dreg:s7], $0x6FFFF;
	_ =	strace $0x90000046  }
0xb3: {  	s29 =	simm.s32 $0x9;
	_ =	strace $0x80000048  }
0xb4: {  	_ =	swait.ge [sflag:s29], $0x1  }
0xb5: {  	[sflag:s29] =	ssyncadd.s32 $0xFFFFFFFF  }
0xb6: {  	_ =	strace $0x90000048  }
0xb7: {  	_ =	sfence  }
0xb8: {  	s30 =	sld [smem:$0x0];
	_ =	sdelay $0x2  }
0xb9: {  	s31 =	sshll.u32 s1, $0xD;
	s1 =	sshrl.u32 s1, $0x2  }
0xba: {  	s3 =	sand.u32 $0x4000, s31;
	s1 =	sadd.s32 s1, s30  }
0xbb: {  	s0 =	sor.u32 s3, s0;
	s1 =	sshll.u32 s1, $0x11  }
0xbc: {  	s0 =	sor.u32 s1, s0  }
0xbd: {  	s0 =	sadd.s32 $0x8F2B, s0  }
0xbe: {  	[sflag:s0] =	ssyncadd.remote.s32 $0x1  }
0xbf: {  	_ =	sfence.sel $0xFFFF  }
0xc0: {  	[dreg:$0x0] =	wrdreg $0xFFFFFFFF;
	(pc) =	sbr.abs _section_cstart, $3  }
0xc1: {  	[dreg:$0x1] =	wrdreg $0xFFFFFFFF  }
0xc2: {  	_ =	task.clear_ibuf [dreg:s7], $0x2FFFF;
	_ =	strace $0x9FFFFFFF  }
0xc3: {  	(tm) =	ssettm $0x7FFFFFFF  }
tec
execute0_lowered:
.L_overlay_start_1:
0x0: {  	(tag) =	ssettag $0x1  }
0x1: {  	s7 =	rddreg [dreg:$0x0]  }
0x2: {  	s2 =	rddreg [dreg:$0x1]  }
0x3: {  	s3 =	rddreg [dreg:$0x2]  }
0x4: {  	s0 =	rddreg [dreg:$0x3]  }
0x5: {  	s4 =	simm.s32 $0x0;
	s1 =	stileid.u32;
	s5 =	srdreg.scid  }
0x6: {  	s15 =	simm.s32 $0x6000;
	s18 =	simm.s32 $0x1;
	s19 =	simm.s32 $0x0  }
0x7: {  	[smem:$0x7FF] =	sst s4;
	s9 =	smul.u32 $0x13C0, s1;
	s6 =	sand.u32 $0x1, s5  }
0x8: {  	s10 =	sshll.u32 s1, $0x1;
	s5 =	sadd.s32 $0x1600, s7;
	s16 =	sshll.u32 s1, $0x6  }
0x9: {  	_ =	strace $0x80000047;
	s8 =	smul.u32 $0x13C00, s6;
	s10 =	sor.u32 s6, s10  }
0xa: {  	s13 =	ssub.s32 $0x2, s6;
	s6 =	simm.s32 $0x14;
	s16 =	sor.u32 $0x1C02, s16  }
0xb: {  	s11 =	sshrl.u32 s9, $0x3;
	s12 =	smul.u32 $0x13, s10;
	s26 =	smax.u32 s10, $0xF  }
0xc: {  	s28 =	sshrl.u32 s13, $0x1;
	p0 =	sgt.u32 s10, $0xE;
	s17 =	sadd.s32 s9, s3  }
0xd: {  	s11 =	sadd.s32 s11, s7;
	s8 =	sadd.s32 s9, s8;
	s30 =	ssub.s32 s13, s28  }
0xe: {  	s6 =	simm.s32 @!p0 $0x13;
	s13 =	simm.s32 $0x2800;
	s17 =	sshrl.u32 s17, $0x3  }
0xf: {  	s8 =	sshrl.u32 s8, $0x3;
	s12 =	sadd.s32 s12, s26;
	s9 =	sadd.s32 $0x15400, s11  }
0x10: {  	s11 =	smax.u32 s30, $0x1;
	s14 =	sadd.s32 s8, s7;
	s29 =	sshll.u32 s12, $0x6  }
0x11: {  	s12 =	simm.s32 $0x2;
	s31 =	sadd.s32 s7, s29;
	s10 =	sadd.s32 $0x17C00, s14  }
0x12: {  	s14 =	simm.s32 $0x5000;
	s7 =	sadd.s32 $0xB240, s31;
	s8 =	sadd.s32 $0x1440, s31  }
.LBB2_1:
0x13: {  	[tilespmem:s4], [sflag:$0x2] =	stream.linear.gather [hbm4b:s7+s4], $0x2800, $0x38;
	[tilespmem:$0x83C0] =	vst v63  }
0x14: {  	_ =	swait.ge [sflag:s12], $0x2800  }
0x15: {  	[sflag:s12] =	ssyncset.done $0x0  }
0x16: {  	[sflag:s12] =	ssyncadd.s32 $0xFFFFD800  }
0x17: {  	[tilespmem:s13], [sflag:$0x2] =	stream.linear.gather [hbm4b:s8+s4], $0x2800, $0x38;
	[tilespmem:$0x83C0] =	vst v63  }
0x18: {  	_ =	swait.ge [sflag:s12], $0x2800  }
0x19: {  	[sflag:s12] =	ssyncset.done $0x0  }
0x1a: {  	[sflag:s12] =	ssyncadd.s32 $0xFFFFD800  }
0x1b: {  	[tilespmem:s14], [sflag:$0x2] =	stream.linear.gather [hbm4b:s2+s4], $0x1000, $0x38;
	[tilespmem:$0x83C0] =	vst v63  }
0x1c: {  	_ =	swait.ge [sflag:s12], $0x1000  }
0x1d: {  	[sflag:s12] =	ssyncset.done $0x0  }
0x1e: {  	[sflag:s12] =	ssyncadd.s32 $0xFFFFF000  }
0x1f: {  	[tilespmem:s15], [sflag:$0x2] =	stream.linear.gather [hbm4b:s5+s4], $0x1000, $0x38;
	[tilespmem:$0x83C0] =	vst v63  }
0x20: {  	_ =	swait.ge [sflag:s12], $0x1000  }
0x21: {  	[sflag:s12] =	ssyncset.done $0x0  }
0x22: {  	[sflag:s12] =	ssyncadd.s32 $0xFFFFF000  }
0x23: {  	[spmem:s17], [sflag:s16] =	dma.local [hbm:s9], $0x278  }
0x24: {  	_ =	swait.ge [sflag:s12], $0x278  }
0x25: {  	[sflag:s12] =	ssyncset.done $0x0  }
0x26: {  	[sflag:s12] =	ssyncadd.s32 $0xFFFFFD88  }
0x27: {  	s21 =	simm.s32 $0x200;
	[bflag:$0x0] =	sbarrier.arrive $0xFFFF  }
0x28: {  	[spmem:s3] =	stream.indirect.scatter.add.f32 [tilespmem:s14], [sflag:$0x1], $0x8, s4, s21, $0xb8;
	[tilespmem:$0x83C0] =	vst v63  }
0x29: {  	p0 =	sle.u32 s6, $0x1  }
0x2a: {  	[spmem:s3] =	stream.indirect.scatter.add.f32 [tilespmem:s15], [sflag:$0x1], $0x8, s13, s21, $0xb8;
	[tilespmem:$0x83C0] =	vst v63  }
0x2b: {  	s22 =	simm.s32 @!p0 $0x200;
	s23 =	simm.s32 @!p0 $0x5000;
	s20 =	simm.s32 @!p0 $0x1  }
0x2c: {  	[spmem:s3] =	stream.indirect.scatter.add.f32 @!p0 [tilespmem:s23], [sflag:$0x1], $0x8, s21, s22, $0xb8;
	[tilespmem:$0x83C0] =	vst v63  }
0x2d: {  	_ =	swait.ge @!p0 [sflag:s20], $0x1000  }
0x2e: {  	[sflag:s20] =	ssyncset.done @!p0 $0x0;
	p0 =	por p0, p0  }
0x2f: {  	s21 =	simm.s32 $0x2A00;
	[sflag:s20] =	ssyncadd.s32 @!p0 $0xFFFFF000;
	s23 =	simm.s32 @!p0 $0x6000  }
0x30: {  	[spmem:s3] =	stream.indirect.scatter.add.f32 @!p0 [tilespmem:s23], [sflag:$0x1], $0x8, s21, s22, $0xb8;
	[tilespmem:$0x83C0] =	vst v63  }
0x31: {  	p1 =	sle.u32 s6, $0x2;
	s23 =	simm.s32 $0x3  }
0x32: {  	s21 =	simm.s32 $0x2C00;
	s22 =	simm.s32 $0x400;
	_ =	swait.ge @!p0 [sflag:s20], $0x1000  }
.LBB2_2:
0x33: {  	s24 =	simm.s32 @!p1 $0x200;
	s25 =	simm.s32 @!p1 $0x5000;
	[sflag:s20] =	ssyncset.done @!p0 $0x0  }
0x34: {  	s26 =	smov.u32 s23;
	s28 =	smov.u32 s21;
	s23 =	sadd.s32 $0x1, s23  }
0x35: {  	[sflag:s20] =	ssyncadd.s32 @!p0 $0xFFFFF000;
	s20 =	simm.s32 @!p1 $0x1;
	p2 =	sne.s32 s23, $0x14  }
0x36: {  	[spmem:s3] =	stream.indirect.scatter.add.f32 @!p1 [tilespmem:s25], [sflag:$0x1], $0x8, s22, s24, $0xb8;
	[tilespmem:$0x83C0] =	vst v63  }
.Ltmp0:
0x37: {  	_ =	swait.ge @!p1 [sflag:s20], $0x1000;
	(pc) =	sbr.rel @p2 .LBB2_2-.Ltmp0, $4  }
0x38: {  	p0 =	por p1, p1;
	[sflag:s20] =	ssyncset.done @!p1 $0x0  }
0x39: {  	s21 =	sadd.s32 $0x200, s21;
	s25 =	simm.s32 @!p0 $0x6000;
	[sflag:s20] =	ssyncadd.s32 @!p0 $0xFFFFF000  }
0x3a: {  	[spmem:s3] =	stream.indirect.scatter.add.f32 @!p0 [tilespmem:s25], [sflag:$0x1], $0x8, s28, s24, $0xb8;
	[tilespmem:$0x83C0] =	vst v63  }
0x3b: {  	s22 =	sadd.s32 $0x200, s22;
	p1 =	sge.u32 s26, s6;
	_ =	swait.ge @!p0 [sflag:s20], $0x1000  }
0x3c: {  	s23 =	simm.s32 @!p1 $0x200;
	[sflag:s20] =	ssyncset.done @!p0 $0x0  }
0x3d: {  	s24 =	simm.s32 @!p1 $0x5000;
	s25 =	simm.s32 @!p1 $0x1;
	[sflag:s20] =	ssyncadd.s32 @!p0 $0xFFFFF000  }
0x3e: {  	[spmem:s3] =	stream.indirect.scatter.add.f32 @!p1 [tilespmem:s24], [sflag:$0x1], $0x8, s22, s23, $0xb8;
	[tilespmem:$0x83C0] =	vst v63  }
0x3f: {  	_ =	swait.ge @!p1 [sflag:s25], $0x1000  }
0x40: {  	p0 =	por p1, p1;
	[sflag:s25] =	ssyncset.done @!p1 $0x0  }
0x41: {  	s20 =	simm.s32 @!p0 $0x6000;
	[sflag:s25] =	ssyncadd.s32 @!p0 $0xFFFFF000  }
0x42: {  	[spmem:s3] =	stream.indirect.scatter.add.f32 @!p0 [tilespmem:s20], [sflag:$0x1], $0x8, s21, s23, $0xb8;
	[tilespmem:$0x83C0] =	vst v63  }
0x43: {  	_ =	swait.ge @!p0 [sflag:s25], $0x1000  }
0x44: {  	[sflag:s25] =	ssyncset.done @!p0 $0x0  }
0x45: {  	[sflag:s25] =	ssyncadd.s32 @!p0 $0xFFFFF000  }
0x46: {  	_ =	swait.ge [sflag:s18], $0x1000  }
0x47: {  	[sflag:s18] =	ssyncset.done $0x0  }
0x48: {  	[sflag:s18] =	ssyncadd.s32 $0xFFFFF000  }
0x49: {  	_ =	swait.ge [sflag:s18], $0x1000  }
0x4a: {  	s19 =	sadd.s32 $0x1, s19;
	[sflag:s18] =	ssyncset.done $0x0  }
0x4b: {  	p0 =	sne.s32 s19, s11;
	[sflag:s18] =	ssyncadd.s32 $0xFFFFF000  }
.Ltmp1:
0x4c: {  	[bflag:$0x0] =	sbarrier.arrive $0xFFFF;
	(pc) =	sbr.rel @p0 .LBB2_1-.Ltmp1, $4  }
0x4d: {  	[hbm:s10], [sflag:s16] =	dma.local [spmem:s17], $0x278  }
0x4e: {  	_ =	swait.ge [sflag:s12], $0x278  }
0x4f: {  	[sflag:s12] =	ssyncset.done $0x0  }
0x50: {  	[sflag:s12] =	ssyncadd.s32 $0xFFFFFD88  }
0x51: {  	_ =	sfence.sel $0x180000  }
0x52: {  	[bflag:$0x0] =	sbarrier.arrive $0xFFFF  }
0x53: {  	p0 =	sne.s32 s1, $0x0;
	_ =	strace $0x90000047  }
0x54: {  	s0 =	sadd.s32 @!p0 $0x100000, s0;
	[bflag:$0x2] =	sbarrier.arrive $0xFFFF  }
0x55: {  	[sflag:s0] =	ssyncadd.tile.s32 @!p0 $0x1;
	_ =	shalt  }
.Lfunc_end2:
_tile_overlayer_lowered:
.L_overlay_start_2:
0x56: {  	(tag) =	ssettag $0x2  }
0x57: {  	s0 =	rddreg [dreg:$0x0];
	s2 =	stileid.u32  }
0x58: {  	s1 =	rddreg [dreg:$0x1];
	p0 =	sne.s32 s2, $0x0  }
0x59: {  	s3 =	rddreg [dreg:$0x2];
	[bflag:$0x3] =	sbarrier.arrive $0xFFFF;
	s2 =	simm.s32 @!p0 $0x1C02  }
0x5a: {  	[timem:s3], [sflag:s2] =	dma.local @!p0 [hbm:s0], s1  }
0x5b: {  	s0 =	simm.s32 @!p0 $0x2  }
0x5c: {  	_ =	swait.ge @!p0 [sflag:s0], s1  }
0x5d: {  	s1 =	ssub.s32 @!p0 $0x0, s1;
	[sflag:s0] =	ssyncset.done @!p0 $0x0  }
0x5e: {  	[sflag:s0] =	ssyncadd.s32 @!p0 s1  }
0x5f: {  	[bflag:$0x3] =	sbarrier.arrive $0xFFFF  }
0x60: {  	_ =	shalt  }

</sc_bundles>
